<compile_context>
chip_gen: v7x
topology: tpu7x:2x2x1
jax: 0.10.2.dev20260603
libtpu: 0.0.44.dev20260713+nightly
codegen_flags: <defaults>
</compile_context>

<pallas_src>
import jax
import jax.numpy as jnp
from jax import lax
from jax.experimental import pallas as pl
from jax.experimental.pallas import tpu as pltpu
from jax.experimental.pallas import tpu_sc as plsc

BATCH = 16384
FEAT = 64
LANES = 16
BLK = 128
NUM_CORES = 2
NUM_SUBCORES = 16
NW = NUM_CORES * NUM_SUBCORES
B_PER_W = BATCH // NW
FVECS = FEAT // LANES
NBUF = 8
N_DG = B_PER_W // 16


def _center_loss_kernel(eT_hbm, lab_hbm, cT_hbm, out_hbm,
                        lab_v, eT_v, blk_v, acc_v,
                        sem_lab, sem_emb, sem_blk):
    cid = lax.axis_index("c")
    sid = lax.axis_index("s")
    wid = sid * NUM_CORES + cid
    base = wid * B_PER_W

    lab_copy = pltpu.async_copy(lab_hbm.at[pl.ds(base, B_PER_W)],
                                lab_v.at[pl.ds(0, B_PER_W)], sem_lab)
    emb_copy = pltpu.async_copy(eT_hbm.at[:, pl.ds(base, B_PER_W)], eT_v,
                                sem_emb)
    lab_copy.wait()

    iota = lax.iota(jnp.int32, LANES)

    def fire(slot, lab_scalar):
        col = pl.multiple_of(jnp.bitwise_and(lab_scalar, jnp.int32(-BLK)),
                             BLK)
        pltpu.async_copy(cT_hbm.at[:, pl.ds(col, BLK)], blk_v.at[slot],
                         sem_blk.at[slot])

    labs0 = lab_v[pl.ds(0, 16)]
    for k in range(NBUF):
        fire(k, labs0[k])
    emb_copy.wait()

    def dgroup(g, accs):
        accs = list(accs)
        labs = lab_v[pl.ds(g * 16, 16)]
        nlabs = lab_v[pl.ds((g + 1) * 16, 16)]
        for k in range(16):
            slot = k % NBUF
            item = g * 16 + k
            pltpu.make_async_copy(cT_hbm.at[:, pl.ds(0, BLK)],
                                  blk_v.at[slot], sem_blk.at[slot]).wait()
            lane_vec = jnp.broadcast_to(
                jnp.bitwise_and(labs[k], jnp.int32(BLK - 1)), (LANES,))
            item_vec = jnp.broadcast_to(jnp.int32(0) + item, (LANES,))
            for c in range(FVECS):
                rows = iota + (c * LANES)
                cv = plsc.load_gather(blk_v.at[slot], [rows, lane_vec])
                ev = plsc.load_gather(eT_v, [rows, item_vec])
                d = ev - cv
                accs[c] = accs[c] + d * d
            if k < NBUF:
                fire(slot, labs[k + NBUF])
            else:

                @pl.when(g < N_DG - 1)
                def _():
                    fire(slot, nlabs[k - NBUF])
        return tuple(accs)

    zero = jnp.zeros((LANES,), jnp.float32)
    accs = lax.fori_loop(0, N_DG, dgroup, (zero,) * FVECS)
    total = (accs[0] + accs[1]) + (accs[2] + accs[3])

    acc_v[...] = total * (1.0 / BATCH)
    pltpu.sync_copy(acc_v, out_hbm.at[cid, sid])


@jax.jit
def kernel(embeddings, labels, centers):
    labels = labels.astype(jnp.int32)
    eT = embeddings.T
    cT = centers.T
    mesh = plsc.VectorSubcoreMesh(core_axis_name="c", subcore_axis_name="s")
    out = pl.kernel(
        _center_loss_kernel,
        mesh=mesh,
        compiler_params=pltpu.CompilerParams(needs_layout_passes=False),
        out_type=jax.ShapeDtypeStruct((NUM_CORES, NUM_SUBCORES, LANES),
                                      jnp.float32),
        scratch_types=[
            pltpu.VMEM((B_PER_W + 16,), jnp.int32),
            pltpu.VMEM((FEAT, B_PER_W), jnp.float32),
            pltpu.VMEM((NBUF, FEAT, BLK), jnp.float32),
            pltpu.VMEM((LANES,), jnp.float32),
            pltpu.SemaphoreType.DMA,
            pltpu.SemaphoreType.DMA,
            pltpu.SemaphoreType.DMA((NBUF,)),
        ],
    )(eT, labels, cT)
    return jnp.sum(out)

# --- scband reference (transcript-rebuilt; emitter-appended) ---
"""Pipeline reference for scband-center-loss-25804163514692 (READ-ONLY COPY).

The authoritative reference and input builder live on the scoring server;
editing this copy changes nothing except your own understanding.
"""

import jax, jax.numpy as jnp
import numpy as np

NUM_CLASSES = 1000000
FEAT_DIM = 64
BATCH = 16384

def setup_inputs(seed: int = 0) -> dict:
    key = jax.random.key(seed)
    k1, k2, k3 = jax.random.split(key, 3)
    embeddings = jax.random.normal(k1, (BATCH, FEAT_DIM), dtype=jnp.float32)
    labels = jax.random.randint(k2, (BATCH,), 0, NUM_CLASSES, dtype=jnp.int64)
    centers = jax.random.normal(k3, (NUM_CLASSES, FEAT_DIM), dtype=jnp.float32)
    return {"embeddings": embeddings, "labels": labels, "centers": centers}

def reference(embeddings, labels, centers):
    # gather center rows for each label (SparseCore gather)
    centers_batch = jnp.take(centers, labels, axis=0)
    diff = embeddings - centers_batch
    loss = jnp.sum(diff * diff, axis=1).mean()
    return loss

if __name__ == "__main__":
    import jax
    _d = setup_inputs()
    print(jax.jit(kernel)(*tuple(_d.values())))

</pallas_src>

<mosaic_0001>
#map = affine_map<(d0, d1) -> (0, 0)>
#map1 = affine_map<(d0, d1) -> (0)>
#map2 = affine_map<(d0, d1) -> (0, 0, 0)>
module attributes {stable_mosaic.version = 14 : i64} {
  func.func @_center_loss_kernel(%arg0: i32, %arg1: i32, %arg2: memref<64x16384xf32, #tpu.memory_space<hbm>>, %arg3: memref<16384xi32, #tpu.memory_space<hbm>>, %arg4: memref<64x1000000xf32, #tpu.memory_space<hbm>>, %arg5: memref<2x16x16xf32, #tpu.memory_space<hbm>>, %arg6: memref<528xi32, #tpu.memory_space<vmem>>, %arg7: memref<64x512xf32, #tpu.memory_space<vmem>>, %arg8: memref<8x64x128xf32, #tpu.memory_space<vmem>>, %arg9: memref<16xf32, #tpu.memory_space<vmem>>, %arg10: memref<!tpu.dma_semaphore, #tpu.memory_space<semaphore_mem>>, %arg11: memref<!tpu.dma_semaphore, #tpu.memory_space<semaphore_mem>>, %arg12: memref<8x!tpu.dma_semaphore, #tpu.memory_space<semaphore_mem>>) attributes {dimension_semantics = [#tpu.dimension_semantics<core_parallel>, #tpu.dimension_semantics<subcore_parallel>], iteration_bounds = array<i64: 2, 16>, scalar_prefetch = 0 : i64, scratch_operands = 7 : i64, tpu.core_type = #tpu.core_type<sc_vector_subcore>, window_params = [{transform_indices = #map}, {transform_indices = #map1}, {transform_indices = #map}, {transform_indices = #map2}]} {
    %mul3A = arith.constant 2 : i32
    %mul3A_0 = arith.muli %arg1, %mul3A : i32
    %add3A = arith.addi %mul3A_0, %arg0 : i32
    %mul3A_1 = arith.constant 512 : i32
    %mul3A_2 = arith.muli %add3A, %mul3A_1 : i32
    %dma_start3A = arith.constant 0 : i32
    %dma_start3A_3 = tpu.memref_slice %arg6[%dma_start3A] : memref<528xi32, #tpu.memory_space<vmem>> -> memref<512xi32, #tpu.memory_space<vmem>>
    %dma_start3A_4 = tpu.memref_slice %arg3[%mul3A_2] : memref<16384xi32, #tpu.memory_space<hbm>> -> memref<512xi32, #tpu.memory_space<hbm>>
    %dma_start3A_5 = arith.constant 0 : i32
    %dma_start3A_6 = tpu.memref_slice %arg6[%dma_start3A_5] : memref<528xi32, #tpu.memory_space<vmem>> -> memref<512xi32, #tpu.memory_space<vmem>>
    %dma_start3A_7 = tpu.memref_slice %arg3[%mul3A_2] : memref<16384xi32, #tpu.memory_space<hbm>> -> memref<512xi32, #tpu.memory_space<hbm>>
    tpu.enqueue_dma source(%dma_start3A_7 : memref<512xi32, #tpu.memory_space<hbm>>) target(%dma_start3A_6 : memref<512xi32, #tpu.memory_space<vmem>>) target_semaphore(%arg10 : memref<!tpu.dma_semaphore, #tpu.memory_space<semaphore_mem>>)
    %dma_start3A_8 = arith.constant 0 : i32
    %dma_start3A_9 = tpu.memref_slice %arg2[%dma_start3A_8, %mul3A_2] : memref<64x16384xf32, #tpu.memory_space<hbm>> -> memref<64x512xf32, #tpu.memory_space<hbm>>
    %dma_start3A_10 = arith.constant 0 : i32
    %dma_start3A_11 = tpu.memref_slice %arg2[%dma_start3A_10, %mul3A_2] : memref<64x16384xf32, #tpu.memory_space<hbm>> -> memref<64x512xf32, #tpu.memory_space<hbm>>
    tpu.enqueue_dma source(%dma_start3A_11 : memref<64x512xf32, #tpu.memory_space<hbm>>) target(%arg7 : memref<64x512xf32, #tpu.memory_space<vmem>>) target_semaphore(%arg11 : memref<!tpu.dma_semaphore, #tpu.memory_space<semaphore_mem>>)
    %dma_wait3A = arith.constant 0 : i32
    %dma_wait3A_12 = tpu.memref_slice %arg6[%dma_wait3A] : memref<528xi32, #tpu.memory_space<vmem>> -> memref<512xi32, #tpu.memory_space<vmem>>
    %dma_wait3A_13 = tpu.memref_slice %arg3[%mul3A_2] : memref<16384xi32, #tpu.memory_space<hbm>> -> memref<512xi32, #tpu.memory_space<hbm>>
    %dma_wait3A_14 = arith.constant 0 : i32
    %dma_wait3A_15 = tpu.memref_slice %arg6[%dma_wait3A_14] : memref<528xi32, #tpu.memory_space<vmem>> -> memref<512xi32, #tpu.memory_space<vmem>>
    %dma_wait3A_16 = tpu.memref_slice %arg3[%mul3A_2] : memref<16384xi32, #tpu.memory_space<hbm>> -> memref<512xi32, #tpu.memory_space<hbm>>
    tpu.wait_dma2 semaphore(%arg10 : memref<!tpu.dma_semaphore, #tpu.memory_space<semaphore_mem>>) src(%dma_wait3A_16 : memref<512xi32, #tpu.memory_space<hbm>>) dst(%dma_wait3A_15 : memref<512xi32, #tpu.memory_space<vmem>>)
    %iota3A = tpu.iota {dimensions = array<i32: 0>} : vector<16xi32>
    %get3A = arith.constant 0 : index
    %get3A_17 = tpu.vector_load %arg6[%get3A] {strides = array<i32>} : memref<528xi32, #tpu.memory_space<vmem>>, vector<16xi32>,
    %slice3A = vector.extract_strided_slice %get3A_17 {offsets = [0], sizes = [1], strides = [1]} : vector<16xi32> to vector<1xi32>
    %squeeze3A = vector.extract %slice3A[0] : i32 from vector<1xi32>
    %and3A = arith.constant -128 : i32
    %and3A_18 = arith.andi %squeeze3A, %and3A : i32
    %multiple_of3A = tpu.assume_multiple %and3A_18, 128 : i32
    %dma_start3A_19 = arith.constant 0 : i32
    %dma_start3A_20 = arith.constant 0 : i32
    %dma_start3A_21 = arith.constant 0 : i32
    %dma_start3A_22 = arith.constant 0 : i32
    %dma_start3A_23 = tpu.memref_slice %arg8[%dma_start3A_19, %dma_start3A_21, %dma_start3A_22] : memref<8x64x128xf32, #tpu.memory_space<vmem>> -> memref<1x64x128xf32, #tpu.memory_space<vmem>>
    %dma_start3A_24 = tpu.memref_squeeze %dma_start3A_23 : memref<1x64x128xf32, #tpu.memory_space<vmem>> -> memref<64x128xf32, #tpu.memory_space<vmem>>
    %dma_start3A_25 = arith.constant 0 : i32
    %dma_start3A_26 = tpu.memref_slice %arg4[%dma_start3A_25, %multiple_of3A] : memref<64x1000000xf32, #tpu.memory_space<hbm>> -> memref<64x128xf32, #tpu.memory_space<hbm>>
    %dma_start3A_27 = tpu.memref_slice %arg12[%dma_start3A_20] : memref<8x!tpu.dma_semaphore, #tpu.memory_space<semaphore_mem>> -> memref<1x!tpu.dma_semaphore, #tpu.memory_space<semaphore_mem>>
    %dma_start3A_28 = tpu.memref_squeeze %dma_start3A_27 : memref<1x!tpu.dma_semaphore, #tpu.memory_space<semaphore_mem>> -> memref<!tpu.dma_semaphore, #tpu.memory_space<semaphore_mem>>
    %dma_start3A_29 = arith.constant 0 : i32
    %dma_start3A_30 = arith.constant 0 : i32
    %dma_start3A_31 = tpu.memref_slice %arg8[%dma_start3A_19, %dma_start3A_29, %dma_start3A_30] : memref<8x64x128xf32, #tpu.memory_space<vmem>> -> memref<1x64x128xf32, #tpu.memory_space<vmem>>
    %dma_start3A_32 = tpu.memref_squeeze %dma_start3A_31 : memref<1x64x128xf32, #tpu.memory_space<vmem>> -> memref<64x128xf32, #tpu.memory_space<vmem>>
    %dma_start3A_33 = arith.constant 0 : i32
    %dma_start3A_34 = tpu.memref_slice %arg4[%dma_start3A_33, %multiple_of3A] : memref<64x1000000xf32, #tpu.memory_space<hbm>> -> memref<64x128xf32, #tpu.memory_space<hbm>>
    tpu.enqueue_dma source(%dma_start3A_34 : memref<64x128xf32, #tpu.memory_space<hbm>>) target(%dma_start3A_32 : memref<64x128xf32, #tpu.memory_space<vmem>>) target_semaphore(%dma_start3A_28 : memref<!tpu.dma_semaphore, #tpu.memory_space<semaphore_mem>>)
    %slice3A_35 = vector.extract_strided_slice %get3A_17 {offsets = [1], sizes = [1], strides = [1]} : vector<16xi32> to vector<1xi32>
    %squeeze3A_36 = vector.extract %slice3A_35[0] : i32 from vector<1xi32>
    %and3A_37 = arith.constant -128 : i32
    %and3A_38 = arith.andi %squeeze3A_36, %and3A_37 : i32
    %multiple_of3A_39 = tpu.assume_multiple %and3A_38, 128 : i32
    %dma_start3A_40 = arith.constant 1 : i32
    %dma_start3A_41 = arith.constant 1 : i32
    %dma_start3A_42 = arith.constant 0 : i32
    %dma_start3A_43 = arith.constant 0 : i32
    %dma_start3A_44 = tpu.memref_slice %arg8[%dma_start3A_40, %dma_start3A_42, %dma_start3A_43] : memref<8x64x128xf32, #tpu.memory_space<vmem>> -> memref<1x64x128xf32, #tpu.memory_space<vmem>>
    %dma_start3A_45 = tpu.memref_squeeze %dma_start3A_44 : memref<1x64x128xf32, #tpu.memory_space<vmem>> -> memref<64x128xf32, #tpu.memory_space<vmem>>
    %dma_start3A_46 = arith.constant 0 : i32
    %dma_start3A_47 = tpu.memref_slice %arg4[%dma_start3A_46, %multiple_of3A_39] : memref<64x1000000xf32, #tpu.memory_space<hbm>> -> memref<64x128xf32, #tpu.memory_space<hbm>>
    %dma_start3A_48 = tpu.memref_slice %arg12[%dma_start3A_41] : memref<8x!tpu.dma_semaphore, #tpu.memory_space<semaphore_mem>> -> memref<1x!tpu.dma_semaphore, #tpu.memory_space<semaphore_mem>>
    %dma_start3A_49 = tpu.memref_squeeze %dma_start3A_48 : memref<1x!tpu.dma_semaphore, #tpu.memory_space<semaphore_mem>> -> memref<!tpu.dma_semaphore, #tpu.memory_space<semaphore_mem>>
    %dma_start3A_50 = arith.constant 0 : i32
    %dma_start3A_51 = arith.constant 0 : i32
    %dma_start3A_52 = tpu.memref_slice %arg8[%dma_start3A_40, %dma_start3A_50, %dma_start3A_51] : memref<8x64x128xf32, #tpu.memory_space<vmem>> -> memref<1x64x128xf32, #tpu.memory_space<vmem>>
    %dma_start3A_53 = tpu.memref_squeeze %dma_start3A_52 : memref<1x64x128xf32, #tpu.memory_space<vmem>> -> memref<64x128xf32, #tpu.memory_space<vmem>>
    %dma_start3A_54 = arith.constant 0 : i32
    %dma_start3A_55 = tpu.memref_slice %arg4[%dma_start3A_54, %multiple_of3A_39] : memref<64x1000000xf32, #tpu.memory_space<hbm>> -> memref<64x128xf32, #tpu.memory_space<hbm>>
    tpu.enqueue_dma source(%dma_start3A_55 : memref<64x128xf32, #tpu.memory_space<hbm>>) target(%dma_start3A_53 : memref<64x128xf32, #tpu.memory_space<vmem>>) target_semaphore(%dma_start3A_49 : memref<!tpu.dma_semaphore, #tpu.memory_space<semaphore_mem>>)
    %slice3A_56 = vector.extract_strided_slice %get3A_17 {offsets = [2], sizes = [1], strides = [1]} : vector<16xi32> to vector<1xi32>
    %squeeze3A_57 = vector.extract %slice3A_56[0] : i32 from vector<1xi32>
    %and3A_58 = arith.constant -128 : i32
    %and3A_59 = arith.andi %squeeze3A_57, %and3A_58 : i32
    %multiple_of3A_60 = tpu.assume_multiple %and3A_59, 128 : i32
    %dma_start3A_61 = arith.constant 2 : i32
    %dma_start3A_62 = arith.constant 2 : i32
    %dma_start3A_63 = arith.constant 0 : i32
    %dma_start3A_64 = arith.constant 0 : i32
    %dma_start3A_65 = tpu.memref_slice %arg8[%dma_start3A_61, %dma_start3A_63, %dma_start3A_64] : memref<8x64x128xf32, #tpu.memory_space<vmem>> -> memref<1x64x128xf32, #tpu.memory_space<vmem>>
    %dma_start3A_66 = tpu.memref_squeeze %dma_start3A_65 : memref<1x64x128xf32, #tpu.memory_space<vmem>> -> memref<64x128xf32, #tpu.memory_space<vmem>>
    %dma_start3A_67 = arith.constant 0 : i32
    %dma_start3A_68 = tpu.memref_slice %arg4[%dma_start3A_67, %multiple_of3A_60] : memref<64x1000000xf32, #tpu.memory_space<hbm>> -> memref<64x128xf32, #tpu.memory_space<hbm>>
    %dma_start3A_69 = tpu.memref_slice %arg12[%dma_start3A_62] : memref<8x!tpu.dma_semaphore, #tpu.memory_space<semaphore_mem>> -> memref<1x!tpu.dma_semaphore, #tpu.memory_space<semaphore_mem>>
    %dma_start3A_70 = tpu.memref_squeeze %dma_start3A_69 : memref<1x!tpu.dma_semaphore, #tpu.memory_space<semaphore_mem>> -> memref<!tpu.dma_semaphore, #tpu.memory_space<semaphore_mem>>
    %dma_start3A_71 = arith.constant 0 : i32
    %dma_start3A_72 = arith.constant 0 : i32
    %dma_start3A_73 = tpu.memref_slice %arg8[%dma_start3A_61, %dma_start3A_71, %dma_start3A_72] : memref<8x64x128xf32, #tpu.memory_space<vmem>> -> memref<1x64x128xf32, #tpu.memory_space<vmem>>
    %dma_start3A_74 = tpu.memref_squeeze %dma_start3A_73 : memref<1x64x128xf32, #tpu.memory_space<vmem>> -> memref<64x128xf32, #tpu.memory_space<vmem>>
    %dma_start3A_75 = arith.constant 0 : i32
    %dma_start3A_76 = tpu.memref_slice %arg4[%dma_start3A_75, %multiple_of3A_60] : memref<64x1000000xf32, #tpu.memory_space<hbm>> -> memref<64x128xf32, #tpu.memory_space<hbm>>
    tpu.enqueue_dma source(%dma_start3A_76 : memref<64x128xf32, #tpu.memory_space<hbm>>) target(%dma_start3A_74 : memref<64x128xf32, #tpu.memory_space<vmem>>) target_semaphore(%dma_start3A_70 : memref<!tpu.dma_semaphore, #tpu.memory_space<semaphore_mem>>)
    %slice3A_77 = vector.extract_strided_slice %get3A_17 {offsets = [3], sizes = [1], strides = [1]} : vector<16xi32> to vector<1xi32>
    %squeeze3A_78 = vector.extract %slice3A_77[0] : i32 from vector<1xi32>
    %and3A_79 = arith.constant -128 : i32
    %and3A_80 = arith.andi %squeeze3A_78, %and3A_79 : i32
    %multiple_of3A_81 = tpu.assume_multiple %and3A_80, 128 : i32
    %dma_start3A_82 = arith.constant 3 : i32
    %dma_start3A_83 = arith.constant 3 : i32
    %dma_start3A_84 = arith.constant 0 : i32
    %dma_start3A_85 = arith.constant 0 : i32
    %dma_start3A_86 = tpu.memref_slice %arg8[%dma_start3A_82, %dma_start3A_84, %dma_start3A_85] : memref<8x64x128xf32, #tpu.memory_space<vmem>> -> memref<1x64x128xf32, #tpu.memory_space<vmem>>
    %dma_start3A_87 = tpu.memref_squeeze %dma_start3A_86 : memref<1x64x128xf32, #tpu.memory_space<vmem>> -> memref<64x128xf32, #tpu.memory_space<vmem>>
    %dma_start3A_88 = arith.constant 0 : i32
    %dma_start3A_89 = tpu.memref_slice %arg4[%dma_start3A_88, %multiple_of3A_81] : memref<64x1000000xf32, #tpu.memory_space<hbm>> -> memref<64x128xf32, #tpu.memory_space<hbm>>
    %dma_start3A_90 = tpu.memref_slice %arg12[%dma_start3A_83] : memref<8x!tpu.dma_semaphore, #tpu.memory_space<semaphore_mem>> -> memref<1x!tpu.dma_semaphore, #tpu.memory_space<semaphore_mem>>
    %dma_start3A_91 = tpu.memref_squeeze %dma_start3A_90 : memref<1x!tpu.dma_semaphore, #tpu.memory_space<semaphore_mem>> -> memref<!tpu.dma_semaphore, #tpu.memory_space<semaphore_mem>>
    %dma_start3A_92 = arith.constant 0 : i32
    %dma_start3A_93 = arith.constant 0 : i32
    %dma_start3A_94 = tpu.memref_slice %arg8[%dma_start3A_82, %dma_start3A_92, %dma_start3A_93] : memref<8x64x128xf32, #tpu.memory_space<vmem>> -> memref<1x64x128xf32, #tpu.memory_space<vmem>>
    %dma_start3A_95 = tpu.memref_squeeze %dma_start3A_94 : memref<1x64x128xf32, #tpu.memory_space<vmem>> -> memref<64x128xf32, #tpu.memory_space<vmem>>
    %dma_start3A_96 = arith.constant 0 : i32
    %dma_start3A_97 = tpu.memref_slice %arg4[%dma_start3A_96, %multiple_of3A_81] : memref<64x1000000xf32, #tpu.memory_space<hbm>> -> memref<64x128xf32, #tpu.memory_space<hbm>>
    tpu.enqueue_dma source(%dma_start3A_97 : memref<64x128xf32, #tpu.memory_space<hbm>>) target(%dma_start3A_95 : memref<64x128xf32, #tpu.memory_space<vmem>>) target_semaphore(%dma_start3A_91 : memref<!tpu.dma_semaphore, #tpu.memory_space<semaphore_mem>>)
    %slice3A_98 = vector.extract_strided_slice %get3A_17 {offsets = [4], sizes = [1], strides = [1]} : vector<16xi32> to vector<1xi32>
    %squeeze3A_99 = vector.extract %slice3A_98[0] : i32 from vector<1xi32>
    %and3A_100 = arith.constant -128 : i32
    %and3A_101 = arith.andi %squeeze3A_99, %and3A_100 : i32
    %multiple_of3A_102 = tpu.assume_multiple %and3A_101, 128 : i32
    %dma_start3A_103 = arith.constant 4 : i32
    %dma_start3A_104 = arith.constant 4 : i32
    %dma_start3A_105 = arith.constant 0 : i32
    %dma_start3A_106 = arith.constant 0 : i32
    %dma_start3A_107 = tpu.memref_slice %arg8[%dma_start3A_103, %dma_start3A_105, %dma_start3A_106] : memref<8x64x128xf32, #tpu.memory_space<vmem>> -> memref<1x64x128xf32, #tpu.memory_space<vmem>>
    %dma_start3A_108 = tpu.memref_squeeze %dma_start3A_107 : memref<1x64x128xf32, #tpu.memory_space<vmem>> -> memref<64x128xf32, #tpu.memory_space<vmem>>
    %dma_start3A_109 = arith.constant 0 : i32
    %dma_start3A_110 = tpu.memref_slice %arg4[%dma_start3A_109, %multiple_of3A_102] : memref<64x1000000xf32, #tpu.memory_space<hbm>> -> memref<64x128xf32, #tpu.memory_space<hbm>>
    %dma_start3A_111 = tpu.memref_slice %arg12[%dma_start3A_104] : memref<8x!tpu.dma_semaphore, #tpu.memory_space<semaphore_mem>> -> memref<1x!tpu.dma_semaphore, #tpu.memory_space<semaphore_mem>>
    %dma_start3A_112 = tpu.memref_squeeze %dma_start3A_111 : memref<1x!tpu.dma_semaphore, #tpu.memory_space<semaphore_mem>> -> memref<!tpu.dma_semaphore, #tpu.memory_space<semaphore_mem>>
    %dma_start3A_113 = arith.constant 0 : i32
    %dma_start3A_114 = arith.constant 0 : i32
    %dma_start3A_115 = tpu.memref_slice %arg8[%dma_start3A_103, %dma_start3A_113, %dma_start3A_114] : memref<8x64x128xf32, #tpu.memory_space<vmem>> -> memref<1x64x128xf32, #tpu.memory_space<vmem>>
    %dma_start3A_116 = tpu.memref_squeeze %dma_start3A_115 : memref<1x64x128xf32, #tpu.memory_space<vmem>> -> memref<64x128xf32, #tpu.memory_space<vmem>>
    %dma_start3A_117 = arith.constant 0 : i32
    %dma_start3A_118 = tpu.memref_slice %arg4[%dma_start3A_117, %multiple_of3A_102] : memref<64x1000000xf32, #tpu.memory_space<hbm>> -> memref<64x128xf32, #tpu.memory_space<hbm>>
    tpu.enqueue_dma source(%dma_start3A_118 : memref<64x128xf32, #tpu.memory_space<hbm>>) target(%dma_start3A_116 : memref<64x128xf32, #tpu.memory_space<vmem>>) target_semaphore(%dma_start3A_112 : memref<!tpu.dma_semaphore, #tpu.memory_space<semaphore_mem>>)
    %slice3A_119 = vector.extract_strided_slice %get3A_17 {offsets = [5], sizes = [1], strides = [1]} : vector<16xi32> to vector<1xi32>
    %squeeze3A_120 = vector.extract %slice3A_119[0] : i32 from vector<1xi32>
    %and3A_121 = arith.constant -128 : i32
    %and3A_122 = arith.andi %squeeze3A_120, %and3A_121 : i32
    %multiple_of3A_123 = tpu.assume_multiple %and3A_122, 128 : i32
    %dma_start3A_124 = arith.constant 5 : i32
    %dma_start3A_125 = arith.constant 5 : i32
    %dma_start3A_126 = arith.constant 0 : i32
    %dma_start3A_127 = arith.constant 0 : i32
    %dma_start3A_128 = tpu.memref_slice %arg8[%dma_start3A_124, %dma_start3A_126, %dma_start3A_127] : memref<8x64x128xf32, #tpu.memory_space<vmem>> -> memref<1x64x128xf32, #tpu.memory_space<vmem>>
    %dma_start3A_129 = tpu.memref_squeeze %dma_start3A_128 : memref<1x64x128xf32, #tpu.memory_space<vmem>> -> memref<64x128xf32, #tpu.memory_space<vmem>>
    %dma_start3A_130 = arith.constant 0 : i32
    %dma_start3A_131 = tpu.memref_slice %arg4[%dma_start3A_130, %multiple_of3A_123] : memref<64x1000000xf32, #tpu.memory_space<hbm>> -> memref<64x128xf32, #tpu.memory_space<hbm>>
    %dma_start3A_132 = tpu.memref_slice %arg12[%dma_start3A_125] : memref<8x!tpu.dma_semaphore, #tpu.memory_space<semaphore_mem>> -> memref<1x!tpu.dma_semaphore, #tpu.memory_space<semaphore_mem>>
    %dma_start3A_133 = tpu.memref_squeeze %dma_start3A_132 : memref<1x!tpu.dma_semaphore, #tpu.memory_space<semaphore_mem>> -> memref<!tpu.dma_semaphore, #tpu.memory_space<semaphore_mem>>
    %dma_start3A_134 = arith.constant 0 : i32
    %dma_start3A_135 = arith.constant 0 : i32
    %dma_start3A_136 = tpu.memref_slice %arg8[%dma_start3A_124, %dma_start3A_134, %dma_start3A_135] : memref<8x64x128xf32, #tpu.memory_space<vmem>> -> memref<1x64x128xf32, #tpu.memory_space<vmem>>
    %dma_start3A_137 = tpu.memref_squeeze %dma_start3A_136 : memref<1x64x128xf32, #tpu.memory_space<vmem>> -> memref<64x128xf32, #tpu.memory_space<vmem>>
    %dma_start3A_138 = arith.constant 0 : i32
    %dma_start3A_139 = tpu.memref_slice %arg4[%dma_start3A_138, %multiple_of3A_123] : memref<64x1000000xf32, #tpu.memory_space<hbm>> -> memref<64x128xf32, #tpu.memory_space<hbm>>
    tpu.enqueue_dma source(%dma_start3A_139 : memref<64x128xf32, #tpu.memory_space<hbm>>) target(%dma_start3A_137 : memref<64x128xf32, #tpu.memory_space<vmem>>) target_semaphore(%dma_start3A_133 : memref<!tpu.dma_semaphore, #tpu.memory_space<semaphore_mem>>)
    %slice3A_140 = vector.extract_strided_slice %get3A_17 {offsets = [6], sizes = [1], strides = [1]} : vector<16xi32> to vector<1xi32>
    %squeeze3A_141 = vector.extract %slice3A_140[0] : i32 from vector<1xi32>
    %and3A_142 = arith.constant -128 : i32
    %and3A_143 = arith.andi %squeeze3A_141, %and3A_142 : i32
    %multiple_of3A_144 = tpu.assume_multiple %and3A_143, 128 : i32
    %dma_start3A_145 = arith.constant 6 : i32
    %dma_start3A_146 = arith.constant 6 : i32
    %dma_start3A_147 = arith.constant 0 : i32
    %dma_start3A_148 = arith.constant 0 : i32
    %dma_start3A_149 = tpu.memref_slice %arg8[%dma_start3A_145, %dma_start3A_147, %dma_start3A_148] : memref<8x64x128xf32, #tpu.memory_space<vmem>> -> memref<1x64x128xf32, #tpu.memory_space<vmem>>
    %dma_start3A_150 = tpu.memref_squeeze %dma_start3A_149 : memref<1x64x128xf32, #tpu.memory_space<vmem>> -> memref<64x128xf32, #tpu.memory_space<vmem>>
    %dma_start3A_151 = arith.constant 0 : i32
    %dma_start3A_152 = tpu.memref_slice %arg4[%dma_start3A_151, %multiple_of3A_144] : memref<64x1000000xf32, #tpu.memory_space<hbm>> -> memref<64x128xf32, #tpu.memory_space<hbm>>
    %dma_start3A_153 = tpu.memref_slice %arg12[%dma_start3A_146] : memref<8x!tpu.dma_semaphore, #tpu.memory_space<semaphore_mem>> -> memref<1x!tpu.dma_semaphore, #tpu.memory_space<semaphore_mem>>
    %dma_start3A_154 = tpu.memref_squeeze %dma_start3A_153 : memref<1x!tpu.dma_semaphore, #tpu.memory_space<semaphore_mem>> -> memref<!tpu.dma_semaphore, #tpu.memory_space<semaphore_mem>>
    %dma_start3A_155 = arith.constant 0 : i32
    %dma_start3A_156 = arith.constant 0 : i32
    %dma_start3A_157 = tpu.memref_slice %arg8[%dma_start3A_145, %dma_start3A_155, %dma_start3A_156] : memref<8x64x128xf32, #tpu.memory_space<vmem>> -> memref<1x64x128xf32, #tpu.memory_space<vmem>>
    %dma_start3A_158 = tpu.memref_squeeze %dma_start3A_157 : memref<1x64x128xf32, #tpu.memory_space<vmem>> -> memref<64x128xf32, #tpu.memory_space<vmem>>
    %dma_start3A_159 = arith.constant 0 : i32
    %dma_start3A_160 = tpu.memref_slice %arg4[%dma_start3A_159, %multiple_of3A_144] : memref<64x1000000xf32, #tpu.memory_space<hbm>> -> memref<64x128xf32, #tpu.memory_space<hbm>>
    tpu.enqueue_dma source(%dma_start3A_160 : memref<64x128xf32, #tpu.memory_space<hbm>>) target(%dma_start3A_158 : memref<64x128xf32, #tpu.memory_space<vmem>>) target_semaphore(%dma_start3A_154 : memref<!tpu.dma_semaphore, #tpu.memory_space<semaphore_mem>>)
    %slice3A_161 = vector.extract_strided_slice %get3A_17 {offsets = [7], sizes = [1], strides = [1]} : vector<16xi32> to vector<1xi32>
    %squeeze3A_162 = vector.extract %slice3A_161[0] : i32 from vector<1xi32>
    %and3A_163 = arith.constant -128 : i32
    %and3A_164 = arith.andi %squeeze3A_162, %and3A_163 : i32
    %multiple_of3A_165 = tpu.assume_multiple %and3A_164, 128 : i32
    %dma_start3A_166 = arith.constant 7 : i32
    %dma_start3A_167 = arith.constant 7 : i32
    %dma_start3A_168 = arith.constant 0 : i32
    %dma_start3A_169 = arith.constant 0 : i32
    %dma_start3A_170 = tpu.memref_slice %arg8[%dma_start3A_166, %dma_start3A_168, %dma_start3A_169] : memref<8x64x128xf32, #tpu.memory_space<vmem>> -> memref<1x64x128xf32, #tpu.memory_space<vmem>>
    %dma_start3A_171 = tpu.memref_squeeze %dma_start3A_170 : memref<1x64x128xf32, #tpu.memory_space<vmem>> -> memref<64x128xf32, #tpu.memory_space<vmem>>
    %dma_start3A_172 = arith.constant 0 : i32
    %dma_start3A_173 = tpu.memref_slice %arg4[%dma_start3A_172, %multiple_of3A_165] : memref<64x1000000xf32, #tpu.memory_space<hbm>> -> memref<64x128xf32, #tpu.memory_space<hbm>>
    %dma_start3A_174 = tpu.memref_slice %arg12[%dma_start3A_167] : memref<8x!tpu.dma_semaphore, #tpu.memory_space<semaphore_mem>> -> memref<1x!tpu.dma_semaphore, #tpu.memory_space<semaphore_mem>>
    %dma_start3A_175 = tpu.memref_squeeze %dma_start3A_174 : memref<1x!tpu.dma_semaphore, #tpu.memory_space<semaphore_mem>> -> memref<!tpu.dma_semaphore, #tpu.memory_space<semaphore_mem>>
    %dma_start3A_176 = arith.constant 0 : i32
    %dma_start3A_177 = arith.constant 0 : i32
    %dma_start3A_178 = tpu.memref_slice %arg8[%dma_start3A_166, %dma_start3A_176, %dma_start3A_177] : memref<8x64x128xf32, #tpu.memory_space<vmem>> -> memref<1x64x128xf32, #tpu.memory_space<vmem>>
    %dma_start3A_179 = tpu.memref_squeeze %dma_start3A_178 : memref<1x64x128xf32, #tpu.memory_space<vmem>> -> memref<64x128xf32, #tpu.memory_space<vmem>>
    %dma_start3A_180 = arith.constant 0 : i32
    %dma_start3A_181 = tpu.memref_slice %arg4[%dma_start3A_180, %multiple_of3A_165] : memref<64x1000000xf32, #tpu.memory_space<hbm>> -> memref<64x128xf32, #tpu.memory_space<hbm>>
    tpu.enqueue_dma source(%dma_start3A_181 : memref<64x128xf32, #tpu.memory_space<hbm>>) target(%dma_start3A_179 : memref<64x128xf32, #tpu.memory_space<vmem>>) target_semaphore(%dma_start3A_175 : memref<!tpu.dma_semaphore, #tpu.memory_space<semaphore_mem>>)
    %dma_wait3A_182 = arith.constant 0 : i32
    %dma_wait3A_183 = tpu.memref_slice %arg2[%dma_wait3A_182, %mul3A_2] : memref<64x16384xf32, #tpu.memory_space<hbm>> -> memref<64x512xf32, #tpu.memory_space<hbm>>
    %dma_wait3A_184 = arith.constant 0 : i32
    %dma_wait3A_185 = tpu.memref_slice %arg2[%dma_wait3A_184, %mul3A_2] : memref<64x16384xf32, #tpu.memory_space<hbm>> -> memref<64x512xf32, #tpu.memory_space<hbm>>
    tpu.wait_dma2 semaphore(%arg11 : memref<!tpu.dma_semaphore, #tpu.memory_space<semaphore_mem>>) src(%dma_wait3A_185 : memref<64x512xf32, #tpu.memory_space<hbm>>) dst(%arg7 : memref<64x512xf32, #tpu.memory_space<vmem>>)
    %broadcast_in_dim3A = arith.constant 0.000000e+00 : f32
    %broadcast_in_dim3A_186 = vector.broadcast %broadcast_in_dim3A : f32 to vector<16xf32>
    %scan3A = arith.constant 0 : i32
    %scan3A_187 = arith.constant 32 : i32
    %scan3A_188 = arith.addi %scan3A, %scan3A_187 : i32
    %scan3A_189 = arith.constant 1 : i32
    %scan3A_190:4 = scf.for %scan3A_199 = %scan3A to %scan3A_188 step %scan3A_189 iter_args(%scan3A_200 = %broadcast_in_dim3A_186, %scan3A_201 = %broadcast_in_dim3A_186, %scan3A_202 = %broadcast_in_dim3A_186, %scan3A_203 = %broadcast_in_dim3A_186) -> (vector<16xf32>, vector<16xf32>, vector<16xf32>, vector<16xf32>)  : i32 {
      %mul3A_204 = arith.constant 16 : i32
      %mul3A_205 = arith.muli %scan3A_199, %mul3A_204 : i32
      %get3A_206 = arith.index_cast %mul3A_205 : i32 to index
      %get3A_207 = tpu.vector_load %arg6[%get3A_206] {strides = array<i32>} : memref<528xi32, #tpu.memory_space<vmem>>, vector<16xi32>,
      %add3A_208 = arith.constant 1 : i32
      %add3A_209 = arith.addi %scan3A_199, %add3A_208 : i32
      %mul3A_210 = arith.constant 16 : i32
      %mul3A_211 = arith.muli %add3A_209, %mul3A_210 : i32
      %get3A_212 = arith.index_cast %mul3A_211 : i32 to index
      %get3A_213 = tpu.vector_load %arg6[%get3A_212] {strides = array<i32>} : memref<528xi32, #tpu.memory_space<vmem>>, vector<16xi32>,
      %mul3A_214 = arith.constant 16 : i32
      %mul3A_215 = arith.muli %scan3A_199, %mul3A_214 : i32
      %add3A_216 = arith.constant 0 : i32
      %add3A_217 = arith.addi %mul3A_215, %add3A_216 : i32
      %dma_wait3A_218 = arith.constant 0 : i32
      %dma_wait3A_219 = arith.constant 0 : i32
      %dma_wait3A_220 = arith.constant 0 : i32
      %dma_wait3A_221 = arith.constant 0 : i32
      %dma_wait3A_222 = tpu.memref_slice %arg8[%dma_wait3A_218, %dma_wait3A_220, %dma_wait3A_221] : memref<8x64x128xf32, #tpu.memory_space<vmem>> -> memref<1x64x128xf32, #tpu.memory_space<vmem>>
      %dma_wait3A_223 = tpu.memref_squeeze %dma_wait3A_222 : memref<1x64x128xf32, #tpu.memory_space<vmem>> -> memref<64x128xf32, #tpu.memory_space<vmem>>
      %dma_wait3A_224 = arith.constant 0 : i32
      %dma_wait3A_225 = arith.constant 0 : i32
      %dma_wait3A_226 = tpu.memref_slice %arg4[%dma_wait3A_224, %dma_wait3A_225] : memref<64x1000000xf32, #tpu.memory_space<hbm>> -> memref<64x128xf32, #tpu.memory_space<hbm>>
      %dma_wait3A_227 = tpu.memref_slice %arg12[%dma_wait3A_219] : memref<8x!tpu.dma_semaphore, #tpu.memory_space<semaphore_mem>> -> memref<1x!tpu.dma_semaphore, #tpu.memory_space<semaphore_mem>>
      %dma_wait3A_228 = tpu.memref_squeeze %dma_wait3A_227 : memref<1x!tpu.dma_semaphore, #tpu.memory_space<semaphore_mem>> -> memref<!tpu.dma_semaphore, #tpu.memory_space<semaphore_mem>>
      %dma_wait3A_229 = arith.constant 0 : i32
      %dma_wait3A_230 = arith.constant 0 : i32
      %dma_wait3A_231 = tpu.memref_slice %arg8[%dma_wait3A_218, %dma_wait3A_229, %dma_wait3A_230] : memref<8x64x128xf32, #tpu.memory_space<vmem>> -> memref<1x64x128xf32, #tpu.memory_space<vmem>>
      %dma_wait3A_232 = tpu.memref_squeeze %dma_wait3A_231 : memref<1x64x128xf32, #tpu.memory_space<vmem>> -> memref<64x128xf32, #tpu.memory_space<vmem>>
      %dma_wait3A_233 = arith.constant 0 : i32
      %dma_wait3A_234 = arith.constant 0 : i32
      %dma_wait3A_235 = tpu.memref_slice %arg4[%dma_wait3A_233, %dma_wait3A_234] : memref<64x1000000xf32, #tpu.memory_space<hbm>> -> memref<64x128xf32, #tpu.memory_space<hbm>>
      tpu.wait_dma2 semaphore(%dma_wait3A_228 : memref<!tpu.dma_semaphore, #tpu.memory_space<semaphore_mem>>) src(%dma_wait3A_235 : memref<64x128xf32, #tpu.memory_space<hbm>>) dst(%dma_wait3A_232 : memref<64x128xf32, #tpu.memory_space<vmem>>)
      %slice3A_236 = vector.extract_strided_slice %get3A_207 {offsets = [0], sizes = [1], strides = [1]} : vector<16xi32> to vector<1xi32>
      %squeeze3A_237 = vector.extract %slice3A_236[0] : i32 from vector<1xi32>
      %and3A_238 = arith.constant 127 : i32
      %and3A_239 = arith.andi %squeeze3A_237, %and3A_238 : i32
      %broadcast_in_dim3A_240 = vector.broadcast %and3A_239 : i32 to vector<16xi32>
      %add3A_241 = arith.constant 0 : i32
      %add3A_242 = arith.addi %add3A_241, %add3A_217 : i32
      %broadcast_in_dim3A_243 = vector.broadcast %add3A_242 : i32 to vector<16xi32>
      %add3A_244 = arith.constant 0 : i32
      %add3A_245 = vector.broadcast %add3A_244 : i32 to vector<16xi32>
      %add3A_246 = arith.addi %iota3A, %add3A_245 : vector<16xi32>
      %gather3A = arith.constant 0 : i32
      %gather3A_247 = arith.constant 0 : i32
      %gather3A_248 = arith.constant 0 : i32
      %gather3A_249 = tpu.memref_slice %arg8[%gather3A, %gather3A_247, %gather3A_248] : memref<8x64x128xf32, #tpu.memory_space<vmem>> -> memref<1x64x128xf32, #tpu.memory_space<vmem>>
      %gather3A_250 = tpu.memref_squeeze %gather3A_249 : memref<1x64x128xf32, #tpu.memory_space<vmem>> -> memref<64x128xf32, #tpu.memory_space<vmem>>
      %gather3A_251 = tpu.vector_load_idx %gather3A_250[%add3A_246, %broadcast_in_dim3A_240] : memref<64x128xf32, #tpu.memory_space<vmem>>[vector<16xi32>, vector<16xi32>], vector<16xf32>,
      %gather3A_252 = tpu.vector_load_idx %arg7[%add3A_246, %broadcast_in_dim3A_243] : memref<64x512xf32, #tpu.memory_space<vmem>>[vector<16xi32>, vector<16xi32>], vector<16xf32>,
      %sub3A = arith.subf %gather3A_252, %gather3A_251 : vector<16xf32>
      %mul3A_253 = arith.mulf %sub3A, %sub3A : vector<16xf32>
      %add3A_254 = arith.addf %scan3A_200, %mul3A_253 : vector<16xf32>
      %add3A_255 = arith.constant 16 : i32
      %add3A_256 = vector.broadcast %add3A_255 : i32 to vector<16xi32>
      %add3A_257 = arith.addi %iota3A, %add3A_256 : vector<16xi32>
      %gather3A_258 = arith.constant 0 : i32
      %gather3A_259 = arith.constant 0 : i32
      %gather3A_260 = arith.constant 0 : i32
      %gather3A_261 = tpu.memref_slice %arg8[%gather3A_258, %gather3A_259, %gather3A_260] : memref<8x64x128xf32, #tpu.memory_space<vmem>> -> memref<1x64x128xf32, #tpu.memory_space<vmem>>
      %gather3A_262 = tpu.memref_squeeze %gather3A_261 : memref<1x64x128xf32, #tpu.memory_space<vmem>> -> memref<64x128xf32, #tpu.memory_space<vmem>>
      %gather3A_263 = tpu.vector_load_idx %gather3A_262[%add3A_257, %broadcast_in_dim3A_240] : memref<64x128xf32, #tpu.memory_space<vmem>>[vector<16xi32>, vector<16xi32>], vector<16xf32>,
      %gather3A_264 = tpu.vector_load_idx %arg7[%add3A_257, %broadcast_in_dim3A_243] : memref<64x512xf32, #tpu.memory_space<vmem>>[vector<16xi32>, vector<16xi32>], vector<16xf32>,
      %sub3A_265 = arith.subf %gather3A_264, %gather3A_263 : vector<16xf32>
      %mul3A_266 = arith.mulf %sub3A_265, %sub3A_265 : vector<16xf32>
      %add3A_267 = arith.addf %scan3A_201, %mul3A_266 : vector<16xf32>
      %add3A_268 = arith.constant 32 : i32
      %add3A_269 = vector.broadcast %add3A_268 : i32 to vector<16xi32>
      %add3A_270 = arith.addi %iota3A, %add3A_269 : vector<16xi32>
      %gather3A_271 = arith.constant 0 : i32
      %gather3A_272 = arith.constant 0 : i32
      %gather3A_273 = arith.constant 0 : i32
      %gather3A_274 = tpu.memref_slice %arg8[%gather3A_271, %gather3A_272, %gather3A_273] : memref<8x64x128xf32, #tpu.memory_space<vmem>> -> memref<1x64x128xf32, #tpu.memory_space<vmem>>
      %gather3A_275 = tpu.memref_squeeze %gather3A_274 : memref<1x64x128xf32, #tpu.memory_space<vmem>> -> memref<64x128xf32, #tpu.memory_space<vmem>>
      %gather3A_276 = tpu.vector_load_idx %gather3A_275[%add3A_270, %broadcast_in_dim3A_240] : memref<64x128xf32, #tpu.memory_space<vmem>>[vector<16xi32>, vector<16xi32>], vector<16xf32>,
      %gather3A_277 = tpu.vector_load_idx %arg7[%add3A_270, %broadcast_in_dim3A_243] : memref<64x512xf32, #tpu.memory_space<vmem>>[vector<16xi32>, vector<16xi32>], vector<16xf32>,
      %sub3A_278 = arith.subf %gather3A_277, %gather3A_276 : vector<16xf32>
      %mul3A_279 = arith.mulf %sub3A_278, %sub3A_278 : vector<16xf32>
      %add3A_280 = arith.addf %scan3A_202, %mul3A_279 : vector<16xf32>
      %add3A_281 = arith.constant 48 : i32
      %add3A_282 = vector.broadcast %add3A_281 : i32 to vector<16xi32>
      %add3A_283 = arith.addi %iota3A, %add3A_282 : vector<16xi32>
      %gather3A_284 = arith.constant 0 : i32
      %gather3A_285 = arith.constant 0 : i32
      %gather3A_286 = arith.constant 0 : i32
      %gather3A_287 = tpu.memref_slice %arg8[%gather3A_284, %gather3A_285, %gather3A_286] : memref<8x64x128xf32, #tpu.memory_space<vmem>> -> memref<1x64x128xf32, #tpu.memory_space<vmem>>
      %gather3A_288 = tpu.memref_squeeze %gather3A_287 : memref<1x64x128xf32, #tpu.memory_space<vmem>> -> memref<64x128xf32, #tpu.memory_space<vmem>>
      %gather3A_289 = tpu.vector_load_idx %gather3A_288[%add3A_283, %broadcast_in_dim3A_240] : memref<64x128xf32, #tpu.memory_space<vmem>>[vector<16xi32>, vector<16xi32>], vector<16xf32>,
      %gather3A_290 = tpu.vector_load_idx %arg7[%add3A_283, %broadcast_in_dim3A_243] : memref<64x512xf32, #tpu.memory_space<vmem>>[vector<16xi32>, vector<16xi32>], vector<16xf32>,
      %sub3A_291 = arith.subf %gather3A_290, %gather3A_289 : vector<16xf32>
      %mul3A_292 = arith.mulf %sub3A_291, %sub3A_291 : vector<16xf32>
      %add3A_293 = arith.addf %scan3A_203, %mul3A_292 : vector<16xf32>
      %slice3A_294 = vector.extract_strided_slice %get3A_207 {offsets = [8], sizes = [1], strides = [1]} : vector<16xi32> to vector<1xi32>
      %squeeze3A_295 = vector.extract %slice3A_294[0] : i32 from vector<1xi32>
      %and3A_296 = arith.constant -128 : i32
      %and3A_297 = arith.andi %squeeze3A_295, %and3A_296 : i32
      %multiple_of3A_298 = tpu.assume_multiple %and3A_297, 128 : i32
      %dma_start3A_299 = arith.constant 0 : i32
      %dma_start3A_300 = arith.constant 0 : i32
      %dma_start3A_301 = arith.constant 0 : i32
      %dma_start3A_302 = arith.constant 0 : i32
      %dma_start3A_303 = tpu.memref_slice %arg8[%dma_start3A_299, %dma_start3A_301, %dma_start3A_302] : memref<8x64x128xf32, #tpu.memory_space<vmem>> -> memref<1x64x128xf32, #tpu.memory_space<vmem>>
      %dma_start3A_304 = tpu.memref_squeeze %dma_start3A_303 : memref<1x64x128xf32, #tpu.memory_space<vmem>> -> memref<64x128xf32, #tpu.memory_space<vmem>>
      %dma_start3A_305 = arith.constant 0 : i32
      %dma_start3A_306 = tpu.memref_slice %arg4[%dma_start3A_305, %multiple_of3A_298] : memref<64x1000000xf32, #tpu.memory_space<hbm>> -> memref<64x128xf32, #tpu.memory_space<hbm>>
      %dma_start3A_307 = tpu.memref_slice %arg12[%dma_start3A_300] : memref<8x!tpu.dma_semaphore, #tpu.memory_space<semaphore_mem>> -> memref<1x!tpu.dma_semaphore, #tpu.memory_space<semaphore_mem>>
      %dma_start3A_308 = tpu.memref_squeeze %dma_start3A_307 : memref<1x!tpu.dma_semaphore, #tpu.memory_space<semaphore_mem>> -> memref<!tpu.dma_semaphore, #tpu.memory_space<semaphore_mem>>
      %dma_start3A_309 = arith.constant 0 : i32
      %dma_start3A_310 = arith.constant 0 : i32
      %dma_start3A_311 = tpu.memref_slice %arg8[%dma_start3A_299, %dma_start3A_309, %dma_start3A_310] : memref<8x64x128xf32, #tpu.memory_space<vmem>> -> memref<1x64x128xf32, #tpu.memory_space<vmem>>
      %dma_start3A_312 = tpu.memref_squeeze %dma_start3A_311 : memref<1x64x128xf32, #tpu.memory_space<vmem>> -> memref<64x128xf32, #tpu.memory_space<vmem>>
      %dma_start3A_313 = arith.constant 0 : i32
      %dma_start3A_314 = tpu.memref_slice %arg4[%dma_start3A_313, %multiple_of3A_298] : memref<64x1000000xf32, #tpu.memory_space<hbm>> -> memref<64x128xf32, #tpu.memory_space<hbm>>
      tpu.enqueue_dma source(%dma_start3A_314 : memref<64x128xf32, #tpu.memory_space<hbm>>) target(%dma_start3A_312 : memref<64x128xf32, #tpu.memory_space<vmem>>) target_semaphore(%dma_start3A_308 : memref<!tpu.dma_semaphore, #tpu.memory_space<semaphore_mem>>)
      %mul3A_315 = arith.constant 16 : i32
      %mul3A_316 = arith.muli %scan3A_199, %mul3A_315 : i32
      %add3A_317 = arith.constant 1 : i32
      %add3A_318 = arith.addi %mul3A_316, %add3A_317 : i32
      %dma_wait3A_319 = arith.constant 1 : i32
      %dma_wait3A_320 = arith.constant 1 : i32
      %dma_wait3A_321 = arith.constant 0 : i32
      %dma_wait3A_322 = arith.constant 0 : i32
      %dma_wait3A_323 = tpu.memref_slice %arg8[%dma_wait3A_319, %dma_wait3A_321, %dma_wait3A_322] : memref<8x64x128xf32, #tpu.memory_space<vmem>> -> memref<1x64x128xf32, #tpu.memory_space<vmem>>
      %dma_wait3A_324 = tpu.memref_squeeze %dma_wait3A_323 : memref<1x64x128xf32, #tpu.memory_space<vmem>> -> memref<64x128xf32, #tpu.memory_space<vmem>>
      %dma_wait3A_325 = arith.constant 0 : i32
      %dma_wait3A_326 = arith.constant 0 : i32
      %dma_wait3A_327 = tpu.memref_slice %arg4[%dma_wait3A_325, %dma_wait3A_326] : memref<64x1000000xf32, #tpu.memory_space<hbm>> -> memref<64x128xf32, #tpu.memory_space<hbm>>
      %dma_wait3A_328 = tpu.memref_slice %arg12[%dma_wait3A_320] : memref<8x!tpu.dma_semaphore, #tpu.memory_space<semaphore_mem>> -> memref<1x!tpu.dma_semaphore, #tpu.memory_space<semaphore_mem>>
      %dma_wait3A_329 = tpu.memref_squeeze %dma_wait3A_328 : memref<1x!tpu.dma_semaphore, #tpu.memory_space<semaphore_mem>> -> memref<!tpu.dma_semaphore, #tpu.memory_space<semaphore_mem>>
      %dma_wait3A_330 = arith.constant 0 : i32
      %dma_wait3A_331 = arith.constant 0 : i32
      %dma_wait3A_332 = tpu.memref_slice %arg8[%dma_wait3A_319, %dma_wait3A_330, %dma_wait3A_331] : memref<8x64x128xf32, #tpu.memory_space<vmem>> -> memref<1x64x128xf32, #tpu.memory_space<vmem>>
      %dma_wait3A_333 = tpu.memref_squeeze %dma_wait3A_332 : memref<1x64x128xf32, #tpu.memory_space<vmem>> -> memref<64x128xf32, #tpu.memory_space<vmem>>
      %dma_wait3A_334 = arith.constant 0 : i32
      %dma_wait3A_335 = arith.constant 0 : i32
      %dma_wait3A_336 = tpu.memref_slice %arg4[%dma_wait3A_334, %dma_wait3A_335] : memref<64x1000000xf32, #tpu.memory_space<hbm>> -> memref<64x128xf32, #tpu.memory_space<hbm>>
      tpu.wait_dma2 semaphore(%dma_wait3A_329 : memref<!tpu.dma_semaphore, #tpu.memory_space<semaphore_mem>>) src(%dma_wait3A_336 : memref<64x128xf32, #tpu.memory_space<hbm>>) dst(%dma_wait3A_333 : memref<64x128xf32, #tpu.memory_space<vmem>>)
      %slice3A_337 = vector.extract_strided_slice %get3A_207 {offsets = [1], sizes = [1], strides = [1]} : vector<16xi32> to vector<1xi32>
      %squeeze3A_338 = vector.extract %slice3A_337[0] : i32 from vector<1xi32>
      %and3A_339 = arith.constant 127 : i32
      %and3A_340 = arith.andi %squeeze3A_338, %and3A_339 : i32
      %broadcast_in_dim3A_341 = vector.broadcast %and3A_340 : i32 to vector<16xi32>
      %add3A_342 = arith.constant 0 : i32
      %add3A_343 = arith.addi %add3A_342, %add3A_318 : i32
      %broadcast_in_dim3A_344 = vector.broadcast %add3A_343 : i32 to vector<16xi32>
      %add3A_345 = arith.constant 0 : i32
      %add3A_346 = vector.broadcast %add3A_345 : i32 to vector<16xi32>
      %add3A_347 = arith.addi %iota3A, %add3A_346 : vector<16xi32>
      %gather3A_348 = arith.constant 1 : i32
      %gather3A_349 = arith.constant 0 : i32
      %gather3A_350 = arith.constant 0 : i32
      %gather3A_351 = tpu.memref_slice %arg8[%gather3A_348, %gather3A_349, %gather3A_350] : memref<8x64x128xf32, #tpu.memory_space<vmem>> -> memref<1x64x128xf32, #tpu.memory_space<vmem>>
      %gather3A_352 = tpu.memref_squeeze %gather3A_351 : memref<1x64x128xf32, #tpu.memory_space<vmem>> -> memref<64x128xf32, #tpu.memory_space<vmem>>
      %gather3A_353 = tpu.vector_load_idx %gather3A_352[%add3A_347, %broadcast_in_dim3A_341] : memref<64x128xf32, #tpu.memory_space<vmem>>[vector<16xi32>, vector<16xi32>], vector<16xf32>,
      %gather3A_354 = tpu.vector_load_idx %arg7[%add3A_347, %broadcast_in_dim3A_344] : memref<64x512xf32, #tpu.memory_space<vmem>>[vector<16xi32>, vector<16xi32>], vector<16xf32>,
      %sub3A_355 = arith.subf %gather3A_354, %gather3A_353 : vector<16xf32>
      %mul3A_356 = arith.mulf %sub3A_355, %sub3A_355 : vector<16xf32>
      %add3A_357 = arith.addf %add3A_254, %mul3A_356 : vector<16xf32>
      %add3A_358 = arith.constant 16 : i32
      %add3A_359 = vector.broadcast %add3A_358 : i32 to vector<16xi32>
      %add3A_360 = arith.addi %iota3A, %add3A_359 : vector<16xi32>
      %gather3A_361 = arith.constant 1 : i32
      %gather3A_362 = arith.constant 0 : i32
      %gather3A_363 = arith.constant 0 : i32
      %gather3A_364 = tpu.memref_slice %arg8[%gather3A_361, %gather3A_362, %gather3A_363] : memref<8x64x128xf32, #tpu.memory_space<vmem>> -> memref<1x64x128xf32, #tpu.memory_space<vmem>>
      %gather3A_365 = tpu.memref_squeeze %gather3A_364 : memref<1x64x128xf32, #tpu.memory_space<vmem>> -> memref<64x128xf32, #tpu.memory_space<vmem>>
      %gather3A_366 = tpu.vector_load_idx %gather3A_365[%add3A_360, %broadcast_in_dim3A_341] : memref<64x128xf32, #tpu.memory_space<vmem>>[vector<16xi32>, vector<16xi32>], vector<16xf32>,
      %gather3A_367 = tpu.vector_load_idx %arg7[%add3A_360, %broadcast_in_dim3A_344] : memref<64x512xf32, #tpu.memory_space<vmem>>[vector<16xi32>, vector<16xi32>], vector<16xf32>,
      %sub3A_368 = arith.subf %gather3A_367, %gather3A_366 : vector<16xf32>
      %mul3A_369 = arith.mulf %sub3A_368, %sub3A_368 : vector<16xf32>
      %add3A_370 = arith.addf %add3A_267, %mul3A_369 : vector<16xf32>
      %add3A_371 = arith.constant 32 : i32
      %add3A_372 = vector.broadcast %add3A_371 : i32 to vector<16xi32>
      %add3A_373 = arith.addi %iota3A, %add3A_372 : vector<16xi32>
      %gather3A_374 = arith.constant 1 : i32
      %gather3A_375 = arith.constant 0 : i32
      %gather3A_376 = arith.constant 0 : i32
      %gather3A_377 = tpu.memref_slice %arg8[%gather3A_374, %gather3A_375, %gather3A_376] : memref<8x64x128xf32, #tpu.memory_space<vmem>> -> memref<1x64x128xf32, #tpu.memory_space<vmem>>
      %gather3A_378 = tpu.memref_squeeze %gather3A_377 : memref<1x64x128xf32, #tpu.memory_space<vmem>> -> memref<64x128xf32, #tpu.memory_space<vmem>>
      %gather3A_379 = tpu.vector_load_idx %gather3A_378[%add3A_373, %broadcast_in_dim3A_341] : memref<64x128xf32, #tpu.memory_space<vmem>>[vector<16xi32>, vector<16xi32>], vector<16xf32>,
      %gather3A_380 = tpu.vector_load_idx %arg7[%add3A_373, %broadcast_in_dim3A_344] : memref<64x512xf32, #tpu.memory_space<vmem>>[vector<16xi32>, vector<16xi32>], vector<16xf32>,
      %sub3A_381 = arith.subf %gather3A_380, %gather3A_379 : vector<16xf32>
      %mul3A_382 = arith.mulf %sub3A_381, %sub3A_381 : vector<16xf32>
      %add3A_383 = arith.addf %add3A_280, %mul3A_382 : vector<16xf32>
      %add3A_384 = arith.constant 48 : i32
      %add3A_385 = vector.broadcast %add3A_384 : i32 to vector<16xi32>
      %add3A_386 = arith.addi %iota3A, %add3A_385 : vector<16xi32>
      %gather3A_387 = arith.constant 1 : i32
      %gather3A_388 = arith.constant 0 : i32
      %gather3A_389 = arith.constant 0 : i32
      %gather3A_390 = tpu.memref_slice %arg8[%gather3A_387, %gather3A_388, %gather3A_389] : memref<8x64x128xf32, #tpu.memory_space<vmem>> -> memref<1x64x128xf32, #tpu.memory_space<vmem>>
      %gather3A_391 = tpu.memref_squeeze %gather3A_390 : memref<1x64x128xf32, #tpu.memory_space<vmem>> -> memref<64x128xf32, #tpu.memory_space<vmem>>
      %gather3A_392 = tpu.vector_load_idx %gather3A_391[%add3A_386, %broadcast_in_dim3A_341] : memref<64x128xf32, #tpu.memory_space<vmem>>[vector<16xi32>, vector<16xi32>], vector<16xf32>,
      %gather3A_393 = tpu.vector_load_idx %arg7[%add3A_386, %broadcast_in_dim3A_344] : memref<64x512xf32, #tpu.memory_space<vmem>>[vector<16xi32>, vector<16xi32>], vector<16xf32>,
      %sub3A_394 = arith.subf %gather3A_393, %gather3A_392 : vector<16xf32>
      %mul3A_395 = arith.mulf %sub3A_394, %sub3A_394 : vector<16xf32>
      %add3A_396 = arith.addf %add3A_293, %mul3A_395 : vector<16xf32>
      %slice3A_397 = vector.extract_strided_slice %get3A_207 {offsets = [9], sizes = [1], strides = [1]} : vector<16xi32> to vector<1xi32>
      %squeeze3A_398 = vector.extract %slice3A_397[0] : i32 from vector<1xi32>
      %and3A_399 = arith.constant -128 : i32
      %and3A_400 = arith.andi %squeeze3A_398, %and3A_399 : i32
      %multiple_of3A_401 = tpu.assume_multiple %and3A_400, 128 : i32
      %dma_start3A_402 = arith.constant 1 : i32
      %dma_start3A_403 = arith.constant 1 : i32
      %dma_start3A_404 = arith.constant 0 : i32
      %dma_start3A_405 = arith.constant 0 : i32
      %dma_start3A_406 = tpu.memref_slice %arg8[%dma_start3A_402, %dma_start3A_404, %dma_start3A_405] : memref<8x64x128xf32, #tpu.memory_space<vmem>> -> memref<1x64x128xf32, #tpu.memory_space<vmem>>
      %dma_start3A_407 = tpu.memref_squeeze %dma_start3A_406 : memref<1x64x128xf32, #tpu.memory_space<vmem>> -> memref<64x128xf32, #tpu.memory_space<vmem>>
      %dma_start3A_408 = arith.constant 0 : i32
      %dma_start3A_409 = tpu.memref_slice %arg4[%dma_start3A_408, %multiple_of3A_401] : memref<64x1000000xf32, #tpu.memory_space<hbm>> -> memref<64x128xf32, #tpu.memory_space<hbm>>
      %dma_start3A_410 = tpu.memref_slice %arg12[%dma_start3A_403] : memref<8x!tpu.dma_semaphore, #tpu.memory_space<semaphore_mem>> -> memref<1x!tpu.dma_semaphore, #tpu.memory_space<semaphore_mem>>
      %dma_start3A_411 = tpu.memref_squeeze %dma_start3A_410 : memref<1x!tpu.dma_semaphore, #tpu.memory_space<semaphore_mem>> -> memref<!tpu.dma_semaphore, #tpu.memory_space<semaphore_mem>>
      %dma_start3A_412 = arith.constant 0 : i32
      %dma_start3A_413 = arith.constant 0 : i32
      %dma_start3A_414 = tpu.memref_slice %arg8[%dma_start3A_402, %dma_start3A_412, %dma_start3A_413] : memref<8x64x128xf32, #tpu.memory_space<vmem>> -> memref<1x64x128xf32, #tpu.memory_space<vmem>>
      %dma_start3A_415 = tpu.memref_squeeze %dma_start3A_414 : memref<1x64x128xf32, #tpu.memory_space<vmem>> -> memref<64x128xf32, #tpu.memory_space<vmem>>
      %dma_start3A_416 = arith.constant 0 : i32
      %dma_start3A_417 = tpu.memref_slice %arg4[%dma_start3A_416, %multiple_of3A_401] : memref<64x1000000xf32, #tpu.memory_space<hbm>> -> memref<64x128xf32, #tpu.memory_space<hbm>>
      tpu.enqueue_dma source(%dma_start3A_417 : memref<64x128xf32, #tpu.memory_space<hbm>>) target(%dma_start3A_415 : memref<64x128xf32, #tpu.memory_space<vmem>>) target_semaphore(%dma_start3A_411 : memref<!tpu.dma_semaphore, #tpu.memory_space<semaphore_mem>>)
      %mul3A_418 = arith.constant 16 : i32
      %mul3A_419 = arith.muli %scan3A_199, %mul3A_418 : i32
      %add3A_420 = arith.constant 2 : i32
      %add3A_421 = arith.addi %mul3A_419, %add3A_420 : i32
      %dma_wait3A_422 = arith.constant 2 : i32
      %dma_wait3A_423 = arith.constant 2 : i32
      %dma_wait3A_424 = arith.constant 0 : i32
      %dma_wait3A_425 = arith.constant 0 : i32
      %dma_wait3A_426 = tpu.memref_slice %arg8[%dma_wait3A_422, %dma_wait3A_424, %dma_wait3A_425] : memref<8x64x128xf32, #tpu.memory_space<vmem>> -> memref<1x64x128xf32, #tpu.memory_space<vmem>>
      %dma_wait3A_427 = tpu.memref_squeeze %dma_wait3A_426 : memref<1x64x128xf32, #tpu.memory_space<vmem>> -> memref<64x128xf32, #tpu.memory_space<vmem>>
      %dma_wait3A_428 = arith.constant 0 : i32
      %dma_wait3A_429 = arith.constant 0 : i32
      %dma_wait3A_430 = tpu.memref_slice %arg4[%dma_wait3A_428, %dma_wait3A_429] : memref<64x1000000xf32, #tpu.memory_space<hbm>> -> memref<64x128xf32, #tpu.memory_space<hbm>>
      %dma_wait3A_431 = tpu.memref_slice %arg12[%dma_wait3A_423] : memref<8x!tpu.dma_semaphore, #tpu.memory_space<semaphore_mem>> -> memref<1x!tpu.dma_semaphore, #tpu.memory_space<semaphore_mem>>
      %dma_wait3A_432 = tpu.memref_squeeze %dma_wait3A_431 : memref<1x!tpu.dma_semaphore, #tpu.memory_space<semaphore_mem>> -> memref<!tpu.dma_semaphore, #tpu.memory_space<semaphore_mem>>
      %dma_wait3A_433 = arith.constant 0 : i32
      %dma_wait3A_434 = arith.constant 0 : i32
      %dma_wait3A_435 = tpu.memref_slice %arg8[%dma_wait3A_422, %dma_wait3A_433, %dma_wait3A_434] : memref<8x64x128xf32, #tpu.memory_space<vmem>> -> memref<1x64x128xf32, #tpu.memory_space<vmem>>
      %dma_wait3A_436 = tpu.memref_squeeze %dma_wait3A_435 : memref<1x64x128xf32, #tpu.memory_space<vmem>> -> memref<64x128xf32, #tpu.memory_space<vmem>>
      %dma_wait3A_437 = arith.constant 0 : i32
      %dma_wait3A_438 = arith.constant 0 : i32
      %dma_wait3A_439 = tpu.memref_slice %arg4[%dma_wait3A_437, %dma_wait3A_438] : memref<64x1000000xf32, #tpu.memory_space<hbm>> -> memref<64x128xf32, #tpu.memory_space<hbm>>
      tpu.wait_dma2 semaphore(%dma_wait3A_432 : memref<!tpu.dma_semaphore, #tpu.memory_space<semaphore_mem>>) src(%dma_wait3A_439 : memref<64x128xf32, #tpu.memory_space<hbm>>) dst(%dma_wait3A_436 : memref<64x128xf32, #tpu.memory_space<vmem>>)
      %slice3A_440 = vector.extract_strided_slice %get3A_207 {offsets = [2], sizes = [1], strides = [1]} : vector<16xi32> to vector<1xi32>
      %squeeze3A_441 = vector.extract %slice3A_440[0] : i32 from vector<1xi32>
      %and3A_442 = arith.constant 127 : i32
      %and3A_443 = arith.andi %squeeze3A_441, %and3A_442 : i32
      %broadcast_in_dim3A_444 = vector.broadcast %and3A_443 : i32 to vector<16xi32>
      %add3A_445 = arith.constant 0 : i32
      %add3A_446 = arith.addi %add3A_445, %add3A_421 : i32
      %broadcast_in_dim3A_447 = vector.broadcast %add3A_446 : i32 to vector<16xi32>
      %add3A_448 = arith.constant 0 : i32
      %add3A_449 = vector.broadcast %add3A_448 : i32 to vector<16xi32>
      %add3A_450 = arith.addi %iota3A, %add3A_449 : vector<16xi32>
      %gather3A_451 = arith.constant 2 : i32
      %gather3A_452 = arith.constant 0 : i32
      %gather3A_453 = arith.constant 0 : i32
      %gather3A_454 = tpu.memref_slice %arg8[%gather3A_451, %gather3A_452, %gather3A_453] : memref<8x64x128xf32, #tpu.memory_space<vmem>> -> memref<1x64x128xf32, #tpu.memory_space<vmem>>
      %gather3A_455 = tpu.memref_squeeze %gather3A_454 : memref<1x64x128xf32, #tpu.memory_space<vmem>> -> memref<64x128xf32, #tpu.memory_space<vmem>>
      %gather3A_456 = tpu.vector_load_idx %gather3A_455[%add3A_450, %broadcast_in_dim3A_444] : memref<64x128xf32, #tpu.memory_space<vmem>>[vector<16xi32>, vector<16xi32>], vector<16xf32>,
      %gather3A_457 = tpu.vector_load_idx %arg7[%add3A_450, %broadcast_in_dim3A_447] : memref<64x512xf32, #tpu.memory_space<vmem>>[vector<16xi32>, vector<16xi32>], vector<16xf32>,
      %sub3A_458 = arith.subf %gather3A_457, %gather3A_456 : vector<16xf32>
      %mul3A_459 = arith.mulf %sub3A_458, %sub3A_458 : vector<16xf32>
      %add3A_460 = arith.addf %add3A_357, %mul3A_459 : vector<16xf32>
      %add3A_461 = arith.constant 16 : i32
      %add3A_462 = vector.broadcast %add3A_461 : i32 to vector<16xi32>
      %add3A_463 = arith.addi %iota3A, %add3A_462 : vector<16xi32>
      %gather3A_464 = arith.constant 2 : i32
      %gather3A_465 = arith.constant 0 : i32
      %gather3A_466 = arith.constant 0 : i32
      %gather3A_467 = tpu.memref_slice %arg8[%gather3A_464, %gather3A_465, %gather3A_466] : memref<8x64x128xf32, #tpu.memory_space<vmem>> -> memref<1x64x128xf32, #tpu.memory_space<vmem>>
      %gather3A_468 = tpu.memref_squeeze %gather3A_467 : memref<1x64x128xf32, #tpu.memory_space<vmem>> -> memref<64x128xf32, #tpu.memory_space<vmem>>
      %gather3A_469 = tpu.vector_load_idx %gather3A_468[%add3A_463, %broadcast_in_dim3A_444] : memref<64x128xf32, #tpu.memory_space<vmem>>[vector<16xi32>, vector<16xi32>], vector<16xf32>,
      %gather3A_470 = tpu.vector_load_idx %arg7[%add3A_463, %broadcast_in_dim3A_447] : memref<64x512xf32, #tpu.memory_space<vmem>>[vector<16xi32>, vector<16xi32>], vector<16xf32>,
      %sub3A_471 = arith.subf %gather3A_470, %gather3A_469 : vector<16xf32>
      %mul3A_472 = arith.mulf %sub3A_471, %sub3A_471 : vector<16xf32>
      %add3A_473 = arith.addf %add3A_370, %mul3A_472 : vector<16xf32>
      %add3A_474 = arith.constant 32 : i32
      %add3A_475 = vector.broadcast %add3A_474 : i32 to vector<16xi32>
      %add3A_476 = arith.addi %iota3A, %add3A_475 : vector<16xi32>
      %gather3A_477 = arith.constant 2 : i32
      %gather3A_478 = arith.constant 0 : i32
      %gather3A_479 = arith.constant 0 : i32
      %gather3A_480 = tpu.memref_slice %arg8[%gather3A_477, %gather3A_478, %gather3A_479] : memref<8x64x128xf32, #tpu.memory_space<vmem>> -> memref<1x64x128xf32, #tpu.memory_space<vmem>>
      %gather3A_481 = tpu.memref_squeeze %gather3A_480 : memref<1x64x128xf32, #tpu.memory_space<vmem>> -> memref<64x128xf32, #tpu.memory_space<vmem>>
      %gather3A_482 = tpu.vector_load_idx %gather3A_481[%add3A_476, %broadcast_in_dim3A_444] : memref<64x128xf32, #tpu.memory_space<vmem>>[vector<16xi32>, vector<16xi32>], vector<16xf32>,
      %gather3A_483 = tpu.vector_load_idx %arg7[%add3A_476, %broadcast_in_dim3A_447] : memref<64x512xf32, #tpu.memory_space<vmem>>[vector<16xi32>, vector<16xi32>], vector<16xf32>,
      %sub3A_484 = arith.subf %gather3A_483, %gather3A_482 : vector<16xf32>
      %mul3A_485 = arith.mulf %sub3A_484, %sub3A_484 : vector<16xf32>
      %add3A_486 = arith.addf %add3A_383, %mul3A_485 : vector<16xf32>
      %add3A_487 = arith.constant 48 : i32
      %add3A_488 = vector.broadcast %add3A_487 : i32 to vector<16xi32>
      %add3A_489 = arith.addi %iota3A, %add3A_488 : vector<16xi32>
      %gather3A_490 = arith.constant 2 : i32
      %gather3A_491 = arith.constant 0 : i32
      %gather3A_492 = arith.constant 0 : i32
      %gather3A_493 = tpu.memref_slice %arg8[%gather3A_490, %gather3A_491, %gather3A_492] : memref<8x64x128xf32, #tpu.memory_space<vmem>> -> memref<1x64x128xf32, #tpu.memory_space<vmem>>
      %gather3A_494 = tpu.memref_squeeze %gather3A_493 : memref<1x64x128xf32, #tpu.memory_space<vmem>> -> memref<64x128xf32, #tpu.memory_space<vmem>>
      %gather3A_495 = tpu.vector_load_idx %gather3A_494[%add3A_489, %broadcast_in_dim3A_444] : memref<64x128xf32, #tpu.memory_space<vmem>>[vector<16xi32>, vector<16xi32>], vector<16xf32>,
      %gather3A_496 = tpu.vector_load_idx %arg7[%add3A_489, %broadcast_in_dim3A_447] : memref<64x512xf32, #tpu.memory_space<vmem>>[vector<16xi32>, vector<16xi32>], vector<16xf32>,
      %sub3A_497 = arith.subf %gather3A_496, %gather3A_495 : vector<16xf32>
      %mul3A_498 = arith.mulf %sub3A_497, %sub3A_497 : vector<16xf32>
      %add3A_499 = arith.addf %add3A_396, %mul3A_498 : vector<16xf32>
      %slice3A_500 = vector.extract_strided_slice %get3A_207 {offsets = [10], sizes = [1], strides = [1]} : vector<16xi32> to vector<1xi32>
      %squeeze3A_501 = vector.extract %slice3A_500[0] : i32 from vector<1xi32>
      %and3A_502 = arith.constant -128 : i32
      %and3A_503 = arith.andi %squeeze3A_501, %and3A_502 : i32
      %multiple_of3A_504 = tpu.assume_multiple %and3A_503, 128 : i32
      %dma_start3A_505 = arith.constant 2 : i32
      %dma_start3A_506 = arith.constant 2 : i32
      %dma_start3A_507 = arith.constant 0 : i32
      %dma_start3A_508 = arith.constant 0 : i32
      %dma_start3A_509 = tpu.memref_slice %arg8[%dma_start3A_505, %dma_start3A_507, %dma_start3A_508] : memref<8x64x128xf32, #tpu.memory_space<vmem>> -> memref<1x64x128xf32, #tpu.memory_space<vmem>>
      %dma_start3A_510 = tpu.memref_squeeze %dma_start3A_509 : memref<1x64x128xf32, #tpu.memory_space<vmem>> -> memref<64x128xf32, #tpu.memory_space<vmem>>
      %dma_start3A_511 = arith.constant 0 : i32
      %dma_start3A_512 = tpu.memref_slice %arg4[%dma_start3A_511, %multiple_of3A_504] : memref<64x1000000xf32, #tpu.memory_space<hbm>> -> memref<64x128xf32, #tpu.memory_space<hbm>>
      %dma_start3A_513 = tpu.memref_slice %arg12[%dma_start3A_506] : memref<8x!tpu.dma_semaphore, #tpu.memory_space<semaphore_mem>> -> memref<1x!tpu.dma_semaphore, #tpu.memory_space<semaphore_mem>>
      %dma_start3A_514 = tpu.memref_squeeze %dma_start3A_513 : memref<1x!tpu.dma_semaphore, #tpu.memory_space<semaphore_mem>> -> memref<!tpu.dma_semaphore, #tpu.memory_space<semaphore_mem>>
      %dma_start3A_515 = arith.constant 0 : i32
      %dma_start3A_516 = arith.constant 0 : i32
      %dma_start3A_517 = tpu.memref_slice %arg8[%dma_start3A_505, %dma_start3A_515, %dma_start3A_516] : memref<8x64x128xf32, #tpu.memory_space<vmem>> -> memref<1x64x128xf32, #tpu.memory_space<vmem>>
      %dma_start3A_518 = tpu.memref_squeeze %dma_start3A_517 : memref<1x64x128xf32, #tpu.memory_space<vmem>> -> memref<64x128xf32, #tpu.memory_space<vmem>>
      %dma_start3A_519 = arith.constant 0 : i32
      %dma_start3A_520 = tpu.memref_slice %arg4[%dma_start3A_519, %multiple_of3A_504] : memref<64x1000000xf32, #tpu.memory_space<hbm>> -> memref<64x128xf32, #tpu.memory_space<hbm>>
      tpu.enqueue_dma source(%dma_start3A_520 : memref<64x128xf32, #tpu.memory_space<hbm>>) target(%dma_start3A_518 : memref<64x128xf32, #tpu.memory_space<vmem>>) target_semaphore(%dma_start3A_514 : memref<!tpu.dma_semaphore, #tpu.memory_space<semaphore_mem>>)
      %mul3A_521 = arith.constant 16 : i32
      %mul3A_522 = arith.muli %scan3A_199, %mul3A_521 : i32
      %add3A_523 = arith.constant 3 : i32
      %add3A_524 = arith.addi %mul3A_522, %add3A_523 : i32
      %dma_wait3A_525 = arith.constant 3 : i32
      %dma_wait3A_526 = arith.constant 3 : i32
      %dma_wait3A_527 = arith.constant 0 : i32
      %dma_wait3A_528 = arith.constant 0 : i32
      %dma_wait3A_529 = tpu.memref_slice %arg8[%dma_wait3A_525, %dma_wait3A_527, %dma_wait3A_528] : memref<8x64x128xf32, #tpu.memory_space<vmem>> -> memref<1x64x128xf32, #tpu.memory_space<vmem>>
      %dma_wait3A_530 = tpu.memref_squeeze %dma_wait3A_529 : memref<1x64x128xf32, #tpu.memory_space<vmem>> -> memref<64x128xf32, #tpu.memory_space<vmem>>
      %dma_wait3A_531 = arith.constant 0 : i32
      %dma_wait3A_532 = arith.constant 0 : i32
      %dma_wait3A_533 = tpu.memref_slice %arg4[%dma_wait3A_531, %dma_wait3A_532] : memref<64x1000000xf32, #tpu.memory_space<hbm>> -> memref<64x128xf32, #tpu.memory_space<hbm>>
      %dma_wait3A_534 = tpu.memref_slice %arg12[%dma_wait3A_526] : memref<8x!tpu.dma_semaphore, #tpu.memory_space<semaphore_mem>> -> memref<1x!tpu.dma_semaphore, #tpu.memory_space<semaphore_mem>>
      %dma_wait3A_535 = tpu.memref_squeeze %dma_wait3A_534 : memref<1x!tpu.dma_semaphore, #tpu.memory_space<semaphore_mem>> -> memref<!tpu.dma_semaphore, #tpu.memory_space<semaphore_mem>>
      %dma_wait3A_536 = arith.constant 0 : i32
      %dma_wait3A_537 = arith.constant 0 : i32
      %dma_wait3A_538 = tpu.memref_slice %arg8[%dma_wait3A_525, %dma_wait3A_536, %dma_wait3A_537] : memref<8x64x128xf32, #tpu.memory_space<vmem>> -> memref<1x64x128xf32, #tpu.memory_space<vmem>>
      %dma_wait3A_539 = tpu.memref_squeeze %dma_wait3A_538 : memref<1x64x128xf32, #tpu.memory_space<vmem>> -> memref<64x128xf32, #tpu.memory_space<vmem>>
      %dma_wait3A_540 = arith.constant 0 : i32
      %dma_wait3A_541 = arith.constant 0 : i32
      %dma_wait3A_542 = tpu.memref_slice %arg4[%dma_wait3A_540, %dma_wait3A_541] : memref<64x1000000xf32, #tpu.memory_space<hbm>> -> memref<64x128xf32, #tpu.memory_space<hbm>>
      tpu.wait_dma2 semaphore(%dma_wait3A_535 : memref<!tpu.dma_semaphore, #tpu.memory_space<semaphore_mem>>) src(%dma_wait3A_542 : memref<64x128xf32, #tpu.memory_space<hbm>>) dst(%dma_wait3A_539 : memref<64x128xf32, #tpu.memory_space<vmem>>)
      %slice3A_543 = vector.extract_strided_slice %get3A_207 {offsets = [3], sizes = [1], strides = [1]} : vector<16xi32> to vector<1xi32>
      %squeeze3A_544 = vector.extract %slice3A_543[0] : i32 from vector<1xi32>
      %and3A_545 = arith.constant 127 : i32
      %and3A_546 = arith.andi %squeeze3A_544, %and3A_545 : i32
      %broadcast_in_dim3A_547 = vector.broadcast %and3A_546 : i32 to vector<16xi32>
      %add3A_548 = arith.constant 0 : i32
      %add3A_549 = arith.addi %add3A_548, %add3A_524 : i32
      %broadcast_in_dim3A_550 = vector.broadcast %add3A_549 : i32 to vector<16xi32>
      %add3A_551 = arith.constant 0 : i32
      %add3A_552 = vector.broadcast %add3A_551 : i32 to vector<16xi32>
      %add3A_553 = arith.addi %iota3A, %add3A_552 : vector<16xi32>
      %gather3A_554 = arith.constant 3 : i32
      %gather3A_555 = arith.constant 0 : i32
      %gather3A_556 = arith.constant 0 : i32
      %gather3A_557 = tpu.memref_slice %arg8[%gather3A_554, %gather3A_555, %gather3A_556] : memref<8x64x128xf32, #tpu.memory_space<vmem>> -> memref<1x64x128xf32, #tpu.memory_space<vmem>>
      %gather3A_558 = tpu.memref_squeeze %gather3A_557 : memref<1x64x128xf32, #tpu.memory_space<vmem>> -> memref<64x128xf32, #tpu.memory_space<vmem>>
      %gather3A_559 = tpu.vector_load_idx %gather3A_558[%add3A_553, %broadcast_in_dim3A_547] : memref<64x128xf32, #tpu.memory_space<vmem>>[vector<16xi32>, vector<16xi32>], vector<16xf32>,
      %gather3A_560 = tpu.vector_load_idx %arg7[%add3A_553, %broadcast_in_dim3A_550] : memref<64x512xf32, #tpu.memory_space<vmem>>[vector<16xi32>, vector<16xi32>], vector<16xf32>,
      %sub3A_561 = arith.subf %gather3A_560, %gather3A_559 : vector<16xf32>
      %mul3A_562 = arith.mulf %sub3A_561, %sub3A_561 : vector<16xf32>
      %add3A_563 = arith.addf %add3A_460, %mul3A_562 : vector<16xf32>
      %add3A_564 = arith.constant 16 : i32
      %add3A_565 = vector.broadcast %add3A_564 : i32 to vector<16xi32>
      %add3A_566 = arith.addi %iota3A, %add3A_565 : vector<16xi32>
      %gather3A_567 = arith.constant 3 : i32
      %gather3A_568 = arith.constant 0 : i32
      %gather3A_569 = arith.constant 0 : i32
      %gather3A_570 = tpu.memref_slice %arg8[%gather3A_567, %gather3A_568, %gather3A_569] : memref<8x64x128xf32, #tpu.memory_space<vmem>> -> memref<1x64x128xf32, #tpu.memory_space<vmem>>
      %gather3A_571 = tpu.memref_squeeze %gather3A_570 : memref<1x64x128xf32, #tpu.memory_space<vmem>> -> memref<64x128xf32, #tpu.memory_space<vmem>>
      %gather3A_572 = tpu.vector_load_idx %gather3A_571[%add3A_566, %broadcast_in_dim3A_547] : memref<64x128xf32, #tpu.memory_space<vmem>>[vector<16xi32>, vector<16xi32>], vector<16xf32>,
      %gather3A_573 = tpu.vector_load_idx %arg7[%add3A_566, %broadcast_in_dim3A_550] : memref<64x512xf32, #tpu.memory_space<vmem>>[vector<16xi32>, vector<16xi32>], vector<16xf32>,
      %sub3A_574 = arith.subf %gather3A_573, %gather3A_572 : vector<16xf32>
      %mul3A_575 = arith.mulf %sub3A_574, %sub3A_574 : vector<16xf32>
      %add3A_576 = arith.addf %add3A_473, %mul3A_575 : vector<16xf32>
      %add3A_577 = arith.constant 32 : i32
      %add3A_578 = vector.broadcast %add3A_577 : i32 to vector<16xi32>
      %add3A_579 = arith.addi %iota3A, %add3A_578 : vector<16xi32>
      %gather3A_580 = arith.constant 3 : i32
      %gather3A_581 = arith.constant 0 : i32
      %gather3A_582 = arith.constant 0 : i32
      %gather3A_583 = tpu.memref_slice %arg8[%gather3A_580, %gather3A_581, %gather3A_582] : memref<8x64x128xf32, #tpu.memory_space<vmem>> -> memref<1x64x128xf32, #tpu.memory_space<vmem>>
      %gather3A_584 = tpu.memref_squeeze %gather3A_583 : memref<1x64x128xf32, #tpu.memory_space<vmem>> -> memref<64x128xf32, #tpu.memory_space<vmem>>
      %gather3A_585 = tpu.vector_load_idx %gather3A_584[%add3A_579, %broadcast_in_dim3A_547] : memref<64x128xf32, #tpu.memory_space<vmem>>[vector<16xi32>, vector<16xi32>], vector<16xf32>,
      %gather3A_586 = tpu.vector_load_idx %arg7[%add3A_579, %broadcast_in_dim3A_550] : memref<64x512xf32, #tpu.memory_space<vmem>>[vector<16xi32>, vector<16xi32>], vector<16xf32>,
      %sub3A_587 = arith.subf %gather3A_586, %gather3A_585 : vector<16xf32>
      %mul3A_588 = arith.mulf %sub3A_587, %sub3A_587 : vector<16xf32>
      %add3A_589 = arith.addf %add3A_486, %mul3A_588 : vector<16xf32>
      %add3A_590 = arith.constant 48 : i32
      %add3A_591 = vector.broadcast %add3A_590 : i32 to vector<16xi32>
      %add3A_592 = arith.addi %iota3A, %add3A_591 : vector<16xi32>
      %gather3A_593 = arith.constant 3 : i32
      %gather3A_594 = arith.constant 0 : i32
      %gather3A_595 = arith.constant 0 : i32
      %gather3A_596 = tpu.memref_slice %arg8[%gather3A_593, %gather3A_594, %gather3A_595] : memref<8x64x128xf32, #tpu.memory_space<vmem>> -> memref<1x64x128xf32, #tpu.memory_space<vmem>>
      %gather3A_597 = tpu.memref_squeeze %gather3A_596 : memref<1x64x128xf32, #tpu.memory_space<vmem>> -> memref<64x128xf32, #tpu.memory_space<vmem>>
      %gather3A_598 = tpu.vector_load_idx %gather3A_597[%add3A_592, %broadcast_in_dim3A_547] : memref<64x128xf32, #tpu.memory_space<vmem>>[vector<16xi32>, vector<16xi32>], vector<16xf32>,
      %gather3A_599 = tpu.vector_load_idx %arg7[%add3A_592, %broadcast_in_dim3A_550] : memref<64x512xf32, #tpu.memory_space<vmem>>[vector<16xi32>, vector<16xi32>], vector<16xf32>,
      %sub3A_600 = arith.subf %gather3A_599, %gather3A_598 : vector<16xf32>
      %mul3A_601 = arith.mulf %sub3A_600, %sub3A_600 : vector<16xf32>
      %add3A_602 = arith.addf %add3A_499, %mul3A_601 : vector<16xf32>
      %slice3A_603 = vector.extract_strided_slice %get3A_207 {offsets = [11], sizes = [1], strides = [1]} : vector<16xi32> to vector<1xi32>
      %squeeze3A_604 = vector.extract %slice3A_603[0] : i32 from vector<1xi32>
      %and3A_605 = arith.constant -128 : i32
      %and3A_606 = arith.andi %squeeze3A_604, %and3A_605 : i32
      %multiple_of3A_607 = tpu.assume_multiple %and3A_606, 128 : i32
      %dma_start3A_608 = arith.constant 3 : i32
      %dma_start3A_609 = arith.constant 3 : i32
      %dma_start3A_610 = arith.constant 0 : i32
      %dma_start3A_611 = arith.constant 0 : i32
      %dma_start3A_612 = tpu.memref_slice %arg8[%dma_start3A_608, %dma_start3A_610, %dma_start3A_611] : memref<8x64x128xf32, #tpu.memory_space<vmem>> -> memref<1x64x128xf32, #tpu.memory_space<vmem>>
      %dma_start3A_613 = tpu.memref_squeeze %dma_start3A_612 : memref<1x64x128xf32, #tpu.memory_space<vmem>> -> memref<64x128xf32, #tpu.memory_space<vmem>>
      %dma_start3A_614 = arith.constant 0 : i32
      %dma_start3A_615 = tpu.memref_slice %arg4[%dma_start3A_614, %multiple_of3A_607] : memref<64x1000000xf32, #tpu.memory_space<hbm>> -> memref<64x128xf32, #tpu.memory_space<hbm>>
      %dma_start3A_616 = tpu.memref_slice %arg12[%dma_start3A_609] : memref<8x!tpu.dma_semaphore, #tpu.memory_space<semaphore_mem>> -> memref<1x!tpu.dma_semaphore, #tpu.memory_space<semaphore_mem>>
      %dma_start3A_617 = tpu.memref_squeeze %dma_start3A_616 : memref<1x!tpu.dma_semaphore, #tpu.memory_space<semaphore_mem>> -> memref<!tpu.dma_semaphore, #tpu.memory_space<semaphore_mem>>
      %dma_start3A_618 = arith.constant 0 : i32
      %dma_start3A_619 = arith.constant 0 : i32
      %dma_start3A_620 = tpu.memref_slice %arg8[%dma_start3A_608, %dma_start3A_618, %dma_start3A_619] : memref<8x64x128xf32, #tpu.memory_space<vmem>> -> memref<1x64x128xf32, #tpu.memory_space<vmem>>
      %dma_start3A_621 = tpu.memref_squeeze %dma_start3A_620 : memref<1x64x128xf32, #tpu.memory_space<vmem>> -> memref<64x128xf32, #tpu.memory_space<vmem>>
      %dma_start3A_622 = arith.constant 0 : i32
      %dma_start3A_623 = tpu.memref_slice %arg4[%dma_start3A_622, %multiple_of3A_607] : memref<64x1000000xf32, #tpu.memory_space<hbm>> -> memref<64x128xf32, #tpu.memory_space<hbm>>
      tpu.enqueue_dma source(%dma_start3A_623 : memref<64x128xf32, #tpu.memory_space<hbm>>) target(%dma_start3A_621 : memref<64x128xf32, #tpu.memory_space<vmem>>) target_semaphore(%dma_start3A_617 : memref<!tpu.dma_semaphore, #tpu.memory_space<semaphore_mem>>)
      %mul3A_624 = arith.constant 16 : i32
      %mul3A_625 = arith.muli %scan3A_199, %mul3A_624 : i32
      %add3A_626 = arith.constant 4 : i32
      %add3A_627 = arith.addi %mul3A_625, %add3A_626 : i32
      %dma_wait3A_628 = arith.constant 4 : i32
      %dma_wait3A_629 = arith.constant 4 : i32
      %dma_wait3A_630 = arith.constant 0 : i32
      %dma_wait3A_631 = arith.constant 0 : i32
      %dma_wait3A_632 = tpu.memref_slice %arg8[%dma_wait3A_628, %dma_wait3A_630, %dma_wait3A_631] : memref<8x64x128xf32, #tpu.memory_space<vmem>> -> memref<1x64x128xf32, #tpu.memory_space<vmem>>
      %dma_wait3A_633 = tpu.memref_squeeze %dma_wait3A_632 : memref<1x64x128xf32, #tpu.memory_space<vmem>> -> memref<64x128xf32, #tpu.memory_space<vmem>>
      %dma_wait3A_634 = arith.constant 0 : i32
      %dma_wait3A_635 = arith.constant 0 : i32
      %dma_wait3A_636 = tpu.memref_slice %arg4[%dma_wait3A_634, %dma_wait3A_635] : memref<64x1000000xf32, #tpu.memory_space<hbm>> -> memref<64x128xf32, #tpu.memory_space<hbm>>
      %dma_wait3A_637 = tpu.memref_slice %arg12[%dma_wait3A_629] : memref<8x!tpu.dma_semaphore, #tpu.memory_space<semaphore_mem>> -> memref<1x!tpu.dma_semaphore, #tpu.memory_space<semaphore_mem>>
      %dma_wait3A_638 = tpu.memref_squeeze %dma_wait3A_637 : memref<1x!tpu.dma_semaphore, #tpu.memory_space<semaphore_mem>> -> memref<!tpu.dma_semaphore, #tpu.memory_space<semaphore_mem>>
      %dma_wait3A_639 = arith.constant 0 : i32
      %dma_wait3A_640 = arith.constant 0 : i32
      %dma_wait3A_641 = tpu.memref_slice %arg8[%dma_wait3A_628, %dma_wait3A_639, %dma_wait3A_640] : memref<8x64x128xf32, #tpu.memory_space<vmem>> -> memref<1x64x128xf32, #tpu.memory_space<vmem>>
      %dma_wait3A_642 = tpu.memref_squeeze %dma_wait3A_641 : memref<1x64x128xf32, #tpu.memory_space<vmem>> -> memref<64x128xf32, #tpu.memory_space<vmem>>
      %dma_wait3A_643 = arith.constant 0 : i32
      %dma_wait3A_644 = arith.constant 0 : i32
      %dma_wait3A_645 = tpu.memref_slice %arg4[%dma_wait3A_643, %dma_wait3A_644] : memref<64x1000000xf32, #tpu.memory_space<hbm>> -> memref<64x128xf32, #tpu.memory_space<hbm>>
      tpu.wait_dma2 semaphore(%dma_wait3A_638 : memref<!tpu.dma_semaphore, #tpu.memory_space<semaphore_mem>>) src(%dma_wait3A_645 : memref<64x128xf32, #tpu.memory_space<hbm>>) dst(%dma_wait3A_642 : memref<64x128xf32, #tpu.memory_space<vmem>>)
      %slice3A_646 = vector.extract_strided_slice %get3A_207 {offsets = [4], sizes = [1], strides = [1]} : vector<16xi32> to vector<1xi32>
      %squeeze3A_647 = vector.extract %slice3A_646[0] : i32 from vector<1xi32>
      %and3A_648 = arith.constant 127 : i32
      %and3A_649 = arith.andi %squeeze3A_647, %and3A_648 : i32
      %broadcast_in_dim3A_650 = vector.broadcast %and3A_649 : i32 to vector<16xi32>
      %add3A_651 = arith.constant 0 : i32
      %add3A_652 = arith.addi %add3A_651, %add3A_627 : i32
      %broadcast_in_dim3A_653 = vector.broadcast %add3A_652 : i32 to vector<16xi32>
      %add3A_654 = arith.constant 0 : i32
      %add3A_655 = vector.broadcast %add3A_654 : i32 to vector<16xi32>
      %add3A_656 = arith.addi %iota3A, %add3A_655 : vector<16xi32>
      %gather3A_657 = arith.constant 4 : i32
      %gather3A_658 = arith.constant 0 : i32
      %gather3A_659 = arith.constant 0 : i32
      %gather3A_660 = tpu.memref_slice %arg8[%gather3A_657, %gather3A_658, %gather3A_659] : memref<8x64x128xf32, #tpu.memory_space<vmem>> -> memref<1x64x128xf32, #tpu.memory_space<vmem>>
      %gather3A_661 = tpu.memref_squeeze %gather3A_660 : memref<1x64x128xf32, #tpu.memory_space<vmem>> -> memref<64x128xf32, #tpu.memory_space<vmem>>
      %gather3A_662 = tpu.vector_load_idx %gather3A_661[%add3A_656, %broadcast_in_dim3A_650] : memref<64x128xf32, #tpu.memory_space<vmem>>[vector<16xi32>, vector<16xi32>], vector<16xf32>,
      %gather3A_663 = tpu.vector_load_idx %arg7[%add3A_656, %broadcast_in_dim3A_653] : memref<64x512xf32, #tpu.memory_space<vmem>>[vector<16xi32>, vector<16xi32>], vector<16xf32>,
      %sub3A_664 = arith.subf %gather3A_663, %gather3A_662 : vector<16xf32>
      %mul3A_665 = arith.mulf %sub3A_664, %sub3A_664 : vector<16xf32>
      %add3A_666 = arith.addf %add3A_563, %mul3A_665 : vector<16xf32>
      %add3A_667 = arith.constant 16 : i32
      %add3A_668 = vector.broadcast %add3A_667 : i32 to vector<16xi32>
      %add3A_669 = arith.addi %iota3A, %add3A_668 : vector<16xi32>
      %gather3A_670 = arith.constant 4 : i32
      %gather3A_671 = arith.constant 0 : i32
      %gather3A_672 = arith.constant 0 : i32
      %gather3A_673 = tpu.memref_slice %arg8[%gather3A_670, %gather3A_671, %gather3A_672] : memref<8x64x128xf32, #tpu.memory_space<vmem>> -> memref<1x64x128xf32, #tpu.memory_space<vmem>>
      %gather3A_674 = tpu.memref_squeeze %gather3A_673 : memref<1x64x128xf32, #tpu.memory_space<vmem>> -> memref<64x128xf32, #tpu.memory_space<vmem>>
      %gather3A_675 = tpu.vector_load_idx %gather3A_674[%add3A_669, %broadcast_in_dim3A_650] : memref<64x128xf32, #tpu.memory_space<vmem>>[vector<16xi32>, vector<16xi32>], vector<16xf32>,
      %gather3A_676 = tpu.vector_load_idx %arg7[%add3A_669, %broadcast_in_dim3A_653] : memref<64x512xf32, #tpu.memory_space<vmem>>[vector<16xi32>, vector<16xi32>], vector<16xf32>,
      %sub3A_677 = arith.subf %gather3A_676, %gather3A_675 : vector<16xf32>
      %mul3A_678 = arith.mulf %sub3A_677, %sub3A_677 : vector<16xf32>
      %add3A_679 = arith.addf %add3A_576, %mul3A_678 : vector<16xf32>
      %add3A_680 = arith.constant 32 : i32
      %add3A_681 = vector.broadcast %add3A_680 : i32 to vector<16xi32>
      %add3A_682 = arith.addi %iota3A, %add3A_681 : vector<16xi32>
      %gather3A_683 = arith.constant 4 : i32
      %gather3A_684 = arith.constant 0 : i32
      %gather3A_685 = arith.constant 0 : i32
      %gather3A_686 = tpu.memref_slice %arg8[%gather3A_683, %gather3A_684, %gather3A_685] : memref<8x64x128xf32, #tpu.memory_space<vmem>> -> memref<1x64x128xf32, #tpu.memory_space<vmem>>
      %gather3A_687 = tpu.memref_squeeze %gather3A_686 : memref<1x64x128xf32, #tpu.memory_space<vmem>> -> memref<64x128xf32, #tpu.memory_space<vmem>>
      %gather3A_688 = tpu.vector_load_idx %gather3A_687[%add3A_682, %broadcast_in_dim3A_650] : memref<64x128xf32, #tpu.memory_space<vmem>>[vector<16xi32>, vector<16xi32>], vector<16xf32>,
      %gather3A_689 = tpu.vector_load_idx %arg7[%add3A_682, %broadcast_in_dim3A_653] : memref<64x512xf32, #tpu.memory_space<vmem>>[vector<16xi32>, vector<16xi32>], vector<16xf32>,
      %sub3A_690 = arith.subf %gather3A_689, %gather3A_688 : vector<16xf32>
      %mul3A_691 = arith.mulf %sub3A_690, %sub3A_690 : vector<16xf32>
      %add3A_692 = arith.addf %add3A_589, %mul3A_691 : vector<16xf32>
      %add3A_693 = arith.constant 48 : i32
      %add3A_694 = vector.broadcast %add3A_693 : i32 to vector<16xi32>
      %add3A_695 = arith.addi %iota3A, %add3A_694 : vector<16xi32>
      %gather3A_696 = arith.constant 4 : i32
      %gather3A_697 = arith.constant 0 : i32
      %gather3A_698 = arith.constant 0 : i32
      %gather3A_699 = tpu.memref_slice %arg8[%gather3A_696, %gather3A_697, %gather3A_698] : memref<8x64x128xf32, #tpu.memory_space<vmem>> -> memref<1x64x128xf32, #tpu.memory_space<vmem>>
      %gather3A_700 = tpu.memref_squeeze %gather3A_699 : memref<1x64x128xf32, #tpu.memory_space<vmem>> -> memref<64x128xf32, #tpu.memory_space<vmem>>
      %gather3A_701 = tpu.vector_load_idx %gather3A_700[%add3A_695, %broadcast_in_dim3A_650] : memref<64x128xf32, #tpu.memory_space<vmem>>[vector<16xi32>, vector<16xi32>], vector<16xf32>,
      %gather3A_702 = tpu.vector_load_idx %arg7[%add3A_695, %broadcast_in_dim3A_653] : memref<64x512xf32, #tpu.memory_space<vmem>>[vector<16xi32>, vector<16xi32>], vector<16xf32>,
      %sub3A_703 = arith.subf %gather3A_702, %gather3A_701 : vector<16xf32>
      %mul3A_704 = arith.mulf %sub3A_703, %sub3A_703 : vector<16xf32>
      %add3A_705 = arith.addf %add3A_602, %mul3A_704 : vector<16xf32>
      %slice3A_706 = vector.extract_strided_slice %get3A_207 {offsets = [12], sizes = [1], strides = [1]} : vector<16xi32> to vector<1xi32>
      %squeeze3A_707 = vector.extract %slice3A_706[0] : i32 from vector<1xi32>
      %and3A_708 = arith.constant -128 : i32
      %and3A_709 = arith.andi %squeeze3A_707, %and3A_708 : i32
      %multiple_of3A_710 = tpu.assume_multiple %and3A_709, 128 : i32
      %dma_start3A_711 = arith.constant 4 : i32
      %dma_start3A_712 = arith.constant 4 : i32
      %dma_start3A_713 = arith.constant 0 : i32
      %dma_start3A_714 = arith.constant 0 : i32
      %dma_start3A_715 = tpu.memref_slice %arg8[%dma_start3A_711, %dma_start3A_713, %dma_start3A_714] : memref<8x64x128xf32, #tpu.memory_space<vmem>> -> memref<1x64x128xf32, #tpu.memory_space<vmem>>
      %dma_start3A_716 = tpu.memref_squeeze %dma_start3A_715 : memref<1x64x128xf32, #tpu.memory_space<vmem>> -> memref<64x128xf32, #tpu.memory_space<vmem>>
      %dma_start3A_717 = arith.constant 0 : i32
      %dma_start3A_718 = tpu.memref_slice %arg4[%dma_start3A_717, %multiple_of3A_710] : memref<64x1000000xf32, #tpu.memory_space<hbm>> -> memref<64x128xf32, #tpu.memory_space<hbm>>
      %dma_start3A_719 = tpu.memref_slice %arg12[%dma_start3A_712] : memref<8x!tpu.dma_semaphore, #tpu.memory_space<semaphore_mem>> -> memref<1x!tpu.dma_semaphore, #tpu.memory_space<semaphore_mem>>
      %dma_start3A_720 = tpu.memref_squeeze %dma_start3A_719 : memref<1x!tpu.dma_semaphore, #tpu.memory_space<semaphore_mem>> -> memref<!tpu.dma_semaphore, #tpu.memory_space<semaphore_mem>>
      %dma_start3A_721 = arith.constant 0 : i32
      %dma_start3A_722 = arith.constant 0 : i32
      %dma_start3A_723 = tpu.memref_slice %arg8[%dma_start3A_711, %dma_start3A_721, %dma_start3A_722] : memref<8x64x128xf32, #tpu.memory_space<vmem>> -> memref<1x64x128xf32, #tpu.memory_space<vmem>>
      %dma_start3A_724 = tpu.memref_squeeze %dma_start3A_723 : memref<1x64x128xf32, #tpu.memory_space<vmem>> -> memref<64x128xf32, #tpu.memory_space<vmem>>
      %dma_start3A_725 = arith.constant 0 : i32
      %dma_start3A_726 = tpu.memref_slice %arg4[%dma_start3A_725, %multiple_of3A_710] : memref<64x1000000xf32, #tpu.memory_space<hbm>> -> memref<64x128xf32, #tpu.memory_space<hbm>>
      tpu.enqueue_dma source(%dma_start3A_726 : memref<64x128xf32, #tpu.memory_space<hbm>>) target(%dma_start3A_724 : memref<64x128xf32, #tpu.memory_space<vmem>>) target_semaphore(%dma_start3A_720 : memref<!tpu.dma_semaphore, #tpu.memory_space<semaphore_mem>>)
      %mul3A_727 = arith.constant 16 : i32
      %mul3A_728 = arith.muli %scan3A_199, %mul3A_727 : i32
      %add3A_729 = arith.constant 5 : i32
      %add3A_730 = arith.addi %mul3A_728, %add3A_729 : i32
      %dma_wait3A_731 = arith.constant 5 : i32
      %dma_wait3A_732 = arith.constant 5 : i32
      %dma_wait3A_733 = arith.constant 0 : i32
      %dma_wait3A_734 = arith.constant 0 : i32
      %dma_wait3A_735 = tpu.memref_slice %arg8[%dma_wait3A_731, %dma_wait3A_733, %dma_wait3A_734] : memref<8x64x128xf32, #tpu.memory_space<vmem>> -> memref<1x64x128xf32, #tpu.memory_space<vmem>>
      %dma_wait3A_736 = tpu.memref_squeeze %dma_wait3A_735 : memref<1x64x128xf32, #tpu.memory_space<vmem>> -> memref<64x128xf32, #tpu.memory_space<vmem>>
      %dma_wait3A_737 = arith.constant 0 : i32
      %dma_wait3A_738 = arith.constant 0 : i32
      %dma_wait3A_739 = tpu.memref_slice %arg4[%dma_wait3A_737, %dma_wait3A_738] : memref<64x1000000xf32, #tpu.memory_space<hbm>> -> memref<64x128xf32, #tpu.memory_space<hbm>>
      %dma_wait3A_740 = tpu.memref_slice %arg12[%dma_wait3A_732] : memref<8x!tpu.dma_semaphore, #tpu.memory_space<semaphore_mem>> -> memref<1x!tpu.dma_semaphore, #tpu.memory_space<semaphore_mem>>
      %dma_wait3A_741 = tpu.memref_squeeze %dma_wait3A_740 : memref<1x!tpu.dma_semaphore, #tpu.memory_space<semaphore_mem>> -> memref<!tpu.dma_semaphore, #tpu.memory_space<semaphore_mem>>
      %dma_wait3A_742 = arith.constant 0 : i32
      %dma_wait3A_743 = arith.constant 0 : i32
      %dma_wait3A_744 = tpu.memref_slice %arg8[%dma_wait3A_731, %dma_wait3A_742, %dma_wait3A_743] : memref<8x64x128xf32, #tpu.memory_space<vmem>> -> memref<1x64x128xf32, #tpu.memory_space<vmem>>
      %dma_wait3A_745 = tpu.memref_squeeze %dma_wait3A_744 : memref<1x64x128xf32, #tpu.memory_space<vmem>> -> memref<64x128xf32, #tpu.memory_space<vmem>>
      %dma_wait3A_746 = arith.constant 0 : i32
      %dma_wait3A_747 = arith.constant 0 : i32
      %dma_wait3A_748 = tpu.memref_slice %arg4[%dma_wait3A_746, %dma_wait3A_747] : memref<64x1000000xf32, #tpu.memory_space<hbm>> -> memref<64x128xf32, #tpu.memory_space<hbm>>
      tpu.wait_dma2 semaphore(%dma_wait3A_741 : memref<!tpu.dma_semaphore, #tpu.memory_space<semaphore_mem>>) src(%dma_wait3A_748 : memref<64x128xf32, #tpu.memory_space<hbm>>) dst(%dma_wait3A_745 : memref<64x128xf32, #tpu.memory_space<vmem>>)
      %slice3A_749 = vector.extract_strided_slice %get3A_207 {offsets = [5], sizes = [1], strides = [1]} : vector<16xi32> to vector<1xi32>
      %squeeze3A_750 = vector.extract %slice3A_749[0] : i32 from vector<1xi32>
      %and3A_751 = arith.constant 127 : i32
      %and3A_752 = arith.andi %squeeze3A_750, %and3A_751 : i32
      %broadcast_in_dim3A_753 = vector.broadcast %and3A_752 : i32 to vector<16xi32>
      %add3A_754 = arith.constant 0 : i32
      %add3A_755 = arith.addi %add3A_754, %add3A_730 : i32
      %broadcast_in_dim3A_756 = vector.broadcast %add3A_755 : i32 to vector<16xi32>
      %add3A_757 = arith.constant 0 : i32
      %add3A_758 = vector.broadcast %add3A_757 : i32 to vector<16xi32>
      %add3A_759 = arith.addi %iota3A, %add3A_758 : vector<16xi32>
      %gather3A_760 = arith.constant 5 : i32
      %gather3A_761 = arith.constant 0 : i32
      %gather3A_762 = arith.constant 0 : i32
      %gather3A_763 = tpu.memref_slice %arg8[%gather3A_760, %gather3A_761, %gather3A_762] : memref<8x64x128xf32, #tpu.memory_space<vmem>> -> memref<1x64x128xf32, #tpu.memory_space<vmem>>
      %gather3A_764 = tpu.memref_squeeze %gather3A_763 : memref<1x64x128xf32, #tpu.memory_space<vmem>> -> memref<64x128xf32, #tpu.memory_space<vmem>>
      %gather3A_765 = tpu.vector_load_idx %gather3A_764[%add3A_759, %broadcast_in_dim3A_753] : memref<64x128xf32, #tpu.memory_space<vmem>>[vector<16xi32>, vector<16xi32>], vector<16xf32>,
      %gather3A_766 = tpu.vector_load_idx %arg7[%add3A_759, %broadcast_in_dim3A_756] : memref<64x512xf32, #tpu.memory_space<vmem>>[vector<16xi32>, vector<16xi32>], vector<16xf32>,
      %sub3A_767 = arith.subf %gather3A_766, %gather3A_765 : vector<16xf32>
      %mul3A_768 = arith.mulf %sub3A_767, %sub3A_767 : vector<16xf32>
      %add3A_769 = arith.addf %add3A_666, %mul3A_768 : vector<16xf32>
      %add3A_770 = arith.constant 16 : i32
      %add3A_771 = vector.broadcast %add3A_770 : i32 to vector<16xi32>
      %add3A_772 = arith.addi %iota3A, %add3A_771 : vector<16xi32>
      %gather3A_773 = arith.constant 5 : i32
      %gather3A_774 = arith.constant 0 : i32
      %gather3A_775 = arith.constant 0 : i32
      %gather3A_776 = tpu.memref_slice %arg8[%gather3A_773, %gather3A_774, %gather3A_775] : memref<8x64x128xf32, #tpu.memory_space<vmem>> -> memref<1x64x128xf32, #tpu.memory_space<vmem>>
      %gather3A_777 = tpu.memref_squeeze %gather3A_776 : memref<1x64x128xf32, #tpu.memory_space<vmem>> -> memref<64x128xf32, #tpu.memory_space<vmem>>
      %gather3A_778 = tpu.vector_load_idx %gather3A_777[%add3A_772, %broadcast_in_dim3A_753] : memref<64x128xf32, #tpu.memory_space<vmem>>[vector<16xi32>, vector<16xi32>], vector<16xf32>,
      %gather3A_779 = tpu.vector_load_idx %arg7[%add3A_772, %broadcast_in_dim3A_756] : memref<64x512xf32, #tpu.memory_space<vmem>>[vector<16xi32>, vector<16xi32>], vector<16xf32>,
      %sub3A_780 = arith.subf %gather3A_779, %gather3A_778 : vector<16xf32>
      %mul3A_781 = arith.mulf %sub3A_780, %sub3A_780 : vector<16xf32>
      %add3A_782 = arith.addf %add3A_679, %mul3A_781 : vector<16xf32>
      %add3A_783 = arith.constant 32 : i32
      %add3A_784 = vector.broadcast %add3A_783 : i32 to vector<16xi32>
      %add3A_785 = arith.addi %iota3A, %add3A_784 : vector<16xi32>
      %gather3A_786 = arith.constant 5 : i32
      %gather3A_787 = arith.constant 0 : i32
      %gather3A_788 = arith.constant 0 : i32
      %gather3A_789 = tpu.memref_slice %arg8[%gather3A_786, %gather3A_787, %gather3A_788] : memref<8x64x128xf32, #tpu.memory_space<vmem>> -> memref<1x64x128xf32, #tpu.memory_space<vmem>>
      %gather3A_790 = tpu.memref_squeeze %gather3A_789 : memref<1x64x128xf32, #tpu.memory_space<vmem>> -> memref<64x128xf32, #tpu.memory_space<vmem>>
      %gather3A_791 = tpu.vector_load_idx %gather3A_790[%add3A_785, %broadcast_in_dim3A_753] : memref<64x128xf32, #tpu.memory_space<vmem>>[vector<16xi32>, vector<16xi32>], vector<16xf32>,
      %gather3A_792 = tpu.vector_load_idx %arg7[%add3A_785, %broadcast_in_dim3A_756] : memref<64x512xf32, #tpu.memory_space<vmem>>[vector<16xi32>, vector<16xi32>], vector<16xf32>,
      %sub3A_793 = arith.subf %gather3A_792, %gather3A_791 : vector<16xf32>
      %mul3A_794 = arith.mulf %sub3A_793, %sub3A_793 : vector<16xf32>
      %add3A_795 = arith.addf %add3A_692, %mul3A_794 : vector<16xf32>
      %add3A_796 = arith.constant 48 : i32
      %add3A_797 = vector.broadcast %add3A_796 : i32 to vector<16xi32>
      %add3A_798 = arith.addi %iota3A, %add3A_797 : vector<16xi32>
      %gather3A_799 = arith.constant 5 : i32
      %gather3A_800 = arith.constant 0 : i32
      %gather3A_801 = arith.constant 0 : i32
      %gather3A_802 = tpu.memref_slice %arg8[%gather3A_799, %gather3A_800, %gather3A_801] : memref<8x64x128xf32, #tpu.memory_space<vmem>> -> memref<1x64x128xf32, #tpu.memory_space<vmem>>
      %gather3A_803 = tpu.memref_squeeze %gather3A_802 : memref<1x64x128xf32, #tpu.memory_space<vmem>> -> memref<64x128xf32, #tpu.memory_space<vmem>>
      %gather3A_804 = tpu.vector_load_idx %gather3A_803[%add3A_798, %broadcast_in_dim3A_753] : memref<64x128xf32, #tpu.memory_space<vmem>>[vector<16xi32>, vector<16xi32>], vector<16xf32>,
      %gather3A_805 = tpu.vector_load_idx %arg7[%add3A_798, %broadcast_in_dim3A_756] : memref<64x512xf32, #tpu.memory_space<vmem>>[vector<16xi32>, vector<16xi32>], vector<16xf32>,
      %sub3A_806 = arith.subf %gather3A_805, %gather3A_804 : vector<16xf32>
      %mul3A_807 = arith.mulf %sub3A_806, %sub3A_806 : vector<16xf32>
      %add3A_808 = arith.addf %add3A_705, %mul3A_807 : vector<16xf32>
      %slice3A_809 = vector.extract_strided_slice %get3A_207 {offsets = [13], sizes = [1], strides = [1]} : vector<16xi32> to vector<1xi32>
      %squeeze3A_810 = vector.extract %slice3A_809[0] : i32 from vector<1xi32>
      %and3A_811 = arith.constant -128 : i32
      %and3A_812 = arith.andi %squeeze3A_810, %and3A_811 : i32
      %multiple_of3A_813 = tpu.assume_multiple %and3A_812, 128 : i32
      %dma_start3A_814 = arith.constant 5 : i32
      %dma_start3A_815 = arith.constant 5 : i32
      %dma_start3A_816 = arith.constant 0 : i32
      %dma_start3A_817 = arith.constant 0 : i32
      %dma_start3A_818 = tpu.memref_slice %arg8[%dma_start3A_814, %dma_start3A_816, %dma_start3A_817] : memref<8x64x128xf32, #tpu.memory_space<vmem>> -> memref<1x64x128xf32, #tpu.memory_space<vmem>>
      %dma_start3A_819 = tpu.memref_squeeze %dma_start3A_818 : memref<1x64x128xf32, #tpu.memory_space<vmem>> -> memref<64x128xf32, #tpu.memory_space<vmem>>
      %dma_start3A_820 = arith.constant 0 : i32
      %dma_start3A_821 = tpu.memref_slice %arg4[%dma_start3A_820, %multiple_of3A_813] : memref<64x1000000xf32, #tpu.memory_space<hbm>> -> memref<64x128xf32, #tpu.memory_space<hbm>>
      %dma_start3A_822 = tpu.memref_slice %arg12[%dma_start3A_815] : memref<8x!tpu.dma_semaphore, #tpu.memory_space<semaphore_mem>> -> memref<1x!tpu.dma_semaphore, #tpu.memory_space<semaphore_mem>>
      %dma_start3A_823 = tpu.memref_squeeze %dma_start3A_822 : memref<1x!tpu.dma_semaphore, #tpu.memory_space<semaphore_mem>> -> memref<!tpu.dma_semaphore, #tpu.memory_space<semaphore_mem>>
      %dma_start3A_824 = arith.constant 0 : i32
      %dma_start3A_825 = arith.constant 0 : i32
      %dma_start3A_826 = tpu.memref_slice %arg8[%dma_start3A_814, %dma_start3A_824, %dma_start3A_825] : memref<8x64x128xf32, #tpu.memory_space<vmem>> -> memref<1x64x128xf32, #tpu.memory_space<vmem>>
      %dma_start3A_827 = tpu.memref_squeeze %dma_start3A_826 : memref<1x64x128xf32, #tpu.memory_space<vmem>> -> memref<64x128xf32, #tpu.memory_space<vmem>>
      %dma_start3A_828 = arith.constant 0 : i32
      %dma_start3A_829 = tpu.memref_slice %arg4[%dma_start3A_828, %multiple_of3A_813] : memref<64x1000000xf32, #tpu.memory_space<hbm>> -> memref<64x128xf32, #tpu.memory_space<hbm>>
      tpu.enqueue_dma source(%dma_start3A_829 : memref<64x128xf32, #tpu.memory_space<hbm>>) target(%dma_start3A_827 : memref<64x128xf32, #tpu.memory_space<vmem>>) target_semaphore(%dma_start3A_823 : memref<!tpu.dma_semaphore, #tpu.memory_space<semaphore_mem>>)
      %mul3A_830 = arith.constant 16 : i32
      %mul3A_831 = arith.muli %scan3A_199, %mul3A_830 : i32
      %add3A_832 = arith.constant 6 : i32
      %add3A_833 = arith.addi %mul3A_831, %add3A_832 : i32
      %dma_wait3A_834 = arith.constant 6 : i32
      %dma_wait3A_835 = arith.constant 6 : i32
      %dma_wait3A_836 = arith.constant 0 : i32
      %dma_wait3A_837 = arith.constant 0 : i32
      %dma_wait3A_838 = tpu.memref_slice %arg8[%dma_wait3A_834, %dma_wait3A_836, %dma_wait3A_837] : memref<8x64x128xf32, #tpu.memory_space<vmem>> -> memref<1x64x128xf32, #tpu.memory_space<vmem>>
      %dma_wait3A_839 = tpu.memref_squeeze %dma_wait3A_838 : memref<1x64x128xf32, #tpu.memory_space<vmem>> -> memref<64x128xf32, #tpu.memory_space<vmem>>
      %dma_wait3A_840 = arith.constant 0 : i32
      %dma_wait3A_841 = arith.constant 0 : i32
      %dma_wait3A_842 = tpu.memref_slice %arg4[%dma_wait3A_840, %dma_wait3A_841] : memref<64x1000000xf32, #tpu.memory_space<hbm>> -> memref<64x128xf32, #tpu.memory_space<hbm>>
      %dma_wait3A_843 = tpu.memref_slice %arg12[%dma_wait3A_835] : memref<8x!tpu.dma_semaphore, #tpu.memory_space<semaphore_mem>> -> memref<1x!tpu.dma_semaphore, #tpu.memory_space<semaphore_mem>>
      %dma_wait3A_844 = tpu.memref_squeeze %dma_wait3A_843 : memref<1x!tpu.dma_semaphore, #tpu.memory_space<semaphore_mem>> -> memref<!tpu.dma_semaphore, #tpu.memory_space<semaphore_mem>>
      %dma_wait3A_845 = arith.constant 0 : i32
      %dma_wait3A_846 = arith.constant 0 : i32
      %dma_wait3A_847 = tpu.memref_slice %arg8[%dma_wait3A_834, %dma_wait3A_845, %dma_wait3A_846] : memref<8x64x128xf32, #tpu.memory_space<vmem>> -> memref<1x64x128xf32, #tpu.memory_space<vmem>>
      %dma_wait3A_848 = tpu.memref_squeeze %dma_wait3A_847 : memref<1x64x128xf32, #tpu.memory_space<vmem>> -> memref<64x128xf32, #tpu.memory_space<vmem>>
      %dma_wait3A_849 = arith.constant 0 : i32
      %dma_wait3A_850 = arith.constant 0 : i32
      %dma_wait3A_851 = tpu.memref_slice %arg4[%dma_wait3A_849, %dma_wait3A_850] : memref<64x1000000xf32, #tpu.memory_space<hbm>> -> memref<64x128xf32, #tpu.memory_space<hbm>>
      tpu.wait_dma2 semaphore(%dma_wait3A_844 : memref<!tpu.dma_semaphore, #tpu.memory_space<semaphore_mem>>) src(%dma_wait3A_851 : memref<64x128xf32, #tpu.memory_space<hbm>>) dst(%dma_wait3A_848 : memref<64x128xf32, #tpu.memory_space<vmem>>)
      %slice3A_852 = vector.extract_strided_slice %get3A_207 {offsets = [6], sizes = [1], strides = [1]} : vector<16xi32> to vector<1xi32>
      %squeeze3A_853 = vector.extract %slice3A_852[0] : i32 from vector<1xi32>
      %and3A_854 = arith.constant 127 : i32
      %and3A_855 = arith.andi %squeeze3A_853, %and3A_854 : i32
      %broadcast_in_dim3A_856 = vector.broadcast %and3A_855 : i32 to vector<16xi32>
      %add3A_857 = arith.constant 0 : i32
      %add3A_858 = arith.addi %add3A_857, %add3A_833 : i32
      %broadcast_in_dim3A_859 = vector.broadcast %add3A_858 : i32 to vector<16xi32>
      %add3A_860 = arith.constant 0 : i32
      %add3A_861 = vector.broadcast %add3A_860 : i32 to vector<16xi32>
      %add3A_862 = arith.addi %iota3A, %add3A_861 : vector<16xi32>
      %gather3A_863 = arith.constant 6 : i32
      %gather3A_864 = arith.constant 0 : i32
      %gather3A_865 = arith.constant 0 : i32
      %gather3A_866 = tpu.memref_slice %arg8[%gather3A_863, %gather3A_864, %gather3A_865] : memref<8x64x128xf32, #tpu.memory_space<vmem>> -> memref<1x64x128xf32, #tpu.memory_space<vmem>>
      %gather3A_867 = tpu.memref_squeeze %gather3A_866 : memref<1x64x128xf32, #tpu.memory_space<vmem>> -> memref<64x128xf32, #tpu.memory_space<vmem>>
      %gather3A_868 = tpu.vector_load_idx %gather3A_867[%add3A_862, %broadcast_in_dim3A_856] : memref<64x128xf32, #tpu.memory_space<vmem>>[vector<16xi32>, vector<16xi32>], vector<16xf32>,
      %gather3A_869 = tpu.vector_load_idx %arg7[%add3A_862, %broadcast_in_dim3A_859] : memref<64x512xf32, #tpu.memory_space<vmem>>[vector<16xi32>, vector<16xi32>], vector<16xf32>,
      %sub3A_870 = arith.subf %gather3A_869, %gather3A_868 : vector<16xf32>
      %mul3A_871 = arith.mulf %sub3A_870, %sub3A_870 : vector<16xf32>
      %add3A_872 = arith.addf %add3A_769, %mul3A_871 : vector<16xf32>
      %add3A_873 = arith.constant 16 : i32
      %add3A_874 = vector.broadcast %add3A_873 : i32 to vector<16xi32>
      %add3A_875 = arith.addi %iota3A, %add3A_874 : vector<16xi32>
      %gather3A_876 = arith.constant 6 : i32
      %gather3A_877 = arith.constant 0 : i32
      %gather3A_878 = arith.constant 0 : i32
      %gather3A_879 = tpu.memref_slice %arg8[%gather3A_876, %gather3A_877, %gather3A_878] : memref<8x64x128xf32, #tpu.memory_space<vmem>> -> memref<1x64x128xf32, #tpu.memory_space<vmem>>
      %gather3A_880 = tpu.memref_squeeze %gather3A_879 : memref<1x64x128xf32, #tpu.memory_space<vmem>> -> memref<64x128xf32, #tpu.memory_space<vmem>>
      %gather3A_881 = tpu.vector_load_idx %gather3A_880[%add3A_875, %broadcast_in_dim3A_856] : memref<64x128xf32, #tpu.memory_space<vmem>>[vector<16xi32>, vector<16xi32>], vector<16xf32>,
      %gather3A_882 = tpu.vector_load_idx %arg7[%add3A_875, %broadcast_in_dim3A_859] : memref<64x512xf32, #tpu.memory_space<vmem>>[vector<16xi32>, vector<16xi32>], vector<16xf32>,
      %sub3A_883 = arith.subf %gather3A_882, %gather3A_881 : vector<16xf32>
      %mul3A_884 = arith.mulf %sub3A_883, %sub3A_883 : vector<16xf32>
      %add3A_885 = arith.addf %add3A_782, %mul3A_884 : vector<16xf32>
      %add3A_886 = arith.constant 32 : i32
      %add3A_887 = vector.broadcast %add3A_886 : i32 to vector<16xi32>
      %add3A_888 = arith.addi %iota3A, %add3A_887 : vector<16xi32>
      %gather3A_889 = arith.constant 6 : i32
      %gather3A_890 = arith.constant 0 : i32
      %gather3A_891 = arith.constant 0 : i32
      %gather3A_892 = tpu.memref_slice %arg8[%gather3A_889, %gather3A_890, %gather3A_891] : memref<8x64x128xf32, #tpu.memory_space<vmem>> -> memref<1x64x128xf32, #tpu.memory_space<vmem>>
      %gather3A_893 = tpu.memref_squeeze %gather3A_892 : memref<1x64x128xf32, #tpu.memory_space<vmem>> -> memref<64x128xf32, #tpu.memory_space<vmem>>
      %gather3A_894 = tpu.vector_load_idx %gather3A_893[%add3A_888, %broadcast_in_dim3A_856] : memref<64x128xf32, #tpu.memory_space<vmem>>[vector<16xi32>, vector<16xi32>], vector<16xf32>,
      %gather3A_895 = tpu.vector_load_idx %arg7[%add3A_888, %broadcast_in_dim3A_859] : memref<64x512xf32, #tpu.memory_space<vmem>>[vector<16xi32>, vector<16xi32>], vector<16xf32>,
      %sub3A_896 = arith.subf %gather3A_895, %gather3A_894 : vector<16xf32>
      %mul3A_897 = arith.mulf %sub3A_896, %sub3A_896 : vector<16xf32>
      %add3A_898 = arith.addf %add3A_795, %mul3A_897 : vector<16xf32>
      %add3A_899 = arith.constant 48 : i32
      %add3A_900 = vector.broadcast %add3A_899 : i32 to vector<16xi32>
      %add3A_901 = arith.addi %iota3A, %add3A_900 : vector<16xi32>
      %gather3A_902 = arith.constant 6 : i32
      %gather3A_903 = arith.constant 0 : i32
      %gather3A_904 = arith.constant 0 : i32
      %gather3A_905 = tpu.memref_slice %arg8[%gather3A_902, %gather3A_903, %gather3A_904] : memref<8x64x128xf32, #tpu.memory_space<vmem>> -> memref<1x64x128xf32, #tpu.memory_space<vmem>>
      %gather3A_906 = tpu.memref_squeeze %gather3A_905 : memref<1x64x128xf32, #tpu.memory_space<vmem>> -> memref<64x128xf32, #tpu.memory_space<vmem>>
      %gather3A_907 = tpu.vector_load_idx %gather3A_906[%add3A_901, %broadcast_in_dim3A_856] : memref<64x128xf32, #tpu.memory_space<vmem>>[vector<16xi32>, vector<16xi32>], vector<16xf32>,
      %gather3A_908 = tpu.vector_load_idx %arg7[%add3A_901, %broadcast_in_dim3A_859] : memref<64x512xf32, #tpu.memory_space<vmem>>[vector<16xi32>, vector<16xi32>], vector<16xf32>,
      %sub3A_909 = arith.subf %gather3A_908, %gather3A_907 : vector<16xf32>
      %mul3A_910 = arith.mulf %sub3A_909, %sub3A_909 : vector<16xf32>
      %add3A_911 = arith.addf %add3A_808, %mul3A_910 : vector<16xf32>
      %slice3A_912 = vector.extract_strided_slice %get3A_207 {offsets = [14], sizes = [1], strides = [1]} : vector<16xi32> to vector<1xi32>
      %squeeze3A_913 = vector.extract %slice3A_912[0] : i32 from vector<1xi32>
      %and3A_914 = arith.constant -128 : i32
      %and3A_915 = arith.andi %squeeze3A_913, %and3A_914 : i32
      %multiple_of3A_916 = tpu.assume_multiple %and3A_915, 128 : i32
      %dma_start3A_917 = arith.constant 6 : i32
      %dma_start3A_918 = arith.constant 6 : i32
      %dma_start3A_919 = arith.constant 0 : i32
      %dma_start3A_920 = arith.constant 0 : i32
      %dma_start3A_921 = tpu.memref_slice %arg8[%dma_start3A_917, %dma_start3A_919, %dma_start3A_920] : memref<8x64x128xf32, #tpu.memory_space<vmem>> -> memref<1x64x128xf32, #tpu.memory_space<vmem>>
      %dma_start3A_922 = tpu.memref_squeeze %dma_start3A_921 : memref<1x64x128xf32, #tpu.memory_space<vmem>> -> memref<64x128xf32, #tpu.memory_space<vmem>>
      %dma_start3A_923 = arith.constant 0 : i32
      %dma_start3A_924 = tpu.memref_slice %arg4[%dma_start3A_923, %multiple_of3A_916] : memref<64x1000000xf32, #tpu.memory_space<hbm>> -> memref<64x128xf32, #tpu.memory_space<hbm>>
      %dma_start3A_925 = tpu.memref_slice %arg12[%dma_start3A_918] : memref<8x!tpu.dma_semaphore, #tpu.memory_space<semaphore_mem>> -> memref<1x!tpu.dma_semaphore, #tpu.memory_space<semaphore_mem>>
      %dma_start3A_926 = tpu.memref_squeeze %dma_start3A_925 : memref<1x!tpu.dma_semaphore, #tpu.memory_space<semaphore_mem>> -> memref<!tpu.dma_semaphore, #tpu.memory_space<semaphore_mem>>
      %dma_start3A_927 = arith.constant 0 : i32
      %dma_start3A_928 = arith.constant 0 : i32
      %dma_start3A_929 = tpu.memref_slice %arg8[%dma_start3A_917, %dma_start3A_927, %dma_start3A_928] : memref<8x64x128xf32, #tpu.memory_space<vmem>> -> memref<1x64x128xf32, #tpu.memory_space<vmem>>
      %dma_start3A_930 = tpu.memref_squeeze %dma_start3A_929 : memref<1x64x128xf32, #tpu.memory_space<vmem>> -> memref<64x128xf32, #tpu.memory_space<vmem>>
      %dma_start3A_931 = arith.constant 0 : i32
      %dma_start3A_932 = tpu.memref_slice %arg4[%dma_start3A_931, %multiple_of3A_916] : memref<64x1000000xf32, #tpu.memory_space<hbm>> -> memref<64x128xf32, #tpu.memory_space<hbm>>
      tpu.enqueue_dma source(%dma_start3A_932 : memref<64x128xf32, #tpu.memory_space<hbm>>) target(%dma_start3A_930 : memref<64x128xf32, #tpu.memory_space<vmem>>) target_semaphore(%dma_start3A_926 : memref<!tpu.dma_semaphore, #tpu.memory_space<semaphore_mem>>)
      %mul3A_933 = arith.constant 16 : i32
      %mul3A_934 = arith.muli %scan3A_199, %mul3A_933 : i32
      %add3A_935 = arith.constant 7 : i32
      %add3A_936 = arith.addi %mul3A_934, %add3A_935 : i32
      %dma_wait3A_937 = arith.constant 7 : i32
      %dma_wait3A_938 = arith.constant 7 : i32
      %dma_wait3A_939 = arith.constant 0 : i32
      %dma_wait3A_940 = arith.constant 0 : i32
      %dma_wait3A_941 = tpu.memref_slice %arg8[%dma_wait3A_937, %dma_wait3A_939, %dma_wait3A_940] : memref<8x64x128xf32, #tpu.memory_space<vmem>> -> memref<1x64x128xf32, #tpu.memory_space<vmem>>
      %dma_wait3A_942 = tpu.memref_squeeze %dma_wait3A_941 : memref<1x64x128xf32, #tpu.memory_space<vmem>> -> memref<64x128xf32, #tpu.memory_space<vmem>>
      %dma_wait3A_943 = arith.constant 0 : i32
      %dma_wait3A_944 = arith.constant 0 : i32
      %dma_wait3A_945 = tpu.memref_slice %arg4[%dma_wait3A_943, %dma_wait3A_944] : memref<64x1000000xf32, #tpu.memory_space<hbm>> -> memref<64x128xf32, #tpu.memory_space<hbm>>
      %dma_wait3A_946 = tpu.memref_slice %arg12[%dma_wait3A_938] : memref<8x!tpu.dma_semaphore, #tpu.memory_space<semaphore_mem>> -> memref<1x!tpu.dma_semaphore, #tpu.memory_space<semaphore_mem>>
      %dma_wait3A_947 = tpu.memref_squeeze %dma_wait3A_946 : memref<1x!tpu.dma_semaphore, #tpu.memory_space<semaphore_mem>> -> memref<!tpu.dma_semaphore, #tpu.memory_space<semaphore_mem>>
      %dma_wait3A_948 = arith.constant 0 : i32
      %dma_wait3A_949 = arith.constant 0 : i32
      %dma_wait3A_950 = tpu.memref_slice %arg8[%dma_wait3A_937, %dma_wait3A_948, %dma_wait3A_949] : memref<8x64x128xf32, #tpu.memory_space<vmem>> -> memref<1x64x128xf32, #tpu.memory_space<vmem>>
      %dma_wait3A_951 = tpu.memref_squeeze %dma_wait3A_950 : memref<1x64x128xf32, #tpu.memory_space<vmem>> -> memref<64x128xf32, #tpu.memory_space<vmem>>
      %dma_wait3A_952 = arith.constant 0 : i32
      %dma_wait3A_953 = arith.constant 0 : i32
      %dma_wait3A_954 = tpu.memref_slice %arg4[%dma_wait3A_952, %dma_wait3A_953] : memref<64x1000000xf32, #tpu.memory_space<hbm>> -> memref<64x128xf32, #tpu.memory_space<hbm>>
      tpu.wait_dma2 semaphore(%dma_wait3A_947 : memref<!tpu.dma_semaphore, #tpu.memory_space<semaphore_mem>>) src(%dma_wait3A_954 : memref<64x128xf32, #tpu.memory_space<hbm>>) dst(%dma_wait3A_951 : memref<64x128xf32, #tpu.memory_space<vmem>>)
      %slice3A_955 = vector.extract_strided_slice %get3A_207 {offsets = [7], sizes = [1], strides = [1]} : vector<16xi32> to vector<1xi32>
      %squeeze3A_956 = vector.extract %slice3A_955[0] : i32 from vector<1xi32>
      %and3A_957 = arith.constant 127 : i32
      %and3A_958 = arith.andi %squeeze3A_956, %and3A_957 : i32
      %broadcast_in_dim3A_959 = vector.broadcast %and3A_958 : i32 to vector<16xi32>
      %add3A_960 = arith.constant 0 : i32
      %add3A_961 = arith.addi %add3A_960, %add3A_936 : i32
      %broadcast_in_dim3A_962 = vector.broadcast %add3A_961 : i32 to vector<16xi32>
      %add3A_963 = arith.constant 0 : i32
      %add3A_964 = vector.broadcast %add3A_963 : i32 to vector<16xi32>
      %add3A_965 = arith.addi %iota3A, %add3A_964 : vector<16xi32>
      %gather3A_966 = arith.constant 7 : i32
      %gather3A_967 = arith.constant 0 : i32
      %gather3A_968 = arith.constant 0 : i32
      %gather3A_969 = tpu.memref_slice %arg8[%gather3A_966, %gather3A_967, %gather3A_968] : memref<8x64x128xf32, #tpu.memory_space<vmem>> -> memref<1x64x128xf32, #tpu.memory_space<vmem>>
      %gather3A_970 = tpu.memref_squeeze %gather3A_969 : memref<1x64x128xf32, #tpu.memory_space<vmem>> -> memref<64x128xf32, #tpu.memory_space<vmem>>
      %gather3A_971 = tpu.vector_load_idx %gather3A_970[%add3A_965, %broadcast_in_dim3A_959] : memref<64x128xf32, #tpu.memory_space<vmem>>[vector<16xi32>, vector<16xi32>], vector<16xf32>,
      %gather3A_972 = tpu.vector_load_idx %arg7[%add3A_965, %broadcast_in_dim3A_962] : memref<64x512xf32, #tpu.memory_space<vmem>>[vector<16xi32>, vector<16xi32>], vector<16xf32>,
      %sub3A_973 = arith.subf %gather3A_972, %gather3A_971 : vector<16xf32>
      %mul3A_974 = arith.mulf %sub3A_973, %sub3A_973 : vector<16xf32>
      %add3A_975 = arith.addf %add3A_872, %mul3A_974 : vector<16xf32>
      %add3A_976 = arith.constant 16 : i32
      %add3A_977 = vector.broadcast %add3A_976 : i32 to vector<16xi32>
      %add3A_978 = arith.addi %iota3A, %add3A_977 : vector<16xi32>
      %gather3A_979 = arith.constant 7 : i32
      %gather3A_980 = arith.constant 0 : i32
      %gather3A_981 = arith.constant 0 : i32
      %gather3A_982 = tpu.memref_slice %arg8[%gather3A_979, %gather3A_980, %gather3A_981] : memref<8x64x128xf32, #tpu.memory_space<vmem>> -> memref<1x64x128xf32, #tpu.memory_space<vmem>>
      %gather3A_983 = tpu.memref_squeeze %gather3A_982 : memref<1x64x128xf32, #tpu.memory_space<vmem>> -> memref<64x128xf32, #tpu.memory_space<vmem>>
      %gather3A_984 = tpu.vector_load_idx %gather3A_983[%add3A_978, %broadcast_in_dim3A_959] : memref<64x128xf32, #tpu.memory_space<vmem>>[vector<16xi32>, vector<16xi32>], vector<16xf32>,
      %gather3A_985 = tpu.vector_load_idx %arg7[%add3A_978, %broadcast_in_dim3A_962] : memref<64x512xf32, #tpu.memory_space<vmem>>[vector<16xi32>, vector<16xi32>], vector<16xf32>,
      %sub3A_986 = arith.subf %gather3A_985, %gather3A_984 : vector<16xf32>
      %mul3A_987 = arith.mulf %sub3A_986, %sub3A_986 : vector<16xf32>
      %add3A_988 = arith.addf %add3A_885, %mul3A_987 : vector<16xf32>
      %add3A_989 = arith.constant 32 : i32
      %add3A_990 = vector.broadcast %add3A_989 : i32 to vector<16xi32>
      %add3A_991 = arith.addi %iota3A, %add3A_990 : vector<16xi32>
      %gather3A_992 = arith.constant 7 : i32
      %gather3A_993 = arith.constant 0 : i32
      %gather3A_994 = arith.constant 0 : i32
      %gather3A_995 = tpu.memref_slice %arg8[%gather3A_992, %gather3A_993, %gather3A_994] : memref<8x64x128xf32, #tpu.memory_space<vmem>> -> memref<1x64x128xf32, #tpu.memory_space<vmem>>
      %gather3A_996 = tpu.memref_squeeze %gather3A_995 : memref<1x64x128xf32, #tpu.memory_space<vmem>> -> memref<64x128xf32, #tpu.memory_space<vmem>>
      %gather3A_997 = tpu.vector_load_idx %gather3A_996[%add3A_991, %broadcast_in_dim3A_959] : memref<64x128xf32, #tpu.memory_space<vmem>>[vector<16xi32>, vector<16xi32>], vector<16xf32>,
      %gather3A_998 = tpu.vector_load_idx %arg7[%add3A_991, %broadcast_in_dim3A_962] : memref<64x512xf32, #tpu.memory_space<vmem>>[vector<16xi32>, vector<16xi32>], vector<16xf32>,
      %sub3A_999 = arith.subf %gather3A_998, %gather3A_997 : vector<16xf32>
      %mul3A_1000 = arith.mulf %sub3A_999, %sub3A_999 : vector<16xf32>
      %add3A_1001 = arith.addf %add3A_898, %mul3A_1000 : vector<16xf32>
      %add3A_1002 = arith.constant 48 : i32
      %add3A_1003 = vector.broadcast %add3A_1002 : i32 to vector<16xi32>
      %add3A_1004 = arith.addi %iota3A, %add3A_1003 : vector<16xi32>
      %gather3A_1005 = arith.constant 7 : i32
      %gather3A_1006 = arith.constant 0 : i32
      %gather3A_1007 = arith.constant 0 : i32
      %gather3A_1008 = tpu.memref_slice %arg8[%gather3A_1005, %gather3A_1006, %gather3A_1007] : memref<8x64x128xf32, #tpu.memory_space<vmem>> -> memref<1x64x128xf32, #tpu.memory_space<vmem>>
      %gather3A_1009 = tpu.memref_squeeze %gather3A_1008 : memref<1x64x128xf32, #tpu.memory_space<vmem>> -> memref<64x128xf32, #tpu.memory_space<vmem>>
      %gather3A_1010 = tpu.vector_load_idx %gather3A_1009[%add3A_1004, %broadcast_in_dim3A_959] : memref<64x128xf32, #tpu.memory_space<vmem>>[vector<16xi32>, vector<16xi32>], vector<16xf32>,
      %gather3A_1011 = tpu.vector_load_idx %arg7[%add3A_1004, %broadcast_in_dim3A_962] : memref<64x512xf32, #tpu.memory_space<vmem>>[vector<16xi32>, vector<16xi32>], vector<16xf32>,
      %sub3A_1012 = arith.subf %gather3A_1011, %gather3A_1010 : vector<16xf32>
      %mul3A_1013 = arith.mulf %sub3A_1012, %sub3A_1012 : vector<16xf32>
      %add3A_1014 = arith.addf %add3A_911, %mul3A_1013 : vector<16xf32>
      %slice3A_1015 = vector.extract_strided_slice %get3A_207 {offsets = [15], sizes = [1], strides = [1]} : vector<16xi32> to vector<1xi32>
      %squeeze3A_1016 = vector.extract %slice3A_1015[0] : i32 from vector<1xi32>
      %and3A_1017 = arith.constant -128 : i32
      %and3A_1018 = arith.andi %squeeze3A_1016, %and3A_1017 : i32
      %multiple_of3A_1019 = tpu.assume_multiple %and3A_1018, 128 : i32
      %dma_start3A_1020 = arith.constant 7 : i32
      %dma_start3A_1021 = arith.constant 7 : i32
      %dma_start3A_1022 = arith.constant 0 : i32
      %dma_start3A_1023 = arith.constant 0 : i32
      %dma_start3A_1024 = tpu.memref_slice %arg8[%dma_start3A_1020, %dma_start3A_1022, %dma_start3A_1023] : memref<8x64x128xf32, #tpu.memory_space<vmem>> -> memref<1x64x128xf32, #tpu.memory_space<vmem>>
      %dma_start3A_1025 = tpu.memref_squeeze %dma_start3A_1024 : memref<1x64x128xf32, #tpu.memory_space<vmem>> -> memref<64x128xf32, #tpu.memory_space<vmem>>
      %dma_start3A_1026 = arith.constant 0 : i32
      %dma_start3A_1027 = tpu.memref_slice %arg4[%dma_start3A_1026, %multiple_of3A_1019] : memref<64x1000000xf32, #tpu.memory_space<hbm>> -> memref<64x128xf32, #tpu.memory_space<hbm>>
      %dma_start3A_1028 = tpu.memref_slice %arg12[%dma_start3A_1021] : memref<8x!tpu.dma_semaphore, #tpu.memory_space<semaphore_mem>> -> memref<1x!tpu.dma_semaphore, #tpu.memory_space<semaphore_mem>>
      %dma_start3A_1029 = tpu.memref_squeeze %dma_start3A_1028 : memref<1x!tpu.dma_semaphore, #tpu.memory_space<semaphore_mem>> -> memref<!tpu.dma_semaphore, #tpu.memory_space<semaphore_mem>>
      %dma_start3A_1030 = arith.constant 0 : i32
      %dma_start3A_1031 = arith.constant 0 : i32
      %dma_start3A_1032 = tpu.memref_slice %arg8[%dma_start3A_1020, %dma_start3A_1030, %dma_start3A_1031] : memref<8x64x128xf32, #tpu.memory_space<vmem>> -> memref<1x64x128xf32, #tpu.memory_space<vmem>>
      %dma_start3A_1033 = tpu.memref_squeeze %dma_start3A_1032 : memref<1x64x128xf32, #tpu.memory_space<vmem>> -> memref<64x128xf32, #tpu.memory_space<vmem>>
      %dma_start3A_1034 = arith.constant 0 : i32
      %dma_start3A_1035 = tpu.memref_slice %arg4[%dma_start3A_1034, %multiple_of3A_1019] : memref<64x1000000xf32, #tpu.memory_space<hbm>> -> memref<64x128xf32, #tpu.memory_space<hbm>>
      tpu.enqueue_dma source(%dma_start3A_1035 : memref<64x128xf32, #tpu.memory_space<hbm>>) target(%dma_start3A_1033 : memref<64x128xf32, #tpu.memory_space<vmem>>) target_semaphore(%dma_start3A_1029 : memref<!tpu.dma_semaphore, #tpu.memory_space<semaphore_mem>>)
      %mul3A_1036 = arith.constant 16 : i32
      %mul3A_1037 = arith.muli %scan3A_199, %mul3A_1036 : i32
      %add3A_1038 = arith.constant 8 : i32
      %add3A_1039 = arith.addi %mul3A_1037, %add3A_1038 : i32
      %dma_wait3A_1040 = arith.constant 0 : i32
      %dma_wait3A_1041 = arith.constant 0 : i32
      %dma_wait3A_1042 = arith.constant 0 : i32
      %dma_wait3A_1043 = arith.constant 0 : i32
      %dma_wait3A_1044 = tpu.memref_slice %arg8[%dma_wait3A_1040, %dma_wait3A_1042, %dma_wait3A_1043] : memref<8x64x128xf32, #tpu.memory_space<vmem>> -> memref<1x64x128xf32, #tpu.memory_space<vmem>>
      %dma_wait3A_1045 = tpu.memref_squeeze %dma_wait3A_1044 : memref<1x64x128xf32, #tpu.memory_space<vmem>> -> memref<64x128xf32, #tpu.memory_space<vmem>>
      %dma_wait3A_1046 = arith.constant 0 : i32
      %dma_wait3A_1047 = arith.constant 0 : i32
      %dma_wait3A_1048 = tpu.memref_slice %arg4[%dma_wait3A_1046, %dma_wait3A_1047] : memref<64x1000000xf32, #tpu.memory_space<hbm>> -> memref<64x128xf32, #tpu.memory_space<hbm>>
      %dma_wait3A_1049 = tpu.memref_slice %arg12[%dma_wait3A_1041] : memref<8x!tpu.dma_semaphore, #tpu.memory_space<semaphore_mem>> -> memref<1x!tpu.dma_semaphore, #tpu.memory_space<semaphore_mem>>
      %dma_wait3A_1050 = tpu.memref_squeeze %dma_wait3A_1049 : memref<1x!tpu.dma_semaphore, #tpu.memory_space<semaphore_mem>> -> memref<!tpu.dma_semaphore, #tpu.memory_space<semaphore_mem>>
      %dma_wait3A_1051 = arith.constant 0 : i32
      %dma_wait3A_1052 = arith.constant 0 : i32
      %dma_wait3A_1053 = tpu.memref_slice %arg8[%dma_wait3A_1040, %dma_wait3A_1051, %dma_wait3A_1052] : memref<8x64x128xf32, #tpu.memory_space<vmem>> -> memref<1x64x128xf32, #tpu.memory_space<vmem>>
      %dma_wait3A_1054 = tpu.memref_squeeze %dma_wait3A_1053 : memref<1x64x128xf32, #tpu.memory_space<vmem>> -> memref<64x128xf32, #tpu.memory_space<vmem>>
      %dma_wait3A_1055 = arith.constant 0 : i32
      %dma_wait3A_1056 = arith.constant 0 : i32
      %dma_wait3A_1057 = tpu.memref_slice %arg4[%dma_wait3A_1055, %dma_wait3A_1056] : memref<64x1000000xf32, #tpu.memory_space<hbm>> -> memref<64x128xf32, #tpu.memory_space<hbm>>
      tpu.wait_dma2 semaphore(%dma_wait3A_1050 : memref<!tpu.dma_semaphore, #tpu.memory_space<semaphore_mem>>) src(%dma_wait3A_1057 : memref<64x128xf32, #tpu.memory_space<hbm>>) dst(%dma_wait3A_1054 : memref<64x128xf32, #tpu.memory_space<vmem>>)
      %slice3A_1058 = vector.extract_strided_slice %get3A_207 {offsets = [8], sizes = [1], strides = [1]} : vector<16xi32> to vector<1xi32>
      %squeeze3A_1059 = vector.extract %slice3A_1058[0] : i32 from vector<1xi32>
      %and3A_1060 = arith.constant 127 : i32
      %and3A_1061 = arith.andi %squeeze3A_1059, %and3A_1060 : i32
      %broadcast_in_dim3A_1062 = vector.broadcast %and3A_1061 : i32 to vector<16xi32>
      %add3A_1063 = arith.constant 0 : i32
      %add3A_1064 = arith.addi %add3A_1063, %add3A_1039 : i32
      %broadcast_in_dim3A_1065 = vector.broadcast %add3A_1064 : i32 to vector<16xi32>
      %add3A_1066 = arith.constant 0 : i32
      %add3A_1067 = vector.broadcast %add3A_1066 : i32 to vector<16xi32>
      %add3A_1068 = arith.addi %iota3A, %add3A_1067 : vector<16xi32>
      %gather3A_1069 = arith.constant 0 : i32
      %gather3A_1070 = arith.constant 0 : i32
      %gather3A_1071 = arith.constant 0 : i32
      %gather3A_1072 = tpu.memref_slice %arg8[%gather3A_1069, %gather3A_1070, %gather3A_1071] : memref<8x64x128xf32, #tpu.memory_space<vmem>> -> memref<1x64x128xf32, #tpu.memory_space<vmem>>
      %gather3A_1073 = tpu.memref_squeeze %gather3A_1072 : memref<1x64x128xf32, #tpu.memory_space<vmem>> -> memref<64x128xf32, #tpu.memory_space<vmem>>
      %gather3A_1074 = tpu.vector_load_idx %gather3A_1073[%add3A_1068, %broadcast_in_dim3A_1062] : memref<64x128xf32, #tpu.memory_space<vmem>>[vector<16xi32>, vector<16xi32>], vector<16xf32>,
      %gather3A_1075 = tpu.vector_load_idx %arg7[%add3A_1068, %broadcast_in_dim3A_1065] : memref<64x512xf32, #tpu.memory_space<vmem>>[vector<16xi32>, vector<16xi32>], vector<16xf32>,
      %sub3A_1076 = arith.subf %gather3A_1075, %gather3A_1074 : vector<16xf32>
      %mul3A_1077 = arith.mulf %sub3A_1076, %sub3A_1076 : vector<16xf32>
      %add3A_1078 = arith.addf %add3A_975, %mul3A_1077 : vector<16xf32>
      %add3A_1079 = arith.constant 16 : i32
      %add3A_1080 = vector.broadcast %add3A_1079 : i32 to vector<16xi32>
      %add3A_1081 = arith.addi %iota3A, %add3A_1080 : vector<16xi32>
      %gather3A_1082 = arith.constant 0 : i32
      %gather3A_1083 = arith.constant 0 : i32
      %gather3A_1084 = arith.constant 0 : i32
      %gather3A_1085 = tpu.memref_slice %arg8[%gather3A_1082, %gather3A_1083, %gather3A_1084] : memref<8x64x128xf32, #tpu.memory_space<vmem>> -> memref<1x64x128xf32, #tpu.memory_space<vmem>>
      %gather3A_1086 = tpu.memref_squeeze %gather3A_1085 : memref<1x64x128xf32, #tpu.memory_space<vmem>> -> memref<64x128xf32, #tpu.memory_space<vmem>>
      %gather3A_1087 = tpu.vector_load_idx %gather3A_1086[%add3A_1081, %broadcast_in_dim3A_1062] : memref<64x128xf32, #tpu.memory_space<vmem>>[vector<16xi32>, vector<16xi32>], vector<16xf32>,
      %gather3A_1088 = tpu.vector_load_idx %arg7[%add3A_1081, %broadcast_in_dim3A_1065] : memref<64x512xf32, #tpu.memory_space<vmem>>[vector<16xi32>, vector<16xi32>], vector<16xf32>,
      %sub3A_1089 = arith.subf %gather3A_1088, %gather3A_1087 : vector<16xf32>
      %mul3A_1090 = arith.mulf %sub3A_1089, %sub3A_1089 : vector<16xf32>
      %add3A_1091 = arith.addf %add3A_988, %mul3A_1090 : vector<16xf32>
      %add3A_1092 = arith.constant 32 : i32
      %add3A_1093 = vector.broadcast %add3A_1092 : i32 to vector<16xi32>
      %add3A_1094 = arith.addi %iota3A, %add3A_1093 : vector<16xi32>
      %gather3A_1095 = arith.constant 0 : i32
      %gather3A_1096 = arith.constant 0 : i32
      %gather3A_1097 = arith.constant 0 : i32
      %gather3A_1098 = tpu.memref_slice %arg8[%gather3A_1095, %gather3A_1096, %gather3A_1097] : memref<8x64x128xf32, #tpu.memory_space<vmem>> -> memref<1x64x128xf32, #tpu.memory_space<vmem>>
      %gather3A_1099 = tpu.memref_squeeze %gather3A_1098 : memref<1x64x128xf32, #tpu.memory_space<vmem>> -> memref<64x128xf32, #tpu.memory_space<vmem>>
      %gather3A_1100 = tpu.vector_load_idx %gather3A_1099[%add3A_1094, %broadcast_in_dim3A_1062] : memref<64x128xf32, #tpu.memory_space<vmem>>[vector<16xi32>, vector<16xi32>], vector<16xf32>,
      %gather3A_1101 = tpu.vector_load_idx %arg7[%add3A_1094, %broadcast_in_dim3A_1065] : memref<64x512xf32, #tpu.memory_space<vmem>>[vector<16xi32>, vector<16xi32>], vector<16xf32>,
      %sub3A_1102 = arith.subf %gather3A_1101, %gather3A_1100 : vector<16xf32>
      %mul3A_1103 = arith.mulf %sub3A_1102, %sub3A_1102 : vector<16xf32>
      %add3A_1104 = arith.addf %add3A_1001, %mul3A_1103 : vector<16xf32>
      %add3A_1105 = arith.constant 48 : i32
      %add3A_1106 = vector.broadcast %add3A_1105 : i32 to vector<16xi32>
      %add3A_1107 = arith.addi %iota3A, %add3A_1106 : vector<16xi32>
      %gather3A_1108 = arith.constant 0 : i32
      %gather3A_1109 = arith.constant 0 : i32
      %gather3A_1110 = arith.constant 0 : i32
      %gather3A_1111 = tpu.memref_slice %arg8[%gather3A_1108, %gather3A_1109, %gather3A_1110] : memref<8x64x128xf32, #tpu.memory_space<vmem>> -> memref<1x64x128xf32, #tpu.memory_space<vmem>>
      %gather3A_1112 = tpu.memref_squeeze %gather3A_1111 : memref<1x64x128xf32, #tpu.memory_space<vmem>> -> memref<64x128xf32, #tpu.memory_space<vmem>>
      %gather3A_1113 = tpu.vector_load_idx %gather3A_1112[%add3A_1107, %broadcast_in_dim3A_1062] : memref<64x128xf32, #tpu.memory_space<vmem>>[vector<16xi32>, vector<16xi32>], vector<16xf32>,
      %gather3A_1114 = tpu.vector_load_idx %arg7[%add3A_1107, %broadcast_in_dim3A_1065] : memref<64x512xf32, #tpu.memory_space<vmem>>[vector<16xi32>, vector<16xi32>], vector<16xf32>,
      %sub3A_1115 = arith.subf %gather3A_1114, %gather3A_1113 : vector<16xf32>
      %mul3A_1116 = arith.mulf %sub3A_1115, %sub3A_1115 : vector<16xf32>
      %add3A_1117 = arith.addf %add3A_1014, %mul3A_1116 : vector<16xf32>
      %lt3A = arith.constant 31 : i32
      %lt3A_1118 = arith.cmpi slt, %scan3A_199, %lt3A : i32
      %convert_element_type3A = arith.extui %lt3A_1118 : i1 to i32
      %cond3A = arith.constant 0 : i32
      %cond3A_1119 = arith.cmpi ne, %convert_element_type3A, %cond3A : i32
      scf.if %cond3A_1119 {
        %slice3A_1729 = vector.extract_strided_slice %get3A_213 {offsets = [0], sizes = [1], strides = [1]} : vector<16xi32> to vector<1xi32>
        %squeeze3A_1730 = vector.extract %slice3A_1729[0] : i32 from vector<1xi32>
        %and3A_1731 = arith.constant -128 : i32
        %and3A_1732 = arith.andi %squeeze3A_1730, %and3A_1731 : i32
        %multiple_of3A_1733 = tpu.assume_multiple %and3A_1732, 128 : i32
        %dma_start3A_1734 = arith.constant 0 : i32
        %dma_start3A_1735 = arith.constant 0 : i32
        %dma_start3A_1736 = arith.constant 0 : i32
        %dma_start3A_1737 = arith.constant 0 : i32
        %dma_start3A_1738 = tpu.memref_slice %arg8[%dma_start3A_1734, %dma_start3A_1736, %dma_start3A_1737] : memref<8x64x128xf32, #tpu.memory_space<vmem>> -> memref<1x64x128xf32, #tpu.memory_space<vmem>>
        %dma_start3A_1739 = tpu.memref_squeeze %dma_start3A_1738 : memref<1x64x128xf32, #tpu.memory_space<vmem>> -> memref<64x128xf32, #tpu.memory_space<vmem>>
        %dma_start3A_1740 = arith.constant 0 : i32
        %dma_start3A_1741 = tpu.memref_slice %arg4[%dma_start3A_1740, %multiple_of3A_1733] : memref<64x1000000xf32, #tpu.memory_space<hbm>> -> memref<64x128xf32, #tpu.memory_space<hbm>>
        %dma_start3A_1742 = tpu.memref_slice %arg12[%dma_start3A_1735] : memref<8x!tpu.dma_semaphore, #tpu.memory_space<semaphore_mem>> -> memref<1x!tpu.dma_semaphore, #tpu.memory_space<semaphore_mem>>
        %dma_start3A_1743 = tpu.memref_squeeze %dma_start3A_1742 : memref<1x!tpu.dma_semaphore, #tpu.memory_space<semaphore_mem>> -> memref<!tpu.dma_semaphore, #tpu.memory_space<semaphore_mem>>
        %dma_start3A_1744 = arith.constant 0 : i32
        %dma_start3A_1745 = arith.constant 0 : i32
        %dma_start3A_1746 = tpu.memref_slice %arg8[%dma_start3A_1734, %dma_start3A_1744, %dma_start3A_1745] : memref<8x64x128xf32, #tpu.memory_space<vmem>> -> memref<1x64x128xf32, #tpu.memory_space<vmem>>
        %dma_start3A_1747 = tpu.memref_squeeze %dma_start3A_1746 : memref<1x64x128xf32, #tpu.memory_space<vmem>> -> memref<64x128xf32, #tpu.memory_space<vmem>>
        %dma_start3A_1748 = arith.constant 0 : i32
        %dma_start3A_1749 = tpu.memref_slice %arg4[%dma_start3A_1748, %multiple_of3A_1733] : memref<64x1000000xf32, #tpu.memory_space<hbm>> -> memref<64x128xf32, #tpu.memory_space<hbm>>
        tpu.enqueue_dma source(%dma_start3A_1749 : memref<64x128xf32, #tpu.memory_space<hbm>>) target(%dma_start3A_1747 : memref<64x128xf32, #tpu.memory_space<vmem>>) target_semaphore(%dma_start3A_1743 : memref<!tpu.dma_semaphore, #tpu.memory_space<semaphore_mem>>)
      } else {
      }
      %mul3A_1120 = arith.constant 16 : i32
      %mul3A_1121 = arith.muli %scan3A_199, %mul3A_1120 : i32
      %add3A_1122 = arith.constant 9 : i32
      %add3A_1123 = arith.addi %mul3A_1121, %add3A_1122 : i32
      %dma_wait3A_1124 = arith.constant 1 : i32
      %dma_wait3A_1125 = arith.constant 1 : i32
      %dma_wait3A_1126 = arith.constant 0 : i32
      %dma_wait3A_1127 = arith.constant 0 : i32
      %dma_wait3A_1128 = tpu.memref_slice %arg8[%dma_wait3A_1124, %dma_wait3A_1126, %dma_wait3A_1127] : memref<8x64x128xf32, #tpu.memory_space<vmem>> -> memref<1x64x128xf32, #tpu.memory_space<vmem>>
      %dma_wait3A_1129 = tpu.memref_squeeze %dma_wait3A_1128 : memref<1x64x128xf32, #tpu.memory_space<vmem>> -> memref<64x128xf32, #tpu.memory_space<vmem>>
      %dma_wait3A_1130 = arith.constant 0 : i32
      %dma_wait3A_1131 = arith.constant 0 : i32
      %dma_wait3A_1132 = tpu.memref_slice %arg4[%dma_wait3A_1130, %dma_wait3A_1131] : memref<64x1000000xf32, #tpu.memory_space<hbm>> -> memref<64x128xf32, #tpu.memory_space<hbm>>
      %dma_wait3A_1133 = tpu.memref_slice %arg12[%dma_wait3A_1125] : memref<8x!tpu.dma_semaphore, #tpu.memory_space<semaphore_mem>> -> memref<1x!tpu.dma_semaphore, #tpu.memory_space<semaphore_mem>>
      %dma_wait3A_1134 = tpu.memref_squeeze %dma_wait3A_1133 : memref<1x!tpu.dma_semaphore, #tpu.memory_space<semaphore_mem>> -> memref<!tpu.dma_semaphore, #tpu.memory_space<semaphore_mem>>
      %dma_wait3A_1135 = arith.constant 0 : i32
      %dma_wait3A_1136 = arith.constant 0 : i32
      %dma_wait3A_1137 = tpu.memref_slice %arg8[%dma_wait3A_1124, %dma_wait3A_1135, %dma_wait3A_1136] : memref<8x64x128xf32, #tpu.memory_space<vmem>> -> memref<1x64x128xf32, #tpu.memory_space<vmem>>
      %dma_wait3A_1138 = tpu.memref_squeeze %dma_wait3A_1137 : memref<1x64x128xf32, #tpu.memory_space<vmem>> -> memref<64x128xf32, #tpu.memory_space<vmem>>
      %dma_wait3A_1139 = arith.constant 0 : i32
      %dma_wait3A_1140 = arith.constant 0 : i32
      %dma_wait3A_1141 = tpu.memref_slice %arg4[%dma_wait3A_1139, %dma_wait3A_1140] : memref<64x1000000xf32, #tpu.memory_space<hbm>> -> memref<64x128xf32, #tpu.memory_space<hbm>>
      tpu.wait_dma2 semaphore(%dma_wait3A_1134 : memref<!tpu.dma_semaphore, #tpu.memory_space<semaphore_mem>>) src(%dma_wait3A_1141 : memref<64x128xf32, #tpu.memory_space<hbm>>) dst(%dma_wait3A_1138 : memref<64x128xf32, #tpu.memory_space<vmem>>)
      %slice3A_1142 = vector.extract_strided_slice %get3A_207 {offsets = [9], sizes = [1], strides = [1]} : vector<16xi32> to vector<1xi32>
      %squeeze3A_1143 = vector.extract %slice3A_1142[0] : i32 from vector<1xi32>
      %and3A_1144 = arith.constant 127 : i32
      %and3A_1145 = arith.andi %squeeze3A_1143, %and3A_1144 : i32
      %broadcast_in_dim3A_1146 = vector.broadcast %and3A_1145 : i32 to vector<16xi32>
      %add3A_1147 = arith.constant 0 : i32
      %add3A_1148 = arith.addi %add3A_1147, %add3A_1123 : i32
      %broadcast_in_dim3A_1149 = vector.broadcast %add3A_1148 : i32 to vector<16xi32>
      %add3A_1150 = arith.constant 0 : i32
      %add3A_1151 = vector.broadcast %add3A_1150 : i32 to vector<16xi32>
      %add3A_1152 = arith.addi %iota3A, %add3A_1151 : vector<16xi32>
      %gather3A_1153 = arith.constant 1 : i32
      %gather3A_1154 = arith.constant 0 : i32
      %gather3A_1155 = arith.constant 0 : i32
      %gather3A_1156 = tpu.memref_slice %arg8[%gather3A_1153, %gather3A_1154, %gather3A_1155] : memref<8x64x128xf32, #tpu.memory_space<vmem>> -> memref<1x64x128xf32, #tpu.memory_space<vmem>>
      %gather3A_1157 = tpu.memref_squeeze %gather3A_1156 : memref<1x64x128xf32, #tpu.memory_space<vmem>> -> memref<64x128xf32, #tpu.memory_space<vmem>>
      %gather3A_1158 = tpu.vector_load_idx %gather3A_1157[%add3A_1152, %broadcast_in_dim3A_1146] : memref<64x128xf32, #tpu.memory_space<vmem>>[vector<16xi32>, vector<16xi32>], vector<16xf32>,
      %gather3A_1159 = tpu.vector_load_idx %arg7[%add3A_1152, %broadcast_in_dim3A_1149] : memref<64x512xf32, #tpu.memory_space<vmem>>[vector<16xi32>, vector<16xi32>], vector<16xf32>,
      %sub3A_1160 = arith.subf %gather3A_1159, %gather3A_1158 : vector<16xf32>
      %mul3A_1161 = arith.mulf %sub3A_1160, %sub3A_1160 : vector<16xf32>
      %add3A_1162 = arith.addf %add3A_1078, %mul3A_1161 : vector<16xf32>
      %add3A_1163 = arith.constant 16 : i32
      %add3A_1164 = vector.broadcast %add3A_1163 : i32 to vector<16xi32>
      %add3A_1165 = arith.addi %iota3A, %add3A_1164 : vector<16xi32>
      %gather3A_1166 = arith.constant 1 : i32
      %gather3A_1167 = arith.constant 0 : i32
      %gather3A_1168 = arith.constant 0 : i32
      %gather3A_1169 = tpu.memref_slice %arg8[%gather3A_1166, %gather3A_1167, %gather3A_1168] : memref<8x64x128xf32, #tpu.memory_space<vmem>> -> memref<1x64x128xf32, #tpu.memory_space<vmem>>
      %gather3A_1170 = tpu.memref_squeeze %gather3A_1169 : memref<1x64x128xf32, #tpu.memory_space<vmem>> -> memref<64x128xf32, #tpu.memory_space<vmem>>
      %gather3A_1171 = tpu.vector_load_idx %gather3A_1170[%add3A_1165, %broadcast_in_dim3A_1146] : memref<64x128xf32, #tpu.memory_space<vmem>>[vector<16xi32>, vector<16xi32>], vector<16xf32>,
      %gather3A_1172 = tpu.vector_load_idx %arg7[%add3A_1165, %broadcast_in_dim3A_1149] : memref<64x512xf32, #tpu.memory_space<vmem>>[vector<16xi32>, vector<16xi32>], vector<16xf32>,
      %sub3A_1173 = arith.subf %gather3A_1172, %gather3A_1171 : vector<16xf32>
      %mul3A_1174 = arith.mulf %sub3A_1173, %sub3A_1173 : vector<16xf32>
      %add3A_1175 = arith.addf %add3A_1091, %mul3A_1174 : vector<16xf32>
      %add3A_1176 = arith.constant 32 : i32
      %add3A_1177 = vector.broadcast %add3A_1176 : i32 to vector<16xi32>
      %add3A_1178 = arith.addi %iota3A, %add3A_1177 : vector<16xi32>
      %gather3A_1179 = arith.constant 1 : i32
      %gather3A_1180 = arith.constant 0 : i32
      %gather3A_1181 = arith.constant 0 : i32
      %gather3A_1182 = tpu.memref_slice %arg8[%gather3A_1179, %gather3A_1180, %gather3A_1181] : memref<8x64x128xf32, #tpu.memory_space<vmem>> -> memref<1x64x128xf32, #tpu.memory_space<vmem>>
      %gather3A_1183 = tpu.memref_squeeze %gather3A_1182 : memref<1x64x128xf32, #tpu.memory_space<vmem>> -> memref<64x128xf32, #tpu.memory_space<vmem>>
      %gather3A_1184 = tpu.vector_load_idx %gather3A_1183[%add3A_1178, %broadcast_in_dim3A_1146] : memref<64x128xf32, #tpu.memory_space<vmem>>[vector<16xi32>, vector<16xi32>], vector<16xf32>,
      %gather3A_1185 = tpu.vector_load_idx %arg7[%add3A_1178, %broadcast_in_dim3A_1149] : memref<64x512xf32, #tpu.memory_space<vmem>>[vector<16xi32>, vector<16xi32>], vector<16xf32>,
      %sub3A_1186 = arith.subf %gather3A_1185, %gather3A_1184 : vector<16xf32>
      %mul3A_1187 = arith.mulf %sub3A_1186, %sub3A_1186 : vector<16xf32>
      %add3A_1188 = arith.addf %add3A_1104, %mul3A_1187 : vector<16xf32>
      %add3A_1189 = arith.constant 48 : i32
      %add3A_1190 = vector.broadcast %add3A_1189 : i32 to vector<16xi32>
      %add3A_1191 = arith.addi %iota3A, %add3A_1190 : vector<16xi32>
      %gather3A_1192 = arith.constant 1 : i32
      %gather3A_1193 = arith.constant 0 : i32
      %gather3A_1194 = arith.constant 0 : i32
      %gather3A_1195 = tpu.memref_slice %arg8[%gather3A_1192, %gather3A_1193, %gather3A_1194] : memref<8x64x128xf32, #tpu.memory_space<vmem>> -> memref<1x64x128xf32, #tpu.memory_space<vmem>>
      %gather3A_1196 = tpu.memref_squeeze %gather3A_1195 : memref<1x64x128xf32, #tpu.memory_space<vmem>> -> memref<64x128xf32, #tpu.memory_space<vmem>>
      %gather3A_1197 = tpu.vector_load_idx %gather3A_1196[%add3A_1191, %broadcast_in_dim3A_1146] : memref<64x128xf32, #tpu.memory_space<vmem>>[vector<16xi32>, vector<16xi32>], vector<16xf32>,
      %gather3A_1198 = tpu.vector_load_idx %arg7[%add3A_1191, %broadcast_in_dim3A_1149] : memref<64x512xf32, #tpu.memory_space<vmem>>[vector<16xi32>, vector<16xi32>], vector<16xf32>,
      %sub3A_1199 = arith.subf %gather3A_1198, %gather3A_1197 : vector<16xf32>
      %mul3A_1200 = arith.mulf %sub3A_1199, %sub3A_1199 : vector<16xf32>
      %add3A_1201 = arith.addf %add3A_1117, %mul3A_1200 : vector<16xf32>
      %lt3A_1202 = arith.constant 31 : i32
      %lt3A_1203 = arith.cmpi slt, %scan3A_199, %lt3A_1202 : i32
      %convert_element_type3A_1204 = arith.extui %lt3A_1203 : i1 to i32
      %cond3A_1205 = arith.constant 0 : i32
      %cond3A_1206 = arith.cmpi ne, %convert_element_type3A_1204, %cond3A_1205 : i32
      scf.if %cond3A_1206 {
        %slice3A_1729 = vector.extract_strided_slice %get3A_213 {offsets = [1], sizes = [1], strides = [1]} : vector<16xi32> to vector<1xi32>
        %squeeze3A_1730 = vector.extract %slice3A_1729[0] : i32 from vector<1xi32>
        %and3A_1731 = arith.constant -128 : i32
        %and3A_1732 = arith.andi %squeeze3A_1730, %and3A_1731 : i32
        %multiple_of3A_1733 = tpu.assume_multiple %and3A_1732, 128 : i32
        %dma_start3A_1734 = arith.constant 1 : i32
        %dma_start3A_1735 = arith.constant 1 : i32
        %dma_start3A_1736 = arith.constant 0 : i32
        %dma_start3A_1737 = arith.constant 0 : i32
        %dma_start3A_1738 = tpu.memref_slice %arg8[%dma_start3A_1734, %dma_start3A_1736, %dma_start3A_1737] : memref<8x64x128xf32, #tpu.memory_space<vmem>> -> memref<1x64x128xf32, #tpu.memory_space<vmem>>
        %dma_start3A_1739 = tpu.memref_squeeze %dma_start3A_1738 : memref<1x64x128xf32, #tpu.memory_space<vmem>> -> memref<64x128xf32, #tpu.memory_space<vmem>>
        %dma_start3A_1740 = arith.constant 0 : i32
        %dma_start3A_1741 = tpu.memref_slice %arg4[%dma_start3A_1740, %multiple_of3A_1733] : memref<64x1000000xf32, #tpu.memory_space<hbm>> -> memref<64x128xf32, #tpu.memory_space<hbm>>
        %dma_start3A_1742 = tpu.memref_slice %arg12[%dma_start3A_1735] : memref<8x!tpu.dma_semaphore, #tpu.memory_space<semaphore_mem>> -> memref<1x!tpu.dma_semaphore, #tpu.memory_space<semaphore_mem>>
        %dma_start3A_1743 = tpu.memref_squeeze %dma_start3A_1742 : memref<1x!tpu.dma_semaphore, #tpu.memory_space<semaphore_mem>> -> memref<!tpu.dma_semaphore, #tpu.memory_space<semaphore_mem>>
        %dma_start3A_1744 = arith.constant 0 : i32
        %dma_start3A_1745 = arith.constant 0 : i32
        %dma_start3A_1746 = tpu.memref_slice %arg8[%dma_start3A_1734, %dma_start3A_1744, %dma_start3A_1745] : memref<8x64x128xf32, #tpu.memory_space<vmem>> -> memref<1x64x128xf32, #tpu.memory_space<vmem>>
        %dma_start3A_1747 = tpu.memref_squeeze %dma_start3A_1746 : memref<1x64x128xf32, #tpu.memory_space<vmem>> -> memref<64x128xf32, #tpu.memory_space<vmem>>
        %dma_start3A_1748 = arith.constant 0 : i32
        %dma_start3A_1749 = tpu.memref_slice %arg4[%dma_start3A_1748, %multiple_of3A_1733] : memref<64x1000000xf32, #tpu.memory_space<hbm>> -> memref<64x128xf32, #tpu.memory_space<hbm>>
        tpu.enqueue_dma source(%dma_start3A_1749 : memref<64x128xf32, #tpu.memory_space<hbm>>) target(%dma_start3A_1747 : memref<64x128xf32, #tpu.memory_space<vmem>>) target_semaphore(%dma_start3A_1743 : memref<!tpu.dma_semaphore, #tpu.memory_space<semaphore_mem>>)
      } else {
      }
      %mul3A_1207 = arith.constant 16 : i32
      %mul3A_1208 = arith.muli %scan3A_199, %mul3A_1207 : i32
      %add3A_1209 = arith.constant 10 : i32
      %add3A_1210 = arith.addi %mul3A_1208, %add3A_1209 : i32
      %dma_wait3A_1211 = arith.constant 2 : i32
      %dma_wait3A_1212 = arith.constant 2 : i32
      %dma_wait3A_1213 = arith.constant 0 : i32
      %dma_wait3A_1214 = arith.constant 0 : i32
      %dma_wait3A_1215 = tpu.memref_slice %arg8[%dma_wait3A_1211, %dma_wait3A_1213, %dma_wait3A_1214] : memref<8x64x128xf32, #tpu.memory_space<vmem>> -> memref<1x64x128xf32, #tpu.memory_space<vmem>>
      %dma_wait3A_1216 = tpu.memref_squeeze %dma_wait3A_1215 : memref<1x64x128xf32, #tpu.memory_space<vmem>> -> memref<64x128xf32, #tpu.memory_space<vmem>>
      %dma_wait3A_1217 = arith.constant 0 : i32
      %dma_wait3A_1218 = arith.constant 0 : i32
      %dma_wait3A_1219 = tpu.memref_slice %arg4[%dma_wait3A_1217, %dma_wait3A_1218] : memref<64x1000000xf32, #tpu.memory_space<hbm>> -> memref<64x128xf32, #tpu.memory_space<hbm>>
      %dma_wait3A_1220 = tpu.memref_slice %arg12[%dma_wait3A_1212] : memref<8x!tpu.dma_semaphore, #tpu.memory_space<semaphore_mem>> -> memref<1x!tpu.dma_semaphore, #tpu.memory_space<semaphore_mem>>
      %dma_wait3A_1221 = tpu.memref_squeeze %dma_wait3A_1220 : memref<1x!tpu.dma_semaphore, #tpu.memory_space<semaphore_mem>> -> memref<!tpu.dma_semaphore, #tpu.memory_space<semaphore_mem>>
      %dma_wait3A_1222 = arith.constant 0 : i32
      %dma_wait3A_1223 = arith.constant 0 : i32
      %dma_wait3A_1224 = tpu.memref_slice %arg8[%dma_wait3A_1211, %dma_wait3A_1222, %dma_wait3A_1223] : memref<8x64x128xf32, #tpu.memory_space<vmem>> -> memref<1x64x128xf32, #tpu.memory_space<vmem>>
      %dma_wait3A_1225 = tpu.memref_squeeze %dma_wait3A_1224 : memref<1x64x128xf32, #tpu.memory_space<vmem>> -> memref<64x128xf32, #tpu.memory_space<vmem>>
      %dma_wait3A_1226 = arith.constant 0 : i32
      %dma_wait3A_1227 = arith.constant 0 : i32
      %dma_wait3A_1228 = tpu.memref_slice %arg4[%dma_wait3A_1226, %dma_wait3A_1227] : memref<64x1000000xf32, #tpu.memory_space<hbm>> -> memref<64x128xf32, #tpu.memory_space<hbm>>
      tpu.wait_dma2 semaphore(%dma_wait3A_1221 : memref<!tpu.dma_semaphore, #tpu.memory_space<semaphore_mem>>) src(%dma_wait3A_1228 : memref<64x128xf32, #tpu.memory_space<hbm>>) dst(%dma_wait3A_1225 : memref<64x128xf32, #tpu.memory_space<vmem>>)
      %slice3A_1229 = vector.extract_strided_slice %get3A_207 {offsets = [10], sizes = [1], strides = [1]} : vector<16xi32> to vector<1xi32>
      %squeeze3A_1230 = vector.extract %slice3A_1229[0] : i32 from vector<1xi32>
      %and3A_1231 = arith.constant 127 : i32
      %and3A_1232 = arith.andi %squeeze3A_1230, %and3A_1231 : i32
      %broadcast_in_dim3A_1233 = vector.broadcast %and3A_1232 : i32 to vector<16xi32>
      %add3A_1234 = arith.constant 0 : i32
      %add3A_1235 = arith.addi %add3A_1234, %add3A_1210 : i32
      %broadcast_in_dim3A_1236 = vector.broadcast %add3A_1235 : i32 to vector<16xi32>
      %add3A_1237 = arith.constant 0 : i32
      %add3A_1238 = vector.broadcast %add3A_1237 : i32 to vector<16xi32>
      %add3A_1239 = arith.addi %iota3A, %add3A_1238 : vector<16xi32>
      %gather3A_1240 = arith.constant 2 : i32
      %gather3A_1241 = arith.constant 0 : i32
      %gather3A_1242 = arith.constant 0 : i32
      %gather3A_1243 = tpu.memref_slice %arg8[%gather3A_1240, %gather3A_1241, %gather3A_1242] : memref<8x64x128xf32, #tpu.memory_space<vmem>> -> memref<1x64x128xf32, #tpu.memory_space<vmem>>
      %gather3A_1244 = tpu.memref_squeeze %gather3A_1243 : memref<1x64x128xf32, #tpu.memory_space<vmem>> -> memref<64x128xf32, #tpu.memory_space<vmem>>
      %gather3A_1245 = tpu.vector_load_idx %gather3A_1244[%add3A_1239, %broadcast_in_dim3A_1233] : memref<64x128xf32, #tpu.memory_space<vmem>>[vector<16xi32>, vector<16xi32>], vector<16xf32>,
      %gather3A_1246 = tpu.vector_load_idx %arg7[%add3A_1239, %broadcast_in_dim3A_1236] : memref<64x512xf32, #tpu.memory_space<vmem>>[vector<16xi32>, vector<16xi32>], vector<16xf32>,
      %sub3A_1247 = arith.subf %gather3A_1246, %gather3A_1245 : vector<16xf32>
      %mul3A_1248 = arith.mulf %sub3A_1247, %sub3A_1247 : vector<16xf32>
      %add3A_1249 = arith.addf %add3A_1162, %mul3A_1248 : vector<16xf32>
      %add3A_1250 = arith.constant 16 : i32
      %add3A_1251 = vector.broadcast %add3A_1250 : i32 to vector<16xi32>
      %add3A_1252 = arith.addi %iota3A, %add3A_1251 : vector<16xi32>
      %gather3A_1253 = arith.constant 2 : i32
      %gather3A_1254 = arith.constant 0 : i32
      %gather3A_1255 = arith.constant 0 : i32
      %gather3A_1256 = tpu.memref_slice %arg8[%gather3A_1253, %gather3A_1254, %gather3A_1255] : memref<8x64x128xf32, #tpu.memory_space<vmem>> -> memref<1x64x128xf32, #tpu.memory_space<vmem>>
      %gather3A_1257 = tpu.memref_squeeze %gather3A_1256 : memref<1x64x128xf32, #tpu.memory_space<vmem>> -> memref<64x128xf32, #tpu.memory_space<vmem>>
      %gather3A_1258 = tpu.vector_load_idx %gather3A_1257[%add3A_1252, %broadcast_in_dim3A_1233] : memref<64x128xf32, #tpu.memory_space<vmem>>[vector<16xi32>, vector<16xi32>], vector<16xf32>,
      %gather3A_1259 = tpu.vector_load_idx %arg7[%add3A_1252, %broadcast_in_dim3A_1236] : memref<64x512xf32, #tpu.memory_space<vmem>>[vector<16xi32>, vector<16xi32>], vector<16xf32>,
      %sub3A_1260 = arith.subf %gather3A_1259, %gather3A_1258 : vector<16xf32>
      %mul3A_1261 = arith.mulf %sub3A_1260, %sub3A_1260 : vector<16xf32>
      %add3A_1262 = arith.addf %add3A_1175, %mul3A_1261 : vector<16xf32>
      %add3A_1263 = arith.constant 32 : i32
      %add3A_1264 = vector.broadcast %add3A_1263 : i32 to vector<16xi32>
      %add3A_1265 = arith.addi %iota3A, %add3A_1264 : vector<16xi32>
      %gather3A_1266 = arith.constant 2 : i32
      %gather3A_1267 = arith.constant 0 : i32
      %gather3A_1268 = arith.constant 0 : i32
      %gather3A_1269 = tpu.memref_slice %arg8[%gather3A_1266, %gather3A_1267, %gather3A_1268] : memref<8x64x128xf32, #tpu.memory_space<vmem>> -> memref<1x64x128xf32, #tpu.memory_space<vmem>>
      %gather3A_1270 = tpu.memref_squeeze %gather3A_1269 : memref<1x64x128xf32, #tpu.memory_space<vmem>> -> memref<64x128xf32, #tpu.memory_space<vmem>>
      %gather3A_1271 = tpu.vector_load_idx %gather3A_1270[%add3A_1265, %broadcast_in_dim3A_1233] : memref<64x128xf32, #tpu.memory_space<vmem>>[vector<16xi32>, vector<16xi32>], vector<16xf32>,
      %gather3A_1272 = tpu.vector_load_idx %arg7[%add3A_1265, %broadcast_in_dim3A_1236] : memref<64x512xf32, #tpu.memory_space<vmem>>[vector<16xi32>, vector<16xi32>], vector<16xf32>,
      %sub3A_1273 = arith.subf %gather3A_1272, %gather3A_1271 : vector<16xf32>
      %mul3A_1274 = arith.mulf %sub3A_1273, %sub3A_1273 : vector<16xf32>
      %add3A_1275 = arith.addf %add3A_1188, %mul3A_1274 : vector<16xf32>
      %add3A_1276 = arith.constant 48 : i32
      %add3A_1277 = vector.broadcast %add3A_1276 : i32 to vector<16xi32>
      %add3A_1278 = arith.addi %iota3A, %add3A_1277 : vector<16xi32>
      %gather3A_1279 = arith.constant 2 : i32
      %gather3A_1280 = arith.constant 0 : i32
      %gather3A_1281 = arith.constant 0 : i32
      %gather3A_1282 = tpu.memref_slice %arg8[%gather3A_1279, %gather3A_1280, %gather3A_1281] : memref<8x64x128xf32, #tpu.memory_space<vmem>> -> memref<1x64x128xf32, #tpu.memory_space<vmem>>
      %gather3A_1283 = tpu.memref_squeeze %gather3A_1282 : memref<1x64x128xf32, #tpu.memory_space<vmem>> -> memref<64x128xf32, #tpu.memory_space<vmem>>
      %gather3A_1284 = tpu.vector_load_idx %gather3A_1283[%add3A_1278, %broadcast_in_dim3A_1233] : memref<64x128xf32, #tpu.memory_space<vmem>>[vector<16xi32>, vector<16xi32>], vector<16xf32>,
      %gather3A_1285 = tpu.vector_load_idx %arg7[%add3A_1278, %broadcast_in_dim3A_1236] : memref<64x512xf32, #tpu.memory_space<vmem>>[vector<16xi32>, vector<16xi32>], vector<16xf32>,
      %sub3A_1286 = arith.subf %gather3A_1285, %gather3A_1284 : vector<16xf32>
      %mul3A_1287 = arith.mulf %sub3A_1286, %sub3A_1286 : vector<16xf32>
      %add3A_1288 = arith.addf %add3A_1201, %mul3A_1287 : vector<16xf32>
      %lt3A_1289 = arith.constant 31 : i32
      %lt3A_1290 = arith.cmpi slt, %scan3A_199, %lt3A_1289 : i32
      %convert_element_type3A_1291 = arith.extui %lt3A_1290 : i1 to i32
      %cond3A_1292 = arith.constant 0 : i32
      %cond3A_1293 = arith.cmpi ne, %convert_element_type3A_1291, %cond3A_1292 : i32
      scf.if %cond3A_1293 {
        %slice3A_1729 = vector.extract_strided_slice %get3A_213 {offsets = [2], sizes = [1], strides = [1]} : vector<16xi32> to vector<1xi32>
        %squeeze3A_1730 = vector.extract %slice3A_1729[0] : i32 from vector<1xi32>
        %and3A_1731 = arith.constant -128 : i32
        %and3A_1732 = arith.andi %squeeze3A_1730, %and3A_1731 : i32
        %multiple_of3A_1733 = tpu.assume_multiple %and3A_1732, 128 : i32
        %dma_start3A_1734 = arith.constant 2 : i32
        %dma_start3A_1735 = arith.constant 2 : i32
        %dma_start3A_1736 = arith.constant 0 : i32
        %dma_start3A_1737 = arith.constant 0 : i32
        %dma_start3A_1738 = tpu.memref_slice %arg8[%dma_start3A_1734, %dma_start3A_1736, %dma_start3A_1737] : memref<8x64x128xf32, #tpu.memory_space<vmem>> -> memref<1x64x128xf32, #tpu.memory_space<vmem>>
        %dma_start3A_1739 = tpu.memref_squeeze %dma_start3A_1738 : memref<1x64x128xf32, #tpu.memory_space<vmem>> -> memref<64x128xf32, #tpu.memory_space<vmem>>
        %dma_start3A_1740 = arith.constant 0 : i32
        %dma_start3A_1741 = tpu.memref_slice %arg4[%dma_start3A_1740, %multiple_of3A_1733] : memref<64x1000000xf32, #tpu.memory_space<hbm>> -> memref<64x128xf32, #tpu.memory_space<hbm>>
        %dma_start3A_1742 = tpu.memref_slice %arg12[%dma_start3A_1735] : memref<8x!tpu.dma_semaphore, #tpu.memory_space<semaphore_mem>> -> memref<1x!tpu.dma_semaphore, #tpu.memory_space<semaphore_mem>>
        %dma_start3A_1743 = tpu.memref_squeeze %dma_start3A_1742 : memref<1x!tpu.dma_semaphore, #tpu.memory_space<semaphore_mem>> -> memref<!tpu.dma_semaphore, #tpu.memory_space<semaphore_mem>>
        %dma_start3A_1744 = arith.constant 0 : i32
        %dma_start3A_1745 = arith.constant 0 : i32
        %dma_start3A_1746 = tpu.memref_slice %arg8[%dma_start3A_1734, %dma_start3A_1744, %dma_start3A_1745] : memref<8x64x128xf32, #tpu.memory_space<vmem>> -> memref<1x64x128xf32, #tpu.memory_space<vmem>>
        %dma_start3A_1747 = tpu.memref_squeeze %dma_start3A_1746 : memref<1x64x128xf32, #tpu.memory_space<vmem>> -> memref<64x128xf32, #tpu.memory_space<vmem>>
        %dma_start3A_1748 = arith.constant 0 : i32
        %dma_start3A_1749 = tpu.memref_slice %arg4[%dma_start3A_1748, %multiple_of3A_1733] : memref<64x1000000xf32, #tpu.memory_space<hbm>> -> memref<64x128xf32, #tpu.memory_space<hbm>>
        tpu.enqueue_dma source(%dma_start3A_1749 : memref<64x128xf32, #tpu.memory_space<hbm>>) target(%dma_start3A_1747 : memref<64x128xf32, #tpu.memory_space<vmem>>) target_semaphore(%dma_start3A_1743 : memref<!tpu.dma_semaphore, #tpu.memory_space<semaphore_mem>>)
      } else {
      }
      %mul3A_1294 = arith.constant 16 : i32
      %mul3A_1295 = arith.muli %scan3A_199, %mul3A_1294 : i32
      %add3A_1296 = arith.constant 11 : i32
      %add3A_1297 = arith.addi %mul3A_1295, %add3A_1296 : i32
      %dma_wait3A_1298 = arith.constant 3 : i32
      %dma_wait3A_1299 = arith.constant 3 : i32
      %dma_wait3A_1300 = arith.constant 0 : i32
      %dma_wait3A_1301 = arith.constant 0 : i32
      %dma_wait3A_1302 = tpu.memref_slice %arg8[%dma_wait3A_1298, %dma_wait3A_1300, %dma_wait3A_1301] : memref<8x64x128xf32, #tpu.memory_space<vmem>> -> memref<1x64x128xf32, #tpu.memory_space<vmem>>
      %dma_wait3A_1303 = tpu.memref_squeeze %dma_wait3A_1302 : memref<1x64x128xf32, #tpu.memory_space<vmem>> -> memref<64x128xf32, #tpu.memory_space<vmem>>
      %dma_wait3A_1304 = arith.constant 0 : i32
      %dma_wait3A_1305 = arith.constant 0 : i32
      %dma_wait3A_1306 = tpu.memref_slice %arg4[%dma_wait3A_1304, %dma_wait3A_1305] : memref<64x1000000xf32, #tpu.memory_space<hbm>> -> memref<64x128xf32, #tpu.memory_space<hbm>>
      %dma_wait3A_1307 = tpu.memref_slice %arg12[%dma_wait3A_1299] : memref<8x!tpu.dma_semaphore, #tpu.memory_space<semaphore_mem>> -> memref<1x!tpu.dma_semaphore, #tpu.memory_space<semaphore_mem>>
      %dma_wait3A_1308 = tpu.memref_squeeze %dma_wait3A_1307 : memref<1x!tpu.dma_semaphore, #tpu.memory_space<semaphore_mem>> -> memref<!tpu.dma_semaphore, #tpu.memory_space<semaphore_mem>>
      %dma_wait3A_1309 = arith.constant 0 : i32
      %dma_wait3A_1310 = arith.constant 0 : i32
      %dma_wait3A_1311 = tpu.memref_slice %arg8[%dma_wait3A_1298, %dma_wait3A_1309, %dma_wait3A_1310] : memref<8x64x128xf32, #tpu.memory_space<vmem>> -> memref<1x64x128xf32, #tpu.memory_space<vmem>>
      %dma_wait3A_1312 = tpu.memref_squeeze %dma_wait3A_1311 : memref<1x64x128xf32, #tpu.memory_space<vmem>> -> memref<64x128xf32, #tpu.memory_space<vmem>>
      %dma_wait3A_1313 = arith.constant 0 : i32
      %dma_wait3A_1314 = arith.constant 0 : i32
      %dma_wait3A_1315 = tpu.memref_slice %arg4[%dma_wait3A_1313, %dma_wait3A_1314] : memref<64x1000000xf32, #tpu.memory_space<hbm>> -> memref<64x128xf32, #tpu.memory_space<hbm>>
      tpu.wait_dma2 semaphore(%dma_wait3A_1308 : memref<!tpu.dma_semaphore, #tpu.memory_space<semaphore_mem>>) src(%dma_wait3A_1315 : memref<64x128xf32, #tpu.memory_space<hbm>>) dst(%dma_wait3A_1312 : memref<64x128xf32, #tpu.memory_space<vmem>>)
      %slice3A_1316 = vector.extract_strided_slice %get3A_207 {offsets = [11], sizes = [1], strides = [1]} : vector<16xi32> to vector<1xi32>
      %squeeze3A_1317 = vector.extract %slice3A_1316[0] : i32 from vector<1xi32>
      %and3A_1318 = arith.constant 127 : i32
      %and3A_1319 = arith.andi %squeeze3A_1317, %and3A_1318 : i32
      %broadcast_in_dim3A_1320 = vector.broadcast %and3A_1319 : i32 to vector<16xi32>
      %add3A_1321 = arith.constant 0 : i32
      %add3A_1322 = arith.addi %add3A_1321, %add3A_1297 : i32
      %broadcast_in_dim3A_1323 = vector.broadcast %add3A_1322 : i32 to vector<16xi32>
      %add3A_1324 = arith.constant 0 : i32
      %add3A_1325 = vector.broadcast %add3A_1324 : i32 to vector<16xi32>
      %add3A_1326 = arith.addi %iota3A, %add3A_1325 : vector<16xi32>
      %gather3A_1327 = arith.constant 3 : i32
      %gather3A_1328 = arith.constant 0 : i32
      %gather3A_1329 = arith.constant 0 : i32
      %gather3A_1330 = tpu.memref_slice %arg8[%gather3A_1327, %gather3A_1328, %gather3A_1329] : memref<8x64x128xf32, #tpu.memory_space<vmem>> -> memref<1x64x128xf32, #tpu.memory_space<vmem>>
      %gather3A_1331 = tpu.memref_squeeze %gather3A_1330 : memref<1x64x128xf32, #tpu.memory_space<vmem>> -> memref<64x128xf32, #tpu.memory_space<vmem>>
      %gather3A_1332 = tpu.vector_load_idx %gather3A_1331[%add3A_1326, %broadcast_in_dim3A_1320] : memref<64x128xf32, #tpu.memory_space<vmem>>[vector<16xi32>, vector<16xi32>], vector<16xf32>,
      %gather3A_1333 = tpu.vector_load_idx %arg7[%add3A_1326, %broadcast_in_dim3A_1323] : memref<64x512xf32, #tpu.memory_space<vmem>>[vector<16xi32>, vector<16xi32>], vector<16xf32>,
      %sub3A_1334 = arith.subf %gather3A_1333, %gather3A_1332 : vector<16xf32>
      %mul3A_1335 = arith.mulf %sub3A_1334, %sub3A_1334 : vector<16xf32>
      %add3A_1336 = arith.addf %add3A_1249, %mul3A_1335 : vector<16xf32>
      %add3A_1337 = arith.constant 16 : i32
      %add3A_1338 = vector.broadcast %add3A_1337 : i32 to vector<16xi32>
      %add3A_1339 = arith.addi %iota3A, %add3A_1338 : vector<16xi32>
      %gather3A_1340 = arith.constant 3 : i32
      %gather3A_1341 = arith.constant 0 : i32
      %gather3A_1342 = arith.constant 0 : i32
      %gather3A_1343 = tpu.memref_slice %arg8[%gather3A_1340, %gather3A_1341, %gather3A_1342] : memref<8x64x128xf32, #tpu.memory_space<vmem>> -> memref<1x64x128xf32, #tpu.memory_space<vmem>>
      %gather3A_1344 = tpu.memref_squeeze %gather3A_1343 : memref<1x64x128xf32, #tpu.memory_space<vmem>> -> memref<64x128xf32, #tpu.memory_space<vmem>>
      %gather3A_1345 = tpu.vector_load_idx %gather3A_1344[%add3A_1339, %broadcast_in_dim3A_1320] : memref<64x128xf32, #tpu.memory_space<vmem>>[vector<16xi32>, vector<16xi32>], vector<16xf32>,
      %gather3A_1346 = tpu.vector_load_idx %arg7[%add3A_1339, %broadcast_in_dim3A_1323] : memref<64x512xf32, #tpu.memory_space<vmem>>[vector<16xi32>, vector<16xi32>], vector<16xf32>,
      %sub3A_1347 = arith.subf %gather3A_1346, %gather3A_1345 : vector<16xf32>
      %mul3A_1348 = arith.mulf %sub3A_1347, %sub3A_1347 : vector<16xf32>
      %add3A_1349 = arith.addf %add3A_1262, %mul3A_1348 : vector<16xf32>
      %add3A_1350 = arith.constant 32 : i32
      %add3A_1351 = vector.broadcast %add3A_1350 : i32 to vector<16xi32>
      %add3A_1352 = arith.addi %iota3A, %add3A_1351 : vector<16xi32>
      %gather3A_1353 = arith.constant 3 : i32
      %gather3A_1354 = arith.constant 0 : i32
      %gather3A_1355 = arith.constant 0 : i32
      %gather3A_1356 = tpu.memref_slice %arg8[%gather3A_1353, %gather3A_1354, %gather3A_1355] : memref<8x64x128xf32, #tpu.memory_space<vmem>> -> memref<1x64x128xf32, #tpu.memory_space<vmem>>
      %gather3A_1357 = tpu.memref_squeeze %gather3A_1356 : memref<1x64x128xf32, #tpu.memory_space<vmem>> -> memref<64x128xf32, #tpu.memory_space<vmem>>
      %gather3A_1358 = tpu.vector_load_idx %gather3A_1357[%add3A_1352, %broadcast_in_dim3A_1320] : memref<64x128xf32, #tpu.memory_space<vmem>>[vector<16xi32>, vector<16xi32>], vector<16xf32>,
      %gather3A_1359 = tpu.vector_load_idx %arg7[%add3A_1352, %broadcast_in_dim3A_1323] : memref<64x512xf32, #tpu.memory_space<vmem>>[vector<16xi32>, vector<16xi32>], vector<16xf32>,
      %sub3A_1360 = arith.subf %gather3A_1359, %gather3A_1358 : vector<16xf32>
      %mul3A_1361 = arith.mulf %sub3A_1360, %sub3A_1360 : vector<16xf32>
      %add3A_1362 = arith.addf %add3A_1275, %mul3A_1361 : vector<16xf32>
      %add3A_1363 = arith.constant 48 : i32
      %add3A_1364 = vector.broadcast %add3A_1363 : i32 to vector<16xi32>
      %add3A_1365 = arith.addi %iota3A, %add3A_1364 : vector<16xi32>
      %gather3A_1366 = arith.constant 3 : i32
      %gather3A_1367 = arith.constant 0 : i32
      %gather3A_1368 = arith.constant 0 : i32
      %gather3A_1369 = tpu.memref_slice %arg8[%gather3A_1366, %gather3A_1367, %gather3A_1368] : memref<8x64x128xf32, #tpu.memory_space<vmem>> -> memref<1x64x128xf32, #tpu.memory_space<vmem>>
      %gather3A_1370 = tpu.memref_squeeze %gather3A_1369 : memref<1x64x128xf32, #tpu.memory_space<vmem>> -> memref<64x128xf32, #tpu.memory_space<vmem>>
      %gather3A_1371 = tpu.vector_load_idx %gather3A_1370[%add3A_1365, %broadcast_in_dim3A_1320] : memref<64x128xf32, #tpu.memory_space<vmem>>[vector<16xi32>, vector<16xi32>], vector<16xf32>,
      %gather3A_1372 = tpu.vector_load_idx %arg7[%add3A_1365, %broadcast_in_dim3A_1323] : memref<64x512xf32, #tpu.memory_space<vmem>>[vector<16xi32>, vector<16xi32>], vector<16xf32>,
      %sub3A_1373 = arith.subf %gather3A_1372, %gather3A_1371 : vector<16xf32>
      %mul3A_1374 = arith.mulf %sub3A_1373, %sub3A_1373 : vector<16xf32>
      %add3A_1375 = arith.addf %add3A_1288, %mul3A_1374 : vector<16xf32>
      %lt3A_1376 = arith.constant 31 : i32
      %lt3A_1377 = arith.cmpi slt, %scan3A_199, %lt3A_1376 : i32
      %convert_element_type3A_1378 = arith.extui %lt3A_1377 : i1 to i32
      %cond3A_1379 = arith.constant 0 : i32
      %cond3A_1380 = arith.cmpi ne, %convert_element_type3A_1378, %cond3A_1379 : i32
      scf.if %cond3A_1380 {
        %slice3A_1729 = vector.extract_strided_slice %get3A_213 {offsets = [3], sizes = [1], strides = [1]} : vector<16xi32> to vector<1xi32>
        %squeeze3A_1730 = vector.extract %slice3A_1729[0] : i32 from vector<1xi32>
        %and3A_1731 = arith.constant -128 : i32
        %and3A_1732 = arith.andi %squeeze3A_1730, %and3A_1731 : i32
        %multiple_of3A_1733 = tpu.assume_multiple %and3A_1732, 128 : i32
        %dma_start3A_1734 = arith.constant 3 : i32
        %dma_start3A_1735 = arith.constant 3 : i32
        %dma_start3A_1736 = arith.constant 0 : i32
        %dma_start3A_1737 = arith.constant 0 : i32
        %dma_start3A_1738 = tpu.memref_slice %arg8[%dma_start3A_1734, %dma_start3A_1736, %dma_start3A_1737] : memref<8x64x128xf32, #tpu.memory_space<vmem>> -> memref<1x64x128xf32, #tpu.memory_space<vmem>>
        %dma_start3A_1739 = tpu.memref_squeeze %dma_start3A_1738 : memref<1x64x128xf32, #tpu.memory_space<vmem>> -> memref<64x128xf32, #tpu.memory_space<vmem>>
        %dma_start3A_1740 = arith.constant 0 : i32
        %dma_start3A_1741 = tpu.memref_slice %arg4[%dma_start3A_1740, %multiple_of3A_1733] : memref<64x1000000xf32, #tpu.memory_space<hbm>> -> memref<64x128xf32, #tpu.memory_space<hbm>>
        %dma_start3A_1742 = tpu.memref_slice %arg12[%dma_start3A_1735] : memref<8x!tpu.dma_semaphore, #tpu.memory_space<semaphore_mem>> -> memref<1x!tpu.dma_semaphore, #tpu.memory_space<semaphore_mem>>
        %dma_start3A_1743 = tpu.memref_squeeze %dma_start3A_1742 : memref<1x!tpu.dma_semaphore, #tpu.memory_space<semaphore_mem>> -> memref<!tpu.dma_semaphore, #tpu.memory_space<semaphore_mem>>
        %dma_start3A_1744 = arith.constant 0 : i32
        %dma_start3A_1745 = arith.constant 0 : i32
        %dma_start3A_1746 = tpu.memref_slice %arg8[%dma_start3A_1734, %dma_start3A_1744, %dma_start3A_1745] : memref<8x64x128xf32, #tpu.memory_space<vmem>> -> memref<1x64x128xf32, #tpu.memory_space<vmem>>
        %dma_start3A_1747 = tpu.memref_squeeze %dma_start3A_1746 : memref<1x64x128xf32, #tpu.memory_space<vmem>> -> memref<64x128xf32, #tpu.memory_space<vmem>>
        %dma_start3A_1748 = arith.constant 0 : i32
        %dma_start3A_1749 = tpu.memref_slice %arg4[%dma_start3A_1748, %multiple_of3A_1733] : memref<64x1000000xf32, #tpu.memory_space<hbm>> -> memref<64x128xf32, #tpu.memory_space<hbm>>
        tpu.enqueue_dma source(%dma_start3A_1749 : memref<64x128xf32, #tpu.memory_space<hbm>>) target(%dma_start3A_1747 : memref<64x128xf32, #tpu.memory_space<vmem>>) target_semaphore(%dma_start3A_1743 : memref<!tpu.dma_semaphore, #tpu.memory_space<semaphore_mem>>)
      } else {
      }
      %mul3A_1381 = arith.constant 16 : i32
      %mul3A_1382 = arith.muli %scan3A_199, %mul3A_1381 : i32
      %add3A_1383 = arith.constant 12 : i32
      %add3A_1384 = arith.addi %mul3A_1382, %add3A_1383 : i32
      %dma_wait3A_1385 = arith.constant 4 : i32
      %dma_wait3A_1386 = arith.constant 4 : i32
      %dma_wait3A_1387 = arith.constant 0 : i32
      %dma_wait3A_1388 = arith.constant 0 : i32
      %dma_wait3A_1389 = tpu.memref_slice %arg8[%dma_wait3A_1385, %dma_wait3A_1387, %dma_wait3A_1388] : memref<8x64x128xf32, #tpu.memory_space<vmem>> -> memref<1x64x128xf32, #tpu.memory_space<vmem>>
      %dma_wait3A_1390 = tpu.memref_squeeze %dma_wait3A_1389 : memref<1x64x128xf32, #tpu.memory_space<vmem>> -> memref<64x128xf32, #tpu.memory_space<vmem>>
      %dma_wait3A_1391 = arith.constant 0 : i32
      %dma_wait3A_1392 = arith.constant 0 : i32
      %dma_wait3A_1393 = tpu.memref_slice %arg4[%dma_wait3A_1391, %dma_wait3A_1392] : memref<64x1000000xf32, #tpu.memory_space<hbm>> -> memref<64x128xf32, #tpu.memory_space<hbm>>
      %dma_wait3A_1394 = tpu.memref_slice %arg12[%dma_wait3A_1386] : memref<8x!tpu.dma_semaphore, #tpu.memory_space<semaphore_mem>> -> memref<1x!tpu.dma_semaphore, #tpu.memory_space<semaphore_mem>>
      %dma_wait3A_1395 = tpu.memref_squeeze %dma_wait3A_1394 : memref<1x!tpu.dma_semaphore, #tpu.memory_space<semaphore_mem>> -> memref<!tpu.dma_semaphore, #tpu.memory_space<semaphore_mem>>
      %dma_wait3A_1396 = arith.constant 0 : i32
      %dma_wait3A_1397 = arith.constant 0 : i32
      %dma_wait3A_1398 = tpu.memref_slice %arg8[%dma_wait3A_1385, %dma_wait3A_1396, %dma_wait3A_1397] : memref<8x64x128xf32, #tpu.memory_space<vmem>> -> memref<1x64x128xf32, #tpu.memory_space<vmem>>
      %dma_wait3A_1399 = tpu.memref_squeeze %dma_wait3A_1398 : memref<1x64x128xf32, #tpu.memory_space<vmem>> -> memref<64x128xf32, #tpu.memory_space<vmem>>
      %dma_wait3A_1400 = arith.constant 0 : i32
      %dma_wait3A_1401 = arith.constant 0 : i32
      %dma_wait3A_1402 = tpu.memref_slice %arg4[%dma_wait3A_1400, %dma_wait3A_1401] : memref<64x1000000xf32, #tpu.memory_space<hbm>> -> memref<64x128xf32, #tpu.memory_space<hbm>>
      tpu.wait_dma2 semaphore(%dma_wait3A_1395 : memref<!tpu.dma_semaphore, #tpu.memory_space<semaphore_mem>>) src(%dma_wait3A_1402 : memref<64x128xf32, #tpu.memory_space<hbm>>) dst(%dma_wait3A_1399 : memref<64x128xf32, #tpu.memory_space<vmem>>)
      %slice3A_1403 = vector.extract_strided_slice %get3A_207 {offsets = [12], sizes = [1], strides = [1]} : vector<16xi32> to vector<1xi32>
      %squeeze3A_1404 = vector.extract %slice3A_1403[0] : i32 from vector<1xi32>
      %and3A_1405 = arith.constant 127 : i32
      %and3A_1406 = arith.andi %squeeze3A_1404, %and3A_1405 : i32
      %broadcast_in_dim3A_1407 = vector.broadcast %and3A_1406 : i32 to vector<16xi32>
      %add3A_1408 = arith.constant 0 : i32
      %add3A_1409 = arith.addi %add3A_1408, %add3A_1384 : i32
      %broadcast_in_dim3A_1410 = vector.broadcast %add3A_1409 : i32 to vector<16xi32>
      %add3A_1411 = arith.constant 0 : i32
      %add3A_1412 = vector.broadcast %add3A_1411 : i32 to vector<16xi32>
      %add3A_1413 = arith.addi %iota3A, %add3A_1412 : vector<16xi32>
      %gather3A_1414 = arith.constant 4 : i32
      %gather3A_1415 = arith.constant 0 : i32
      %gather3A_1416 = arith.constant 0 : i32
      %gather3A_1417 = tpu.memref_slice %arg8[%gather3A_1414, %gather3A_1415, %gather3A_1416] : memref<8x64x128xf32, #tpu.memory_space<vmem>> -> memref<1x64x128xf32, #tpu.memory_space<vmem>>
      %gather3A_1418 = tpu.memref_squeeze %gather3A_1417 : memref<1x64x128xf32, #tpu.memory_space<vmem>> -> memref<64x128xf32, #tpu.memory_space<vmem>>
      %gather3A_1419 = tpu.vector_load_idx %gather3A_1418[%add3A_1413, %broadcast_in_dim3A_1407] : memref<64x128xf32, #tpu.memory_space<vmem>>[vector<16xi32>, vector<16xi32>], vector<16xf32>,
      %gather3A_1420 = tpu.vector_load_idx %arg7[%add3A_1413, %broadcast_in_dim3A_1410] : memref<64x512xf32, #tpu.memory_space<vmem>>[vector<16xi32>, vector<16xi32>], vector<16xf32>,
      %sub3A_1421 = arith.subf %gather3A_1420, %gather3A_1419 : vector<16xf32>
      %mul3A_1422 = arith.mulf %sub3A_1421, %sub3A_1421 : vector<16xf32>
      %add3A_1423 = arith.addf %add3A_1336, %mul3A_1422 : vector<16xf32>
      %add3A_1424 = arith.constant 16 : i32
      %add3A_1425 = vector.broadcast %add3A_1424 : i32 to vector<16xi32>
      %add3A_1426 = arith.addi %iota3A, %add3A_1425 : vector<16xi32>
      %gather3A_1427 = arith.constant 4 : i32
      %gather3A_1428 = arith.constant 0 : i32
      %gather3A_1429 = arith.constant 0 : i32
      %gather3A_1430 = tpu.memref_slice %arg8[%gather3A_1427, %gather3A_1428, %gather3A_1429] : memref<8x64x128xf32, #tpu.memory_space<vmem>> -> memref<1x64x128xf32, #tpu.memory_space<vmem>>
      %gather3A_1431 = tpu.memref_squeeze %gather3A_1430 : memref<1x64x128xf32, #tpu.memory_space<vmem>> -> memref<64x128xf32, #tpu.memory_space<vmem>>
      %gather3A_1432 = tpu.vector_load_idx %gather3A_1431[%add3A_1426, %broadcast_in_dim3A_1407] : memref<64x128xf32, #tpu.memory_space<vmem>>[vector<16xi32>, vector<16xi32>], vector<16xf32>,
      %gather3A_1433 = tpu.vector_load_idx %arg7[%add3A_1426, %broadcast_in_dim3A_1410] : memref<64x512xf32, #tpu.memory_space<vmem>>[vector<16xi32>, vector<16xi32>], vector<16xf32>,
      %sub3A_1434 = arith.subf %gather3A_1433, %gather3A_1432 : vector<16xf32>
      %mul3A_1435 = arith.mulf %sub3A_1434, %sub3A_1434 : vector<16xf32>
      %add3A_1436 = arith.addf %add3A_1349, %mul3A_1435 : vector<16xf32>
      %add3A_1437 = arith.constant 32 : i32
      %add3A_1438 = vector.broadcast %add3A_1437 : i32 to vector<16xi32>
      %add3A_1439 = arith.addi %iota3A, %add3A_1438 : vector<16xi32>
      %gather3A_1440 = arith.constant 4 : i32
      %gather3A_1441 = arith.constant 0 : i32
      %gather3A_1442 = arith.constant 0 : i32
      %gather3A_1443 = tpu.memref_slice %arg8[%gather3A_1440, %gather3A_1441, %gather3A_1442] : memref<8x64x128xf32, #tpu.memory_space<vmem>> -> memref<1x64x128xf32, #tpu.memory_space<vmem>>
      %gather3A_1444 = tpu.memref_squeeze %gather3A_1443 : memref<1x64x128xf32, #tpu.memory_space<vmem>> -> memref<64x128xf32, #tpu.memory_space<vmem>>
      %gather3A_1445 = tpu.vector_load_idx %gather3A_1444[%add3A_1439, %broadcast_in_dim3A_1407] : memref<64x128xf32, #tpu.memory_space<vmem>>[vector<16xi32>, vector<16xi32>], vector<16xf32>,
      %gather3A_1446 = tpu.vector_load_idx %arg7[%add3A_1439, %broadcast_in_dim3A_1410] : memref<64x512xf32, #tpu.memory_space<vmem>>[vector<16xi32>, vector<16xi32>], vector<16xf32>,
      %sub3A_1447 = arith.subf %gather3A_1446, %gather3A_1445 : vector<16xf32>
      %mul3A_1448 = arith.mulf %sub3A_1447, %sub3A_1447 : vector<16xf32>
      %add3A_1449 = arith.addf %add3A_1362, %mul3A_1448 : vector<16xf32>
      %add3A_1450 = arith.constant 48 : i32
      %add3A_1451 = vector.broadcast %add3A_1450 : i32 to vector<16xi32>
      %add3A_1452 = arith.addi %iota3A, %add3A_1451 : vector<16xi32>
      %gather3A_1453 = arith.constant 4 : i32
      %gather3A_1454 = arith.constant 0 : i32
      %gather3A_1455 = arith.constant 0 : i32
      %gather3A_1456 = tpu.memref_slice %arg8[%gather3A_1453, %gather3A_1454, %gather3A_1455] : memref<8x64x128xf32, #tpu.memory_space<vmem>> -> memref<1x64x128xf32, #tpu.memory_space<vmem>>
      %gather3A_1457 = tpu.memref_squeeze %gather3A_1456 : memref<1x64x128xf32, #tpu.memory_space<vmem>> -> memref<64x128xf32, #tpu.memory_space<vmem>>
      %gather3A_1458 = tpu.vector_load_idx %gather3A_1457[%add3A_1452, %broadcast_in_dim3A_1407] : memref<64x128xf32, #tpu.memory_space<vmem>>[vector<16xi32>, vector<16xi32>], vector<16xf32>,
      %gather3A_1459 = tpu.vector_load_idx %arg7[%add3A_1452, %broadcast_in_dim3A_1410] : memref<64x512xf32, #tpu.memory_space<vmem>>[vector<16xi32>, vector<16xi32>], vector<16xf32>,
      %sub3A_1460 = arith.subf %gather3A_1459, %gather3A_1458 : vector<16xf32>
      %mul3A_1461 = arith.mulf %sub3A_1460, %sub3A_1460 : vector<16xf32>
      %add3A_1462 = arith.addf %add3A_1375, %mul3A_1461 : vector<16xf32>
      %lt3A_1463 = arith.constant 31 : i32
      %lt3A_1464 = arith.cmpi slt, %scan3A_199, %lt3A_1463 : i32
      %convert_element_type3A_1465 = arith.extui %lt3A_1464 : i1 to i32
      %cond3A_1466 = arith.constant 0 : i32
      %cond3A_1467 = arith.cmpi ne, %convert_element_type3A_1465, %cond3A_1466 : i32
      scf.if %cond3A_1467 {
        %slice3A_1729 = vector.extract_strided_slice %get3A_213 {offsets = [4], sizes = [1], strides = [1]} : vector<16xi32> to vector<1xi32>
        %squeeze3A_1730 = vector.extract %slice3A_1729[0] : i32 from vector<1xi32>
        %and3A_1731 = arith.constant -128 : i32
        %and3A_1732 = arith.andi %squeeze3A_1730, %and3A_1731 : i32
        %multiple_of3A_1733 = tpu.assume_multiple %and3A_1732, 128 : i32
        %dma_start3A_1734 = arith.constant 4 : i32
        %dma_start3A_1735 = arith.constant 4 : i32
        %dma_start3A_1736 = arith.constant 0 : i32
        %dma_start3A_1737 = arith.constant 0 : i32
        %dma_start3A_1738 = tpu.memref_slice %arg8[%dma_start3A_1734, %dma_start3A_1736, %dma_start3A_1737] : memref<8x64x128xf32, #tpu.memory_space<vmem>> -> memref<1x64x128xf32, #tpu.memory_space<vmem>>
        %dma_start3A_1739 = tpu.memref_squeeze %dma_start3A_1738 : memref<1x64x128xf32, #tpu.memory_space<vmem>> -> memref<64x128xf32, #tpu.memory_space<vmem>>
        %dma_start3A_1740 = arith.constant 0 : i32
        %dma_start3A_1741 = tpu.memref_slice %arg4[%dma_start3A_1740, %multiple_of3A_1733] : memref<64x1000000xf32, #tpu.memory_space<hbm>> -> memref<64x128xf32, #tpu.memory_space<hbm>>
        %dma_start3A_1742 = tpu.memref_slice %arg12[%dma_start3A_1735] : memref<8x!tpu.dma_semaphore, #tpu.memory_space<semaphore_mem>> -> memref<1x!tpu.dma_semaphore, #tpu.memory_space<semaphore_mem>>
        %dma_start3A_1743 = tpu.memref_squeeze %dma_start3A_1742 : memref<1x!tpu.dma_semaphore, #tpu.memory_space<semaphore_mem>> -> memref<!tpu.dma_semaphore, #tpu.memory_space<semaphore_mem>>
        %dma_start3A_1744 = arith.constant 0 : i32
        %dma_start3A_1745 = arith.constant 0 : i32
        %dma_start3A_1746 = tpu.memref_slice %arg8[%dma_start3A_1734, %dma_start3A_1744, %dma_start3A_1745] : memref<8x64x128xf32, #tpu.memory_space<vmem>> -> memref<1x64x128xf32, #tpu.memory_space<vmem>>
        %dma_start3A_1747 = tpu.memref_squeeze %dma_start3A_1746 : memref<1x64x128xf32, #tpu.memory_space<vmem>> -> memref<64x128xf32, #tpu.memory_space<vmem>>
        %dma_start3A_1748 = arith.constant 0 : i32
        %dma_start3A_1749 = tpu.memref_slice %arg4[%dma_start3A_1748, %multiple_of3A_1733] : memref<64x1000000xf32, #tpu.memory_space<hbm>> -> memref<64x128xf32, #tpu.memory_space<hbm>>
        tpu.enqueue_dma source(%dma_start3A_1749 : memref<64x128xf32, #tpu.memory_space<hbm>>) target(%dma_start3A_1747 : memref<64x128xf32, #tpu.memory_space<vmem>>) target_semaphore(%dma_start3A_1743 : memref<!tpu.dma_semaphore, #tpu.memory_space<semaphore_mem>>)
      } else {
      }
      %mul3A_1468 = arith.constant 16 : i32
      %mul3A_1469 = arith.muli %scan3A_199, %mul3A_1468 : i32
      %add3A_1470 = arith.constant 13 : i32
      %add3A_1471 = arith.addi %mul3A_1469, %add3A_1470 : i32
      %dma_wait3A_1472 = arith.constant 5 : i32
      %dma_wait3A_1473 = arith.constant 5 : i32
      %dma_wait3A_1474 = arith.constant 0 : i32
      %dma_wait3A_1475 = arith.constant 0 : i32
      %dma_wait3A_1476 = tpu.memref_slice %arg8[%dma_wait3A_1472, %dma_wait3A_1474, %dma_wait3A_1475] : memref<8x64x128xf32, #tpu.memory_space<vmem>> -> memref<1x64x128xf32, #tpu.memory_space<vmem>>
      %dma_wait3A_1477 = tpu.memref_squeeze %dma_wait3A_1476 : memref<1x64x128xf32, #tpu.memory_space<vmem>> -> memref<64x128xf32, #tpu.memory_space<vmem>>
      %dma_wait3A_1478 = arith.constant 0 : i32
      %dma_wait3A_1479 = arith.constant 0 : i32
      %dma_wait3A_1480 = tpu.memref_slice %arg4[%dma_wait3A_1478, %dma_wait3A_1479] : memref<64x1000000xf32, #tpu.memory_space<hbm>> -> memref<64x128xf32, #tpu.memory_space<hbm>>
      %dma_wait3A_1481 = tpu.memref_slice %arg12[%dma_wait3A_1473] : memref<8x!tpu.dma_semaphore, #tpu.memory_space<semaphore_mem>> -> memref<1x!tpu.dma_semaphore, #tpu.memory_space<semaphore_mem>>
      %dma_wait3A_1482 = tpu.memref_squeeze %dma_wait3A_1481 : memref<1x!tpu.dma_semaphore, #tpu.memory_space<semaphore_mem>> -> memref<!tpu.dma_semaphore, #tpu.memory_space<semaphore_mem>>
      %dma_wait3A_1483 = arith.constant 0 : i32
      %dma_wait3A_1484 = arith.constant 0 : i32
      %dma_wait3A_1485 = tpu.memref_slice %arg8[%dma_wait3A_1472, %dma_wait3A_1483, %dma_wait3A_1484] : memref<8x64x128xf32, #tpu.memory_space<vmem>> -> memref<1x64x128xf32, #tpu.memory_space<vmem>>
      %dma_wait3A_1486 = tpu.memref_squeeze %dma_wait3A_1485 : memref<1x64x128xf32, #tpu.memory_space<vmem>> -> memref<64x128xf32, #tpu.memory_space<vmem>>
      %dma_wait3A_1487 = arith.constant 0 : i32
      %dma_wait3A_1488 = arith.constant 0 : i32
      %dma_wait3A_1489 = tpu.memref_slice %arg4[%dma_wait3A_1487, %dma_wait3A_1488] : memref<64x1000000xf32, #tpu.memory_space<hbm>> -> memref<64x128xf32, #tpu.memory_space<hbm>>
      tpu.wait_dma2 semaphore(%dma_wait3A_1482 : memref<!tpu.dma_semaphore, #tpu.memory_space<semaphore_mem>>) src(%dma_wait3A_1489 : memref<64x128xf32, #tpu.memory_space<hbm>>) dst(%dma_wait3A_1486 : memref<64x128xf32, #tpu.memory_space<vmem>>)
      %slice3A_1490 = vector.extract_strided_slice %get3A_207 {offsets = [13], sizes = [1], strides = [1]} : vector<16xi32> to vector<1xi32>
      %squeeze3A_1491 = vector.extract %slice3A_1490[0] : i32 from vector<1xi32>
      %and3A_1492 = arith.constant 127 : i32
      %and3A_1493 = arith.andi %squeeze3A_1491, %and3A_1492 : i32
      %broadcast_in_dim3A_1494 = vector.broadcast %and3A_1493 : i32 to vector<16xi32>
      %add3A_1495 = arith.constant 0 : i32
      %add3A_1496 = arith.addi %add3A_1495, %add3A_1471 : i32
      %broadcast_in_dim3A_1497 = vector.broadcast %add3A_1496 : i32 to vector<16xi32>
      %add3A_1498 = arith.constant 0 : i32
      %add3A_1499 = vector.broadcast %add3A_1498 : i32 to vector<16xi32>
      %add3A_1500 = arith.addi %iota3A, %add3A_1499 : vector<16xi32>
      %gather3A_1501 = arith.constant 5 : i32
      %gather3A_1502 = arith.constant 0 : i32
      %gather3A_1503 = arith.constant 0 : i32
      %gather3A_1504 = tpu.memref_slice %arg8[%gather3A_1501, %gather3A_1502, %gather3A_1503] : memref<8x64x128xf32, #tpu.memory_space<vmem>> -> memref<1x64x128xf32, #tpu.memory_space<vmem>>
      %gather3A_1505 = tpu.memref_squeeze %gather3A_1504 : memref<1x64x128xf32, #tpu.memory_space<vmem>> -> memref<64x128xf32, #tpu.memory_space<vmem>>
      %gather3A_1506 = tpu.vector_load_idx %gather3A_1505[%add3A_1500, %broadcast_in_dim3A_1494] : memref<64x128xf32, #tpu.memory_space<vmem>>[vector<16xi32>, vector<16xi32>], vector<16xf32>,
      %gather3A_1507 = tpu.vector_load_idx %arg7[%add3A_1500, %broadcast_in_dim3A_1497] : memref<64x512xf32, #tpu.memory_space<vmem>>[vector<16xi32>, vector<16xi32>], vector<16xf32>,
      %sub3A_1508 = arith.subf %gather3A_1507, %gather3A_1506 : vector<16xf32>
      %mul3A_1509 = arith.mulf %sub3A_1508, %sub3A_1508 : vector<16xf32>
      %add3A_1510 = arith.addf %add3A_1423, %mul3A_1509 : vector<16xf32>
      %add3A_1511 = arith.constant 16 : i32
      %add3A_1512 = vector.broadcast %add3A_1511 : i32 to vector<16xi32>
      %add3A_1513 = arith.addi %iota3A, %add3A_1512 : vector<16xi32>
      %gather3A_1514 = arith.constant 5 : i32
      %gather3A_1515 = arith.constant 0 : i32
      %gather3A_1516 = arith.constant 0 : i32
      %gather3A_1517 = tpu.memref_slice %arg8[%gather3A_1514, %gather3A_1515, %gather3A_1516] : memref<8x64x128xf32, #tpu.memory_space<vmem>> -> memref<1x64x128xf32, #tpu.memory_space<vmem>>
      %gather3A_1518 = tpu.memref_squeeze %gather3A_1517 : memref<1x64x128xf32, #tpu.memory_space<vmem>> -> memref<64x128xf32, #tpu.memory_space<vmem>>
      %gather3A_1519 = tpu.vector_load_idx %gather3A_1518[%add3A_1513, %broadcast_in_dim3A_1494] : memref<64x128xf32, #tpu.memory_space<vmem>>[vector<16xi32>, vector<16xi32>], vector<16xf32>,
      %gather3A_1520 = tpu.vector_load_idx %arg7[%add3A_1513, %broadcast_in_dim3A_1497] : memref<64x512xf32, #tpu.memory_space<vmem>>[vector<16xi32>, vector<16xi32>], vector<16xf32>,
      %sub3A_1521 = arith.subf %gather3A_1520, %gather3A_1519 : vector<16xf32>
      %mul3A_1522 = arith.mulf %sub3A_1521, %sub3A_1521 : vector<16xf32>
      %add3A_1523 = arith.addf %add3A_1436, %mul3A_1522 : vector<16xf32>
      %add3A_1524 = arith.constant 32 : i32
      %add3A_1525 = vector.broadcast %add3A_1524 : i32 to vector<16xi32>
      %add3A_1526 = arith.addi %iota3A, %add3A_1525 : vector<16xi32>
      %gather3A_1527 = arith.constant 5 : i32
      %gather3A_1528 = arith.constant 0 : i32
      %gather3A_1529 = arith.constant 0 : i32
      %gather3A_1530 = tpu.memref_slice %arg8[%gather3A_1527, %gather3A_1528, %gather3A_1529] : memref<8x64x128xf32, #tpu.memory_space<vmem>> -> memref<1x64x128xf32, #tpu.memory_space<vmem>>
      %gather3A_1531 = tpu.memref_squeeze %gather3A_1530 : memref<1x64x128xf32, #tpu.memory_space<vmem>> -> memref<64x128xf32, #tpu.memory_space<vmem>>
      %gather3A_1532 = tpu.vector_load_idx %gather3A_1531[%add3A_1526, %broadcast_in_dim3A_1494] : memref<64x128xf32, #tpu.memory_space<vmem>>[vector<16xi32>, vector<16xi32>], vector<16xf32>,
      %gather3A_1533 = tpu.vector_load_idx %arg7[%add3A_1526, %broadcast_in_dim3A_1497] : memref<64x512xf32, #tpu.memory_space<vmem>>[vector<16xi32>, vector<16xi32>], vector<16xf32>,
      %sub3A_1534 = arith.subf %gather3A_1533, %gather3A_1532 : vector<16xf32>
      %mul3A_1535 = arith.mulf %sub3A_1534, %sub3A_1534 : vector<16xf32>
      %add3A_1536 = arith.addf %add3A_1449, %mul3A_1535 : vector<16xf32>
      %add3A_1537 = arith.constant 48 : i32
      %add3A_1538 = vector.broadcast %add3A_1537 : i32 to vector<16xi32>
      %add3A_1539 = arith.addi %iota3A, %add3A_1538 : vector<16xi32>
      %gather3A_1540 = arith.constant 5 : i32
      %gather3A_1541 = arith.constant 0 : i32
      %gather3A_1542 = arith.constant 0 : i32
      %gather3A_1543 = tpu.memref_slice %arg8[%gather3A_1540, %gather3A_1541, %gather3A_1542] : memref<8x64x128xf32, #tpu.memory_space<vmem>> -> memref<1x64x128xf32, #tpu.memory_space<vmem>>
      %gather3A_1544 = tpu.memref_squeeze %gather3A_1543 : memref<1x64x128xf32, #tpu.memory_space<vmem>> -> memref<64x128xf32, #tpu.memory_space<vmem>>
      %gather3A_1545 = tpu.vector_load_idx %gather3A_1544[%add3A_1539, %broadcast_in_dim3A_1494] : memref<64x128xf32, #tpu.memory_space<vmem>>[vector<16xi32>, vector<16xi32>], vector<16xf32>,
      %gather3A_1546 = tpu.vector_load_idx %arg7[%add3A_1539, %broadcast_in_dim3A_1497] : memref<64x512xf32, #tpu.memory_space<vmem>>[vector<16xi32>, vector<16xi32>], vector<16xf32>,
      %sub3A_1547 = arith.subf %gather3A_1546, %gather3A_1545 : vector<16xf32>
      %mul3A_1548 = arith.mulf %sub3A_1547, %sub3A_1547 : vector<16xf32>
      %add3A_1549 = arith.addf %add3A_1462, %mul3A_1548 : vector<16xf32>
      %lt3A_1550 = arith.constant 31 : i32
      %lt3A_1551 = arith.cmpi slt, %scan3A_199, %lt3A_1550 : i32
      %convert_element_type3A_1552 = arith.extui %lt3A_1551 : i1 to i32
      %cond3A_1553 = arith.constant 0 : i32
      %cond3A_1554 = arith.cmpi ne, %convert_element_type3A_1552, %cond3A_1553 : i32
      scf.if %cond3A_1554 {
        %slice3A_1729 = vector.extract_strided_slice %get3A_213 {offsets = [5], sizes = [1], strides = [1]} : vector<16xi32> to vector<1xi32>
        %squeeze3A_1730 = vector.extract %slice3A_1729[0] : i32 from vector<1xi32>
        %and3A_1731 = arith.constant -128 : i32
        %and3A_1732 = arith.andi %squeeze3A_1730, %and3A_1731 : i32
        %multiple_of3A_1733 = tpu.assume_multiple %and3A_1732, 128 : i32
        %dma_start3A_1734 = arith.constant 5 : i32
        %dma_start3A_1735 = arith.constant 5 : i32
        %dma_start3A_1736 = arith.constant 0 : i32
        %dma_start3A_1737 = arith.constant 0 : i32
        %dma_start3A_1738 = tpu.memref_slice %arg8[%dma_start3A_1734, %dma_start3A_1736, %dma_start3A_1737] : memref<8x64x128xf32, #tpu.memory_space<vmem>> -> memref<1x64x128xf32, #tpu.memory_space<vmem>>
        %dma_start3A_1739 = tpu.memref_squeeze %dma_start3A_1738 : memref<1x64x128xf32, #tpu.memory_space<vmem>> -> memref<64x128xf32, #tpu.memory_space<vmem>>
        %dma_start3A_1740 = arith.constant 0 : i32
        %dma_start3A_1741 = tpu.memref_slice %arg4[%dma_start3A_1740, %multiple_of3A_1733] : memref<64x1000000xf32, #tpu.memory_space<hbm>> -> memref<64x128xf32, #tpu.memory_space<hbm>>
        %dma_start3A_1742 = tpu.memref_slice %arg12[%dma_start3A_1735] : memref<8x!tpu.dma_semaphore, #tpu.memory_space<semaphore_mem>> -> memref<1x!tpu.dma_semaphore, #tpu.memory_space<semaphore_mem>>
        %dma_start3A_1743 = tpu.memref_squeeze %dma_start3A_1742 : memref<1x!tpu.dma_semaphore, #tpu.memory_space<semaphore_mem>> -> memref<!tpu.dma_semaphore, #tpu.memory_space<semaphore_mem>>
        %dma_start3A_1744 = arith.constant 0 : i32
        %dma_start3A_1745 = arith.constant 0 : i32
        %dma_start3A_1746 = tpu.memref_slice %arg8[%dma_start3A_1734, %dma_start3A_1744, %dma_start3A_1745] : memref<8x64x128xf32, #tpu.memory_space<vmem>> -> memref<1x64x128xf32, #tpu.memory_space<vmem>>
        %dma_start3A_1747 = tpu.memref_squeeze %dma_start3A_1746 : memref<1x64x128xf32, #tpu.memory_space<vmem>> -> memref<64x128xf32, #tpu.memory_space<vmem>>
        %dma_start3A_1748 = arith.constant 0 : i32
        %dma_start3A_1749 = tpu.memref_slice %arg4[%dma_start3A_1748, %multiple_of3A_1733] : memref<64x1000000xf32, #tpu.memory_space<hbm>> -> memref<64x128xf32, #tpu.memory_space<hbm>>
        tpu.enqueue_dma source(%dma_start3A_1749 : memref<64x128xf32, #tpu.memory_space<hbm>>) target(%dma_start3A_1747 : memref<64x128xf32, #tpu.memory_space<vmem>>) target_semaphore(%dma_start3A_1743 : memref<!tpu.dma_semaphore, #tpu.memory_space<semaphore_mem>>)
      } else {
      }
      %mul3A_1555 = arith.constant 16 : i32
      %mul3A_1556 = arith.muli %scan3A_199, %mul3A_1555 : i32
      %add3A_1557 = arith.constant 14 : i32
      %add3A_1558 = arith.addi %mul3A_1556, %add3A_1557 : i32
      %dma_wait3A_1559 = arith.constant 6 : i32
      %dma_wait3A_1560 = arith.constant 6 : i32
      %dma_wait3A_1561 = arith.constant 0 : i32
      %dma_wait3A_1562 = arith.constant 0 : i32
      %dma_wait3A_1563 = tpu.memref_slice %arg8[%dma_wait3A_1559, %dma_wait3A_1561, %dma_wait3A_1562] : memref<8x64x128xf32, #tpu.memory_space<vmem>> -> memref<1x64x128xf32, #tpu.memory_space<vmem>>
      %dma_wait3A_1564 = tpu.memref_squeeze %dma_wait3A_1563 : memref<1x64x128xf32, #tpu.memory_space<vmem>> -> memref<64x128xf32, #tpu.memory_space<vmem>>
      %dma_wait3A_1565 = arith.constant 0 : i32
      %dma_wait3A_1566 = arith.constant 0 : i32
      %dma_wait3A_1567 = tpu.memref_slice %arg4[%dma_wait3A_1565, %dma_wait3A_1566] : memref<64x1000000xf32, #tpu.memory_space<hbm>> -> memref<64x128xf32, #tpu.memory_space<hbm>>
      %dma_wait3A_1568 = tpu.memref_slice %arg12[%dma_wait3A_1560] : memref<8x!tpu.dma_semaphore, #tpu.memory_space<semaphore_mem>> -> memref<1x!tpu.dma_semaphore, #tpu.memory_space<semaphore_mem>>
      %dma_wait3A_1569 = tpu.memref_squeeze %dma_wait3A_1568 : memref<1x!tpu.dma_semaphore, #tpu.memory_space<semaphore_mem>> -> memref<!tpu.dma_semaphore, #tpu.memory_space<semaphore_mem>>
      %dma_wait3A_1570 = arith.constant 0 : i32
      %dma_wait3A_1571 = arith.constant 0 : i32
      %dma_wait3A_1572 = tpu.memref_slice %arg8[%dma_wait3A_1559, %dma_wait3A_1570, %dma_wait3A_1571] : memref<8x64x128xf32, #tpu.memory_space<vmem>> -> memref<1x64x128xf32, #tpu.memory_space<vmem>>
      %dma_wait3A_1573 = tpu.memref_squeeze %dma_wait3A_1572 : memref<1x64x128xf32, #tpu.memory_space<vmem>> -> memref<64x128xf32, #tpu.memory_space<vmem>>
      %dma_wait3A_1574 = arith.constant 0 : i32
      %dma_wait3A_1575 = arith.constant 0 : i32
      %dma_wait3A_1576 = tpu.memref_slice %arg4[%dma_wait3A_1574, %dma_wait3A_1575] : memref<64x1000000xf32, #tpu.memory_space<hbm>> -> memref<64x128xf32, #tpu.memory_space<hbm>>
      tpu.wait_dma2 semaphore(%dma_wait3A_1569 : memref<!tpu.dma_semaphore, #tpu.memory_space<semaphore_mem>>) src(%dma_wait3A_1576 : memref<64x128xf32, #tpu.memory_space<hbm>>) dst(%dma_wait3A_1573 : memref<64x128xf32, #tpu.memory_space<vmem>>)
      %slice3A_1577 = vector.extract_strided_slice %get3A_207 {offsets = [14], sizes = [1], strides = [1]} : vector<16xi32> to vector<1xi32>
      %squeeze3A_1578 = vector.extract %slice3A_1577[0] : i32 from vector<1xi32>
      %and3A_1579 = arith.constant 127 : i32
      %and3A_1580 = arith.andi %squeeze3A_1578, %and3A_1579 : i32
      %broadcast_in_dim3A_1581 = vector.broadcast %and3A_1580 : i32 to vector<16xi32>
      %add3A_1582 = arith.constant 0 : i32
      %add3A_1583 = arith.addi %add3A_1582, %add3A_1558 : i32
      %broadcast_in_dim3A_1584 = vector.broadcast %add3A_1583 : i32 to vector<16xi32>
      %add3A_1585 = arith.constant 0 : i32
      %add3A_1586 = vector.broadcast %add3A_1585 : i32 to vector<16xi32>
      %add3A_1587 = arith.addi %iota3A, %add3A_1586 : vector<16xi32>
      %gather3A_1588 = arith.constant 6 : i32
      %gather3A_1589 = arith.constant 0 : i32
      %gather3A_1590 = arith.constant 0 : i32
      %gather3A_1591 = tpu.memref_slice %arg8[%gather3A_1588, %gather3A_1589, %gather3A_1590] : memref<8x64x128xf32, #tpu.memory_space<vmem>> -> memref<1x64x128xf32, #tpu.memory_space<vmem>>
      %gather3A_1592 = tpu.memref_squeeze %gather3A_1591 : memref<1x64x128xf32, #tpu.memory_space<vmem>> -> memref<64x128xf32, #tpu.memory_space<vmem>>
      %gather3A_1593 = tpu.vector_load_idx %gather3A_1592[%add3A_1587, %broadcast_in_dim3A_1581] : memref<64x128xf32, #tpu.memory_space<vmem>>[vector<16xi32>, vector<16xi32>], vector<16xf32>,
      %gather3A_1594 = tpu.vector_load_idx %arg7[%add3A_1587, %broadcast_in_dim3A_1584] : memref<64x512xf32, #tpu.memory_space<vmem>>[vector<16xi32>, vector<16xi32>], vector<16xf32>,
      %sub3A_1595 = arith.subf %gather3A_1594, %gather3A_1593 : vector<16xf32>
      %mul3A_1596 = arith.mulf %sub3A_1595, %sub3A_1595 : vector<16xf32>
      %add3A_1597 = arith.addf %add3A_1510, %mul3A_1596 : vector<16xf32>
      %add3A_1598 = arith.constant 16 : i32
      %add3A_1599 = vector.broadcast %add3A_1598 : i32 to vector<16xi32>
      %add3A_1600 = arith.addi %iota3A, %add3A_1599 : vector<16xi32>
      %gather3A_1601 = arith.constant 6 : i32
      %gather3A_1602 = arith.constant 0 : i32
      %gather3A_1603 = arith.constant 0 : i32
      %gather3A_1604 = tpu.memref_slice %arg8[%gather3A_1601, %gather3A_1602, %gather3A_1603] : memref<8x64x128xf32, #tpu.memory_space<vmem>> -> memref<1x64x128xf32, #tpu.memory_space<vmem>>
      %gather3A_1605 = tpu.memref_squeeze %gather3A_1604 : memref<1x64x128xf32, #tpu.memory_space<vmem>> -> memref<64x128xf32, #tpu.memory_space<vmem>>
      %gather3A_1606 = tpu.vector_load_idx %gather3A_1605[%add3A_1600, %broadcast_in_dim3A_1581] : memref<64x128xf32, #tpu.memory_space<vmem>>[vector<16xi32>, vector<16xi32>], vector<16xf32>,
      %gather3A_1607 = tpu.vector_load_idx %arg7[%add3A_1600, %broadcast_in_dim3A_1584] : memref<64x512xf32, #tpu.memory_space<vmem>>[vector<16xi32>, vector<16xi32>], vector<16xf32>,
      %sub3A_1608 = arith.subf %gather3A_1607, %gather3A_1606 : vector<16xf32>
      %mul3A_1609 = arith.mulf %sub3A_1608, %sub3A_1608 : vector<16xf32>
      %add3A_1610 = arith.addf %add3A_1523, %mul3A_1609 : vector<16xf32>
      %add3A_1611 = arith.constant 32 : i32
      %add3A_1612 = vector.broadcast %add3A_1611 : i32 to vector<16xi32>
      %add3A_1613 = arith.addi %iota3A, %add3A_1612 : vector<16xi32>
      %gather3A_1614 = arith.constant 6 : i32
      %gather3A_1615 = arith.constant 0 : i32
      %gather3A_1616 = arith.constant 0 : i32
      %gather3A_1617 = tpu.memref_slice %arg8[%gather3A_1614, %gather3A_1615, %gather3A_1616] : memref<8x64x128xf32, #tpu.memory_space<vmem>> -> memref<1x64x128xf32, #tpu.memory_space<vmem>>
      %gather3A_1618 = tpu.memref_squeeze %gather3A_1617 : memref<1x64x128xf32, #tpu.memory_space<vmem>> -> memref<64x128xf32, #tpu.memory_space<vmem>>
      %gather3A_1619 = tpu.vector_load_idx %gather3A_1618[%add3A_1613, %broadcast_in_dim3A_1581] : memref<64x128xf32, #tpu.memory_space<vmem>>[vector<16xi32>, vector<16xi32>], vector<16xf32>,
      %gather3A_1620 = tpu.vector_load_idx %arg7[%add3A_1613, %broadcast_in_dim3A_1584] : memref<64x512xf32, #tpu.memory_space<vmem>>[vector<16xi32>, vector<16xi32>], vector<16xf32>,
      %sub3A_1621 = arith.subf %gather3A_1620, %gather3A_1619 : vector<16xf32>
      %mul3A_1622 = arith.mulf %sub3A_1621, %sub3A_1621 : vector<16xf32>
      %add3A_1623 = arith.addf %add3A_1536, %mul3A_1622 : vector<16xf32>
      %add3A_1624 = arith.constant 48 : i32
      %add3A_1625 = vector.broadcast %add3A_1624 : i32 to vector<16xi32>
      %add3A_1626 = arith.addi %iota3A, %add3A_1625 : vector<16xi32>
      %gather3A_1627 = arith.constant 6 : i32
      %gather3A_1628 = arith.constant 0 : i32
      %gather3A_1629 = arith.constant 0 : i32
      %gather3A_1630 = tpu.memref_slice %arg8[%gather3A_1627, %gather3A_1628, %gather3A_1629] : memref<8x64x128xf32, #tpu.memory_space<vmem>> -> memref<1x64x128xf32, #tpu.memory_space<vmem>>
      %gather3A_1631 = tpu.memref_squeeze %gather3A_1630 : memref<1x64x128xf32, #tpu.memory_space<vmem>> -> memref<64x128xf32, #tpu.memory_space<vmem>>
      %gather3A_1632 = tpu.vector_load_idx %gather3A_1631[%add3A_1626, %broadcast_in_dim3A_1581] : memref<64x128xf32, #tpu.memory_space<vmem>>[vector<16xi32>, vector<16xi32>], vector<16xf32>,
      %gather3A_1633 = tpu.vector_load_idx %arg7[%add3A_1626, %broadcast_in_dim3A_1584] : memref<64x512xf32, #tpu.memory_space<vmem>>[vector<16xi32>, vector<16xi32>], vector<16xf32>,
      %sub3A_1634 = arith.subf %gather3A_1633, %gather3A_1632 : vector<16xf32>
      %mul3A_1635 = arith.mulf %sub3A_1634, %sub3A_1634 : vector<16xf32>
      %add3A_1636 = arith.addf %add3A_1549, %mul3A_1635 : vector<16xf32>
      %lt3A_1637 = arith.constant 31 : i32
      %lt3A_1638 = arith.cmpi slt, %scan3A_199, %lt3A_1637 : i32
      %convert_element_type3A_1639 = arith.extui %lt3A_1638 : i1 to i32
      %cond3A_1640 = arith.constant 0 : i32
      %cond3A_1641 = arith.cmpi ne, %convert_element_type3A_1639, %cond3A_1640 : i32
      scf.if %cond3A_1641 {
        %slice3A_1729 = vector.extract_strided_slice %get3A_213 {offsets = [6], sizes = [1], strides = [1]} : vector<16xi32> to vector<1xi32>
        %squeeze3A_1730 = vector.extract %slice3A_1729[0] : i32 from vector<1xi32>
        %and3A_1731 = arith.constant -128 : i32
        %and3A_1732 = arith.andi %squeeze3A_1730, %and3A_1731 : i32
        %multiple_of3A_1733 = tpu.assume_multiple %and3A_1732, 128 : i32
        %dma_start3A_1734 = arith.constant 6 : i32
        %dma_start3A_1735 = arith.constant 6 : i32
        %dma_start3A_1736 = arith.constant 0 : i32
        %dma_start3A_1737 = arith.constant 0 : i32
        %dma_start3A_1738 = tpu.memref_slice %arg8[%dma_start3A_1734, %dma_start3A_1736, %dma_start3A_1737] : memref<8x64x128xf32, #tpu.memory_space<vmem>> -> memref<1x64x128xf32, #tpu.memory_space<vmem>>
        %dma_start3A_1739 = tpu.memref_squeeze %dma_start3A_1738 : memref<1x64x128xf32, #tpu.memory_space<vmem>> -> memref<64x128xf32, #tpu.memory_space<vmem>>
        %dma_start3A_1740 = arith.constant 0 : i32
        %dma_start3A_1741 = tpu.memref_slice %arg4[%dma_start3A_1740, %multiple_of3A_1733] : memref<64x1000000xf32, #tpu.memory_space<hbm>> -> memref<64x128xf32, #tpu.memory_space<hbm>>
        %dma_start3A_1742 = tpu.memref_slice %arg12[%dma_start3A_1735] : memref<8x!tpu.dma_semaphore, #tpu.memory_space<semaphore_mem>> -> memref<1x!tpu.dma_semaphore, #tpu.memory_space<semaphore_mem>>
        %dma_start3A_1743 = tpu.memref_squeeze %dma_start3A_1742 : memref<1x!tpu.dma_semaphore, #tpu.memory_space<semaphore_mem>> -> memref<!tpu.dma_semaphore, #tpu.memory_space<semaphore_mem>>
        %dma_start3A_1744 = arith.constant 0 : i32
        %dma_start3A_1745 = arith.constant 0 : i32
        %dma_start3A_1746 = tpu.memref_slice %arg8[%dma_start3A_1734, %dma_start3A_1744, %dma_start3A_1745] : memref<8x64x128xf32, #tpu.memory_space<vmem>> -> memref<1x64x128xf32, #tpu.memory_space<vmem>>
        %dma_start3A_1747 = tpu.memref_squeeze %dma_start3A_1746 : memref<1x64x128xf32, #tpu.memory_space<vmem>> -> memref<64x128xf32, #tpu.memory_space<vmem>>
        %dma_start3A_1748 = arith.constant 0 : i32
        %dma_start3A_1749 = tpu.memref_slice %arg4[%dma_start3A_1748, %multiple_of3A_1733] : memref<64x1000000xf32, #tpu.memory_space<hbm>> -> memref<64x128xf32, #tpu.memory_space<hbm>>
        tpu.enqueue_dma source(%dma_start3A_1749 : memref<64x128xf32, #tpu.memory_space<hbm>>) target(%dma_start3A_1747 : memref<64x128xf32, #tpu.memory_space<vmem>>) target_semaphore(%dma_start3A_1743 : memref<!tpu.dma_semaphore, #tpu.memory_space<semaphore_mem>>)
      } else {
      }
      %mul3A_1642 = arith.constant 16 : i32
      %mul3A_1643 = arith.muli %scan3A_199, %mul3A_1642 : i32
      %add3A_1644 = arith.constant 15 : i32
      %add3A_1645 = arith.addi %mul3A_1643, %add3A_1644 : i32
      %dma_wait3A_1646 = arith.constant 7 : i32
      %dma_wait3A_1647 = arith.constant 7 : i32
      %dma_wait3A_1648 = arith.constant 0 : i32
      %dma_wait3A_1649 = arith.constant 0 : i32
      %dma_wait3A_1650 = tpu.memref_slice %arg8[%dma_wait3A_1646, %dma_wait3A_1648, %dma_wait3A_1649] : memref<8x64x128xf32, #tpu.memory_space<vmem>> -> memref<1x64x128xf32, #tpu.memory_space<vmem>>
      %dma_wait3A_1651 = tpu.memref_squeeze %dma_wait3A_1650 : memref<1x64x128xf32, #tpu.memory_space<vmem>> -> memref<64x128xf32, #tpu.memory_space<vmem>>
      %dma_wait3A_1652 = arith.constant 0 : i32
      %dma_wait3A_1653 = arith.constant 0 : i32
      %dma_wait3A_1654 = tpu.memref_slice %arg4[%dma_wait3A_1652, %dma_wait3A_1653] : memref<64x1000000xf32, #tpu.memory_space<hbm>> -> memref<64x128xf32, #tpu.memory_space<hbm>>
      %dma_wait3A_1655 = tpu.memref_slice %arg12[%dma_wait3A_1647] : memref<8x!tpu.dma_semaphore, #tpu.memory_space<semaphore_mem>> -> memref<1x!tpu.dma_semaphore, #tpu.memory_space<semaphore_mem>>
      %dma_wait3A_1656 = tpu.memref_squeeze %dma_wait3A_1655 : memref<1x!tpu.dma_semaphore, #tpu.memory_space<semaphore_mem>> -> memref<!tpu.dma_semaphore, #tpu.memory_space<semaphore_mem>>
      %dma_wait3A_1657 = arith.constant 0 : i32
      %dma_wait3A_1658 = arith.constant 0 : i32
      %dma_wait3A_1659 = tpu.memref_slice %arg8[%dma_wait3A_1646, %dma_wait3A_1657, %dma_wait3A_1658] : memref<8x64x128xf32, #tpu.memory_space<vmem>> -> memref<1x64x128xf32, #tpu.memory_space<vmem>>
      %dma_wait3A_1660 = tpu.memref_squeeze %dma_wait3A_1659 : memref<1x64x128xf32, #tpu.memory_space<vmem>> -> memref<64x128xf32, #tpu.memory_space<vmem>>
      %dma_wait3A_1661 = arith.constant 0 : i32
      %dma_wait3A_1662 = arith.constant 0 : i32
      %dma_wait3A_1663 = tpu.memref_slice %arg4[%dma_wait3A_1661, %dma_wait3A_1662] : memref<64x1000000xf32, #tpu.memory_space<hbm>> -> memref<64x128xf32, #tpu.memory_space<hbm>>
      tpu.wait_dma2 semaphore(%dma_wait3A_1656 : memref<!tpu.dma_semaphore, #tpu.memory_space<semaphore_mem>>) src(%dma_wait3A_1663 : memref<64x128xf32, #tpu.memory_space<hbm>>) dst(%dma_wait3A_1660 : memref<64x128xf32, #tpu.memory_space<vmem>>)
      %slice3A_1664 = vector.extract_strided_slice %get3A_207 {offsets = [15], sizes = [1], strides = [1]} : vector<16xi32> to vector<1xi32>
      %squeeze3A_1665 = vector.extract %slice3A_1664[0] : i32 from vector<1xi32>
      %and3A_1666 = arith.constant 127 : i32
      %and3A_1667 = arith.andi %squeeze3A_1665, %and3A_1666 : i32
      %broadcast_in_dim3A_1668 = vector.broadcast %and3A_1667 : i32 to vector<16xi32>
      %add3A_1669 = arith.constant 0 : i32
      %add3A_1670 = arith.addi %add3A_1669, %add3A_1645 : i32
      %broadcast_in_dim3A_1671 = vector.broadcast %add3A_1670 : i32 to vector<16xi32>
      %add3A_1672 = arith.constant 0 : i32
      %add3A_1673 = vector.broadcast %add3A_1672 : i32 to vector<16xi32>
      %add3A_1674 = arith.addi %iota3A, %add3A_1673 : vector<16xi32>
      %gather3A_1675 = arith.constant 7 : i32
      %gather3A_1676 = arith.constant 0 : i32
      %gather3A_1677 = arith.constant 0 : i32
      %gather3A_1678 = tpu.memref_slice %arg8[%gather3A_1675, %gather3A_1676, %gather3A_1677] : memref<8x64x128xf32, #tpu.memory_space<vmem>> -> memref<1x64x128xf32, #tpu.memory_space<vmem>>
      %gather3A_1679 = tpu.memref_squeeze %gather3A_1678 : memref<1x64x128xf32, #tpu.memory_space<vmem>> -> memref<64x128xf32, #tpu.memory_space<vmem>>
      %gather3A_1680 = tpu.vector_load_idx %gather3A_1679[%add3A_1674, %broadcast_in_dim3A_1668] : memref<64x128xf32, #tpu.memory_space<vmem>>[vector<16xi32>, vector<16xi32>], vector<16xf32>,
      %gather3A_1681 = tpu.vector_load_idx %arg7[%add3A_1674, %broadcast_in_dim3A_1671] : memref<64x512xf32, #tpu.memory_space<vmem>>[vector<16xi32>, vector<16xi32>], vector<16xf32>,
      %sub3A_1682 = arith.subf %gather3A_1681, %gather3A_1680 : vector<16xf32>
      %mul3A_1683 = arith.mulf %sub3A_1682, %sub3A_1682 : vector<16xf32>
      %add3A_1684 = arith.addf %add3A_1597, %mul3A_1683 : vector<16xf32>
      %add3A_1685 = arith.constant 16 : i32
      %add3A_1686 = vector.broadcast %add3A_1685 : i32 to vector<16xi32>
      %add3A_1687 = arith.addi %iota3A, %add3A_1686 : vector<16xi32>
      %gather3A_1688 = arith.constant 7 : i32
      %gather3A_1689 = arith.constant 0 : i32
      %gather3A_1690 = arith.constant 0 : i32
      %gather3A_1691 = tpu.memref_slice %arg8[%gather3A_1688, %gather3A_1689, %gather3A_1690] : memref<8x64x128xf32, #tpu.memory_space<vmem>> -> memref<1x64x128xf32, #tpu.memory_space<vmem>>
      %gather3A_1692 = tpu.memref_squeeze %gather3A_1691 : memref<1x64x128xf32, #tpu.memory_space<vmem>> -> memref<64x128xf32, #tpu.memory_space<vmem>>
      %gather3A_1693 = tpu.vector_load_idx %gather3A_1692[%add3A_1687, %broadcast_in_dim3A_1668] : memref<64x128xf32, #tpu.memory_space<vmem>>[vector<16xi32>, vector<16xi32>], vector<16xf32>,
      %gather3A_1694 = tpu.vector_load_idx %arg7[%add3A_1687, %broadcast_in_dim3A_1671] : memref<64x512xf32, #tpu.memory_space<vmem>>[vector<16xi32>, vector<16xi32>], vector<16xf32>,
      %sub3A_1695 = arith.subf %gather3A_1694, %gather3A_1693 : vector<16xf32>
      %mul3A_1696 = arith.mulf %sub3A_1695, %sub3A_1695 : vector<16xf32>
      %add3A_1697 = arith.addf %add3A_1610, %mul3A_1696 : vector<16xf32>
      %add3A_1698 = arith.constant 32 : i32
      %add3A_1699 = vector.broadcast %add3A_1698 : i32 to vector<16xi32>
      %add3A_1700 = arith.addi %iota3A, %add3A_1699 : vector<16xi32>
      %gather3A_1701 = arith.constant 7 : i32
      %gather3A_1702 = arith.constant 0 : i32
      %gather3A_1703 = arith.constant 0 : i32
      %gather3A_1704 = tpu.memref_slice %arg8[%gather3A_1701, %gather3A_1702, %gather3A_1703] : memref<8x64x128xf32, #tpu.memory_space<vmem>> -> memref<1x64x128xf32, #tpu.memory_space<vmem>>
      %gather3A_1705 = tpu.memref_squeeze %gather3A_1704 : memref<1x64x128xf32, #tpu.memory_space<vmem>> -> memref<64x128xf32, #tpu.memory_space<vmem>>
      %gather3A_1706 = tpu.vector_load_idx %gather3A_1705[%add3A_1700, %broadcast_in_dim3A_1668] : memref<64x128xf32, #tpu.memory_space<vmem>>[vector<16xi32>, vector<16xi32>], vector<16xf32>,
      %gather3A_1707 = tpu.vector_load_idx %arg7[%add3A_1700, %broadcast_in_dim3A_1671] : memref<64x512xf32, #tpu.memory_space<vmem>>[vector<16xi32>, vector<16xi32>], vector<16xf32>,
      %sub3A_1708 = arith.subf %gather3A_1707, %gather3A_1706 : vector<16xf32>
      %mul3A_1709 = arith.mulf %sub3A_1708, %sub3A_1708 : vector<16xf32>
      %add3A_1710 = arith.addf %add3A_1623, %mul3A_1709 : vector<16xf32>
      %add3A_1711 = arith.constant 48 : i32
      %add3A_1712 = vector.broadcast %add3A_1711 : i32 to vector<16xi32>
      %add3A_1713 = arith.addi %iota3A, %add3A_1712 : vector<16xi32>
      %gather3A_1714 = arith.constant 7 : i32
      %gather3A_1715 = arith.constant 0 : i32
      %gather3A_1716 = arith.constant 0 : i32
      %gather3A_1717 = tpu.memref_slice %arg8[%gather3A_1714, %gather3A_1715, %gather3A_1716] : memref<8x64x128xf32, #tpu.memory_space<vmem>> -> memref<1x64x128xf32, #tpu.memory_space<vmem>>
      %gather3A_1718 = tpu.memref_squeeze %gather3A_1717 : memref<1x64x128xf32, #tpu.memory_space<vmem>> -> memref<64x128xf32, #tpu.memory_space<vmem>>
      %gather3A_1719 = tpu.vector_load_idx %gather3A_1718[%add3A_1713, %broadcast_in_dim3A_1668] : memref<64x128xf32, #tpu.memory_space<vmem>>[vector<16xi32>, vector<16xi32>], vector<16xf32>,
      %gather3A_1720 = tpu.vector_load_idx %arg7[%add3A_1713, %broadcast_in_dim3A_1671] : memref<64x512xf32, #tpu.memory_space<vmem>>[vector<16xi32>, vector<16xi32>], vector<16xf32>,
      %sub3A_1721 = arith.subf %gather3A_1720, %gather3A_1719 : vector<16xf32>
      %mul3A_1722 = arith.mulf %sub3A_1721, %sub3A_1721 : vector<16xf32>
      %add3A_1723 = arith.addf %add3A_1636, %mul3A_1722 : vector<16xf32>
      %lt3A_1724 = arith.constant 31 : i32
      %lt3A_1725 = arith.cmpi slt, %scan3A_199, %lt3A_1724 : i32
      %convert_element_type3A_1726 = arith.extui %lt3A_1725 : i1 to i32
      %cond3A_1727 = arith.constant 0 : i32
      %cond3A_1728 = arith.cmpi ne, %convert_element_type3A_1726, %cond3A_1727 : i32
      scf.if %cond3A_1728 {
        %slice3A_1729 = vector.extract_strided_slice %get3A_213 {offsets = [7], sizes = [1], strides = [1]} : vector<16xi32> to vector<1xi32>
        %squeeze3A_1730 = vector.extract %slice3A_1729[0] : i32 from vector<1xi32>
        %and3A_1731 = arith.constant -128 : i32
        %and3A_1732 = arith.andi %squeeze3A_1730, %and3A_1731 : i32
        %multiple_of3A_1733 = tpu.assume_multiple %and3A_1732, 128 : i32
        %dma_start3A_1734 = arith.constant 7 : i32
        %dma_start3A_1735 = arith.constant 7 : i32
        %dma_start3A_1736 = arith.constant 0 : i32
        %dma_start3A_1737 = arith.constant 0 : i32
        %dma_start3A_1738 = tpu.memref_slice %arg8[%dma_start3A_1734, %dma_start3A_1736, %dma_start3A_1737] : memref<8x64x128xf32, #tpu.memory_space<vmem>> -> memref<1x64x128xf32, #tpu.memory_space<vmem>>
        %dma_start3A_1739 = tpu.memref_squeeze %dma_start3A_1738 : memref<1x64x128xf32, #tpu.memory_space<vmem>> -> memref<64x128xf32, #tpu.memory_space<vmem>>
        %dma_start3A_1740 = arith.constant 0 : i32
        %dma_start3A_1741 = tpu.memref_slice %arg4[%dma_start3A_1740, %multiple_of3A_1733] : memref<64x1000000xf32, #tpu.memory_space<hbm>> -> memref<64x128xf32, #tpu.memory_space<hbm>>
        %dma_start3A_1742 = tpu.memref_slice %arg12[%dma_start3A_1735] : memref<8x!tpu.dma_semaphore, #tpu.memory_space<semaphore_mem>> -> memref<1x!tpu.dma_semaphore, #tpu.memory_space<semaphore_mem>>
        %dma_start3A_1743 = tpu.memref_squeeze %dma_start3A_1742 : memref<1x!tpu.dma_semaphore, #tpu.memory_space<semaphore_mem>> -> memref<!tpu.dma_semaphore, #tpu.memory_space<semaphore_mem>>
        %dma_start3A_1744 = arith.constant 0 : i32
        %dma_start3A_1745 = arith.constant 0 : i32
        %dma_start3A_1746 = tpu.memref_slice %arg8[%dma_start3A_1734, %dma_start3A_1744, %dma_start3A_1745] : memref<8x64x128xf32, #tpu.memory_space<vmem>> -> memref<1x64x128xf32, #tpu.memory_space<vmem>>
        %dma_start3A_1747 = tpu.memref_squeeze %dma_start3A_1746 : memref<1x64x128xf32, #tpu.memory_space<vmem>> -> memref<64x128xf32, #tpu.memory_space<vmem>>
        %dma_start3A_1748 = arith.constant 0 : i32
        %dma_start3A_1749 = tpu.memref_slice %arg4[%dma_start3A_1748, %multiple_of3A_1733] : memref<64x1000000xf32, #tpu.memory_space<hbm>> -> memref<64x128xf32, #tpu.memory_space<hbm>>
        tpu.enqueue_dma source(%dma_start3A_1749 : memref<64x128xf32, #tpu.memory_space<hbm>>) target(%dma_start3A_1747 : memref<64x128xf32, #tpu.memory_space<vmem>>) target_semaphore(%dma_start3A_1743 : memref<!tpu.dma_semaphore, #tpu.memory_space<semaphore_mem>>)
      } else {
      }
      scf.yield %add3A_1684, %add3A_1697, %add3A_1710, %add3A_1723 : vector<16xf32>, vector<16xf32>, vector<16xf32>, vector<16xf32>
    }
    %scan3A_191 = arith.constant 32 : i32
    %add3A_192 = arith.addf %scan3A_190#0, %scan3A_190#1 : vector<16xf32>
    %add3A_193 = arith.addf %scan3A_190#2, %scan3A_190#3 : vector<16xf32>
    %add3A_194 = arith.addf %add3A_192, %add3A_193 : vector<16xf32>
    %mul3A_195 = arith.constant 6.10351563E-5 : f32
    %mul3A_196 = vector.broadcast %mul3A_195 : f32 to vector<16xf32>
    %mul3A_197 = arith.mulf %add3A_194, %mul3A_196 : vector<16xf32>
    %swap3A = arith.constant 0 : index
    %swap3A_198 = tpu.vector_load %arg9[%swap3A] {strides = array<i32>} : memref<16xf32, #tpu.memory_space<vmem>>, vector<16xf32>,
    tpu.vector_store %arg9[%swap3A], %mul3A_197 {strides = array<i32>} : memref<16xf32, #tpu.memory_space<vmem>>, vector<16xf32>,
    "tpu.region"() ({
      %run_scoped3A = tpu.sem_alloc : memref<!tpu.dma_semaphore, #tpu.memory_space<semaphore_mem>>
      %dma_start3A_199 = arith.constant 0 : i32
      %dma_start3A_200 = tpu.memref_slice %arg5[%arg0, %arg1, %dma_start3A_199] : memref<2x16x16xf32, #tpu.memory_space<hbm>> -> memref<1x1x16xf32, #tpu.memory_space<hbm>>
      %dma_start3A_201 = tpu.memref_squeeze %dma_start3A_200 : memref<1x1x16xf32, #tpu.memory_space<hbm>> -> memref<16xf32, #tpu.memory_space<hbm>>
      %dma_start3A_202 = arith.constant 0 : i32
      %dma_start3A_203 = tpu.memref_slice %arg5[%arg0, %arg1, %dma_start3A_202] : memref<2x16x16xf32, #tpu.memory_space<hbm>> -> memref<1x1x16xf32, #tpu.memory_space<hbm>>
      %dma_start3A_204 = tpu.memref_squeeze %dma_start3A_203 : memref<1x1x16xf32, #tpu.memory_space<hbm>> -> memref<16xf32, #tpu.memory_space<hbm>>
      tpu.enqueue_dma source(%arg9 : memref<16xf32, #tpu.memory_space<vmem>>) target(%dma_start3A_204 : memref<16xf32, #tpu.memory_space<hbm>>) target_semaphore(%run_scoped3A : memref<!tpu.dma_semaphore, #tpu.memory_space<semaphore_mem>>)
      %dma_wait3A_205 = arith.constant 0 : i32
      %dma_wait3A_206 = tpu.memref_slice %arg5[%arg0, %arg1, %dma_wait3A_205] : memref<2x16x16xf32, #tpu.memory_space<hbm>> -> memref<1x1x16xf32, #tpu.memory_space<hbm>>
      %dma_wait3A_207 = tpu.memref_squeeze %dma_wait3A_206 : memref<1x1x16xf32, #tpu.memory_space<hbm>> -> memref<16xf32, #tpu.memory_space<hbm>>
      %dma_wait3A_208 = arith.constant 0 : i32
      %dma_wait3A_209 = tpu.memref_slice %arg5[%arg0, %arg1, %dma_wait3A_208] : memref<2x16x16xf32, #tpu.memory_space<hbm>> -> memref<1x1x16xf32, #tpu.memory_space<hbm>>
      %dma_wait3A_210 = tpu.memref_squeeze %dma_wait3A_209 : memref<1x1x16xf32, #tpu.memory_space<hbm>> -> memref<16xf32, #tpu.memory_space<hbm>>
      tpu.wait_dma2 semaphore(%run_scoped3A : memref<!tpu.dma_semaphore, #tpu.memory_space<semaphore_mem>>) src(%arg9 : memref<16xf32, #tpu.memory_space<vmem>>) dst(%dma_wait3A_210 : memref<16xf32, #tpu.memory_space<hbm>>)
      tpu.yield
    }) : () -> ()
    return
  }
}

</mosaic_0001>

<sc_bundles>
// kernel: kernel.3.cloned.1.call-start
scs
__scs_entry_jumppad:
0x0: {  	(pc) =	sbr.rel $0x88, $3  }
0x1: {  	(tag) =	ssettag $0x0;
	lr =	simm.s32 $0x1  }
0x2: {  	[smem:$0x3F9E] =	sst lr;
	_ =	strace $0xD0000000  }
0x3: {  	_ = 	snop  }
0x4: {  	_ = 	snop  }
0x5: {  	_ = 	snop  }
0x6: {  	_ = 	snop  }
0x7: {  	_ = 	snop  }
__scs_overlays_trampoline_lowered:
0x8: {  	[smem:$0x3FAD] =	sst s0  }
0x9: {  	[smem:$0x3FAE] =	sst s1  }
0xa: {  	[smem:$0x3FAF] =	sst s2  }
0xb: {  	[smem:$0x3FB0] =	sst s3  }
0xc: {  	[smem:$0x3FB1] =	sst s4  }
0xd: {  	[smem:$0x3FB2] =	sst s5  }
0xe: {  	[smem:$0x3FB3] =	sst s6  }
0xf: {  	[smem:$0x3FB4] =	sst s7  }
0x10: {  	[smem:$0x3FB5] =	sst s8  }
0x11: {  	[smem:$0x3FB6] =	sst s9;
	s0 =	simm.s32 @!p0 $0x0  }
0x12: {  	s1 =	sld [smem:$0x3F9C];
	s0 =	simm.s32 @p0 $0x1  }
0x13: {  	[smem:$0x3FB7] =	sst s0;
	s0 =	simm.s32 @!p1 $0x0  }
0x14: {  	s2 =	sld [smem:$0x3F9B];
	s0 =	simm.s32 @p1 $0x1  }
0x15: {  	[smem:$0x3FB8] =	sst s0;
	s0 =	simm.s32 @!p2 $0x0  }
0x16: {  	s3 =	sld [smem:$0x3FDB];
	s0 =	simm.s32 @p2 $0x1  }
0x17: {  	s4 =	simm.s32 $0x1BF5;
	[smem:$0x3FBA] =	sst s0  }
0x18: {  	s0 =	sld [smem:$0x3F9D];
	_ =	swait.ge [sflag:s4], $0x0  }
0x19: {  	s7 =	sld [smem:$0x3F9E]  }
0x1a: {  	s8 =	sadd.s32 $0xFFFFE003, lr  }
0x1b: {  	s9 =	sadd.s32 $0xFFFFFEF7, lr;
	s5 =	simm.s32 $0xFFFFFFFF;
	p2 =	slt.u32 s8, $0xFFFFF086  }
0x1c: {  	p1 =	slt.u32 s9, $0xF7A;
	s5 =	simm.s32 @!p2 $0x0  }
0x1d: {  	s5 =	simm.s32 @p1 $0x1;
	p0 =	seq.s32 s7, s2  }
0x1e: {  	s7 =	smul.u32 @!p0 $0xF7A, s2;
	p2 =	seq.s32 @!p0 s5, $0x0  }
0x1f: {  	s9 =	smul.u32 $0xF7A, s1;
	s8 =	simm.s32 @!p0 $0x1BF5;
	p2 =	por !p2, p0  }
0x20: {  	[sflag:s8] =	ssyncset.s32 @!p0 $0xFFFFF086;
	s6 =	sadd.s32 @!p0 s3, s7;
	s7 =	simm.s32 @!p0 $0x108  }
0x21: {  	s3 =	sadd.s32 s3, s9;
	s6 =	sadd.s32 @!p0 $0x88, s6;
	s7 =	simm.s32 @p2 $0x1082  }
0x22: {  	[simem:s7], [sflag:s8] =	dma.local @!p0 [hbm:s6], $0xF7A  }
0x23: {  	s9 =	sor.u32 $0xD0000000, s2;
	s6 =	simm.s32 $0x108;
	_ =	swait.ge @!p0 [sflag:s8], $0x0  }
0x24: {  	s3 =	sadd.s32 $0x88, s3;
	s6 =	simm.s32 @!p1 $0x1082;
	[sflag:s4] =	ssyncset.s32 $0xFFFFF086  }
0x25: {  	[simem:s6], [sflag:s4] =	dma.local [hbm:s3], $0xF7A  }
0x26: {  	[smem:$0x3F9E] =	sst s1;
	(tag) =	ssettag s2;
	_ =	strace s9  }
0x27: {  	s1 =	sld [smem:$0x3FAE]  }
0x28: {  	s2 =	sld [smem:$0x3FAF]  }
0x29: {  	s4 =	sld [smem:$0x3FB1]  }
0x2a: {  	p0 =	seq.s32 s5, $0x0;
	s5 =	sld [smem:$0x3FB2]  }
0x2b: {  	s6 =	sld [smem:$0x3FB3]  }
0x2c: {  	s7 =	sld [smem:$0x3FB4]  }
0x2d: {  	s3 =	simm.s32 $0x108;
	s8 =	sld [smem:$0x3FB5]  }
0x2e: {  	s3 =	simm.s32 @!p0 $0x1082;
	s9 =	sld [smem:$0x3FB6]  }
0x2f: {  	lr =	sadd.s32 s0, s3;
	s0 =	sld [smem:$0x3FAD]  }
0x30: {  	s3 =	sld [smem:$0x3FB0]  }
0x31: {  	[smem:$0x3FB9] =	sst s10  }
0x32: {  	s10 =	sld [smem:$0x3FB7];
	_ =	sdelay $0x3  }
0x33: {  	p0 =	seq.s32 s10, $0x1;
	s10 =	sld [smem:$0x3FB9];
	_ =	sdelay $0x3  }
0x34: {  	[smem:$0x3FB9] =	sst s10  }
0x35: {  	s10 =	sld [smem:$0x3FB8];
	_ =	sdelay $0x3  }
0x36: {  	p1 =	seq.s32 s10, $0x1;
	s10 =	sld [smem:$0x3FB9];
	_ =	sdelay $0x3  }
0x37: {  	[smem:$0x3FB9] =	sst s10  }
0x38: {  	s10 =	sld [smem:$0x3FBA]  }
0x39: {  	_ = 	snop;
	(pc) =	sbr.ind lr, $3  }
0x3a: {  	_ = 	snop  }
0x3b: {  	_ = 	snop  }
0x3c: {  	p2 =	seq.s32 s10, $0x1;
	s10 =	sld [smem:$0x3FB9]  }
0x3d: {  	_ =	shalt  }
0x3e: {  	_ =	shalt  }
0x3f: {  	_ =	shalt  }
0x40: {  	_ =	shalt  }
0x41: {  	_ =	shalt  }
0x42: {  	_ =	shalt  }
0x43: {  	_ =	shalt  }
0x44: {  	_ =	shalt  }
0x45: {  	_ =	shalt  }
0x46: {  	_ =	shalt  }
0x47: {  	_ =	shalt  }
0x48: {  	_ =	shalt  }
0x49: {  	_ =	shalt  }
0x4a: {  	_ =	shalt  }
0x4b: {  	_ =	shalt  }
0x4c: {  	_ =	shalt  }
0x4d: {  	_ =	shalt  }
0x4e: {  	_ =	shalt  }
0x4f: {  	_ =	shalt  }
0x50: {  	_ =	shalt  }
0x51: {  	_ =	shalt  }
0x52: {  	_ =	shalt  }
0x53: {  	_ =	shalt  }
0x54: {  	_ =	shalt  }
0x55: {  	_ =	shalt  }
0x56: {  	_ =	shalt  }
0x57: {  	_ =	shalt  }
0x58: {  	_ =	shalt  }
0x59: {  	_ =	shalt  }
0x5a: {  	_ =	shalt  }
0x5b: {  	_ =	shalt  }
0x5c: {  	_ =	shalt  }
0x5d: {  	_ =	shalt  }
0x5e: {  	_ =	shalt  }
0x5f: {  	_ =	shalt  }
0x60: {  	_ =	shalt  }
0x61: {  	_ =	shalt  }
0x62: {  	_ =	shalt  }
0x63: {  	_ =	shalt  }
0x64: {  	_ =	shalt  }
0x65: {  	_ =	shalt  }
0x66: {  	_ =	shalt  }
0x67: {  	_ =	shalt  }
0x68: {  	_ =	shalt  }
0x69: {  	_ =	shalt  }
0x6a: {  	_ =	shalt  }
0x6b: {  	_ =	shalt  }
0x6c: {  	_ =	shalt  }
0x6d: {  	_ =	shalt  }
0x6e: {  	_ =	shalt  }
0x6f: {  	_ =	shalt  }
0x70: {  	_ =	shalt  }
0x71: {  	_ =	shalt  }
0x72: {  	_ =	shalt  }
0x73: {  	_ =	shalt  }
0x74: {  	_ =	shalt  }
0x75: {  	_ =	shalt  }
0x76: {  	_ =	shalt  }
0x77: {  	_ =	shalt  }
0x78: {  	_ =	shalt  }
0x79: {  	_ =	shalt  }
0x7a: {  	_ =	shalt  }
0x7b: {  	_ =	shalt  }
0x7c: {  	_ =	shalt  }
0x7d: {  	_ =	shalt  }
0x7e: {  	_ =	shalt  }
0x7f: {  	_ =	shalt  }
0x80: {  	_ =	shalt  }
0x81: {  	_ =	shalt  }
0x82: {  	_ =	shalt  }
0x83: {  	_ =	shalt  }
0x84: {  	_ =	shalt  }
0x85: {  	_ =	shalt  }
0x86: {  	_ =	shalt  }
0x87: {  	_ =	shalt  }
.Lfunc_end0:
.L_simem_size_0:
called_computation_lowered:
.L_overlay_start_0:
0x88: {  	s2 =	sld [smem:$0x3FD9]  }
0x89: {  	s3 =	sld [smem:$0x3FFE];
	_ =	sdelay $0x1  }
0x8a: {  	s1 =	srdreg.scid  }
0x8b: {  	s0 =	sand.u32 $0x1, s1  }
0x8c: {  	s17 =	sshll.u32 s0, $0xA;
	s2 =	sadd.s32 s3, s2  }
0x8d: {  	s2 =	sadd.s32 s2, s17  }
0x8e: {  	[smem:$0x3FC5] =	sst s2  }
0x8f: {  	_ = 	snop  }
0x90: {  	s2 =	sld [smem:$0x3FC9]  }
0x91: {  	s18 =	sld [smem:$0x3FC8]  }
0x92: {  	s4 =	sld [smem:$0x3FC7];
	(tm) =	ssettm $0x1  }
0x93: {  	s5 =	sld [smem:$0x3FFB];
	_ =	sdelay $0x3  }
0x94: {  	_ =	strace s5  }
0x95: {  	s5 =	sld [smem:$0x3FFC];
	_ =	sdelay $0x3  }
0x96: {  	_ =	strace s5  }
0x97: {  	s5 =	sld [smem:$0x3FFD];
	_ =	sdelay $0x3  }
0x98: {  	_ =	strace s5  }
0x99: {  	_ =	strace $0x8FFFFFFF  }
0x9a: {  	s19 =	sld [smem:$0x3FDB];
	_ =	sdelay $0x1  }
0x9b: {  	s6 =	simm.s32 $_scs_section_size  }
0x9c: {  	s7 =	simm.s32 $_size__tile_overlayer_lowered;
	s8 =	simm.s32 $_tile_overlayer_lowered  }
0x9d: {  	s22 =	simm.s32 $0x1BFF;
	s21 =	sshll.u32 s8, $0x1;
	s5 =	sadd.s32 s6, s19  }
0x9e: {  	s9 =	simm.s32 $0x0;
	s20 =	sshll.u32 s7, $0x1;
	s7 =	sadd.s32 s21, s5  }
0x9f: {  	[timem:s9], [sflag:s22] =	dma.local [hbm:s7], s20  }
0xa0: {  	_ =	swait.ge [sflag:s22], s20  }
0xa1: {  	s6 =	ssub.s32 $0x0, s20;
	[sflag:s22] =	ssyncset.done $0x0  }
0xa2: {  	[sflag:s22] =	ssyncadd.s32 s6;
	_ =	sdelay $0x1  }
0xa3: {  	s23 =	simm.s32 $0x1B8B  }
0xa4: {  	_ =	swait.ge [sflag:s23], $0x1  }
0xa5: {  	[sflag:s23] =	ssyncset.done $0x0  }
0xa6: {  	s25 =	simm.s32 $0x1B8E;
	s24 =	sld [smem:$0x3FFE];
	[sflag:s23] =	ssyncadd.s32 $0xFFFFFFFF  }
0xa7: {  	s26 =	simm.s32 $execute0_lowered;
	[smem:$0x3FD2] =	sst s25  }
0xa8: {  	s7 =	sshll.u32 s26, $0x1;
	_ =	strace $0x80000046;
	[dreg:$0x1] =	wrdreg $0xFFFFFFFF  }
0xa9: {  	s28 =	simm.s32 $_size_execute0_lowered;
	s5 =	sadd.s32 s5, s7;
	[dreg:$0x0] =	wrdreg $0x0  }
0xaa: {  	s7 =	sshll.u32 s28, $0x1;
	[dreg:$0x2] =	wrdreg s5  }
0xab: {  	[dreg:$0x3] =	wrdreg s7  }
0xac: {  	[dreg:$0x4] =	wrdreg $0xC0  }
0xad: {  	_ =	task [dreg:s9], $0x5FFFF  }
0xae: {  	[dreg:$0x1] =	wrdreg $0xFFFFFFFF  }
0xaf: {  	[dreg:$0x0] =	wrdreg $0x60  }
0xb0: {  	[dreg:$0x2] =	wrdreg s2  }
0xb1: {  	[dreg:$0x3] =	wrdreg s18  }
0xb2: {  	[dreg:$0x4] =	wrdreg s4  }
0xb3: {  	[dreg:$0x5] =	wrdreg s24  }
0xb4: {  	[dreg:$0x6] =	wrdreg $0x9  }
0xb5: {  	_ =	task.clear_ibuf [dreg:s9], $0x7FFFF;
	_ =	strace $0x90000046  }
0xb6: {  	s29 =	simm.s32 $0x9;
	_ =	strace $0x80000048  }
0xb7: {  	_ =	swait.ge [sflag:s29], $0x1  }
0xb8: {  	[sflag:s29] =	ssyncadd.s32 $0xFFFFFFFF  }
0xb9: {  	_ =	strace $0x90000048  }
0xba: {  	_ =	sfence  }
0xbb: {  	s30 =	sld [smem:$0x0];
	_ =	sdelay $0x2  }
0xbc: {  	s31 =	sshll.u32 s1, $0xD;
	s1 =	sshrl.u32 s1, $0x2  }
0xbd: {  	s3 =	sand.u32 $0x4000, s31;
	s1 =	sadd.s32 s1, s30  }
0xbe: {  	s0 =	sor.u32 s3, s0;
	s1 =	sshll.u32 s1, $0x11  }
0xbf: {  	s0 =	sor.u32 s1, s0  }
0xc0: {  	s0 =	sadd.s32 $0x8F2B, s0  }
0xc1: {  	[sflag:s0] =	ssyncadd.remote.s32 $0x1  }
0xc2: {  	_ =	sfence.sel $0xFFFF  }
0xc3: {  	[dreg:$0x0] =	wrdreg $0xFFFFFFFF;
	(pc) =	sbr.abs _section_cstart, $3  }
0xc4: {  	[dreg:$0x1] =	wrdreg $0xFFFFFFFF  }
0xc5: {  	_ =	task.clear_ibuf [dreg:s9], $0x2FFFF;
	_ =	strace $0x9FFFFFFF  }
0xc6: {  	(tm) =	ssettm $0x7FFFFFFF  }
0xc7: {  	_ =	shalt  }
tec
execute0_lowered:
.L_overlay_start_1:
0x0: {  	(tag) =	ssettag $0x1  }
0x1: {  	v0 =	vimm.s32 $0x1380;
	vm14 =	vcmask $0x300;
	vm13 =	vcmask $0x704  }
0x2: {  	vm12 =	vcmask $0xB08;
	vm11 =	vcmask $0xF0C;
	vm10 =	vcmask $0x1310  }
0x3: {  	vm9 =	vcmask $0x1714;
	vm8 =	vcmask $0x1B18;
	vm7 =	vcmask $0x1F1C  }
0x4: {  	vm6 =	vcmask $0x2320;
	vm5 =	vcmask $0x2724;
	vm4 =	vcmask $0x2B28  }
0x5: {  	vm2 =	vcmask $0x2F2C;
	v1 =	vlaneseq.u32;
	vm3 =	vcmask $0x3330  }
0x6: {  	vm1 =	vcmask $0x3734;
	vm0 =	vcmask $0x3B38;
	v3 =	vimm.s32 $0x3380  }
0x7: {  	v4 =	vimm.s32 $0x5380;
	v5 =	vimm.s32 $0x7380;
	v0 =	vsel vm14, $0x0, v0  }
0x8: {  	v45 =	vmul.u32 $0x80, v1;
	v3 =	vsel vm14, $0x2000, v3;
	v4 =	vsel vm14, $0x4000, v4  }
0x9: {  	v5 =	vsel vm14, $0x6000, v5;
	v0 =	vsel vm13, $0x80, v0;
	v3 =	vsel vm13, $0x2080, v3  }
0xa: {  	v4 =	vsel vm13, $0x4080, v4;
	v5 =	vsel vm13, $0x6080, v5;
	v0 =	vsel vm12, $0x100, v0  }
0xb: {  	s1 =	rddreg [dreg:$0x0];
	v3 =	vsel vm12, $0x2100, v3;
	v4 =	vsel vm12, $0x4100, v4;
	v5 =	vsel vm12, $0x6100, v5  }
0xc: {  	s2 =	rddreg [dreg:$0x1];
	v0 =	vsel vm11, $0x180, v0;
	v3 =	vsel vm11, $0x2180, v3;
	v4 =	vsel vm11, $0x4180, v4  }
0xd: {  	s0 =	rddreg [dreg:$0x2];
	v5 =	vsel vm11, $0x6180, v5;
	v0 =	vsel vm10, $0x200, v0;
	v3 =	vsel vm10, $0x2200, v3  }
0xe: {  	s3 =	rddreg [dreg:$0x3];
	s9 =	simm.s32 $0x0;
	s4 =	srdreg.scid;
	v4 =	vsel vm10, $0x4200, v4;
	v5 =	vsel vm10, $0x6200, v5;
	v0 =	vsel vm9, $0x280, v0  }
0xf: {  	s10 =	stileid.u32;
	s12 =	simm.s32 $0x7A1400;
	s13 =	simm.s32 $0x400;
	v3 =	vsel vm9, $0x2280, v3;
	v4 =	vsel vm9, $0x4280, v4;
	v5 =	vsel vm9, $0x6280, v5  }
0x10: {  	s14 =	simm.s32 $0x8280;
	s15 =	simm.s32 $0xA280;
	s16 =	simm.s32 $0xC280;
	v0 =	vsel vm8, $0x300, v0;
	v3 =	vsel vm8, $0x2300, v3;
	v4 =	vsel vm8, $0x4300, v4  }
0x11: {  	s17 =	simm.s32 $0xE280;
	s18 =	simm.s32 $0x10280;
	s19 =	simm.s32 $0x12280;
	v5 =	vsel vm8, $0x6300, v5;
	v0 =	vsel vm7, $0x380, v0;
	v3 =	vsel vm7, $0x2380, v3  }
0x12: {  	s20 =	simm.s32 $0x14280;
	s21 =	simm.s32 $0x16280;
	s28 =	simm.s32 $0x7;
	v4 =	vsel vm7, $0x4380, v4;
	v5 =	vsel vm7, $0x6380, v5;
	v0 =	vsel vm6, $0x1000, v0  }
0x13: {  	s29 =	simm.s32 $0x8;
	s30 =	simm.s32 $0x9;
	s31 =	simm.s32 $0xA;
	v3 =	vsel vm6, $0x3000, v3;
	v4 =	vsel vm6, $0x5000, v4;
	v5 =	vsel vm6, $0x7000, v5  }
0x14: {  	[smem:$0x7FF] =	sst s9;
	s4 =	sand.u32 $0x1, s4;
	s7 =	sshll.u32 s10, $0xA;
	v0 =	vsel vm5, $0x1080, v0;
	v3 =	vsel vm5, $0x3080, v3;
	v4 =	vsel vm5, $0x5080, v4  }
0x15: {  	s24 =	sshll.u32 s10, $0x4;
	s10 =	simm.s32 $0x280;
	_ =	strace $0x80000047;
	v5 =	vsel vm5, $0x7080, v5;
	v0 =	vsel vm4, $0x1100, v0;
	v3 =	vsel vm4, $0x3100, v3  }
0x16: {  	s5 =	ssub.s32 $0x2, s4;
	s8 =	sshll.u32 s4, $0x9;
	s4 =	sshll.u32 s4, $0x8;
	v4 =	vsel vm4, $0x5100, v4;
	v5 =	vsel vm4, $0x7100, v5;
	v2 =	vsel vm2, $0x1180, v0  }
0x17: {  	s3 =	sadd.s32 s3, s24;
	s24 =	simm.s32 $0x4;
	s6 =	sshrl.u32 s5, $0x1;
	v3 =	vsel vm2, $0x3180, v3;
	v4 =	vsel vm2, $0x5180, v4;
	v5 =	vsel vm2, $0x7180, v5  }
0x18: {  	s23 =	sor.u32 s8, s7;
	s25 =	sadd.s32 s4, s3;
	s3 =	simm.s32 $0x0;
	v1 =	vsel vm3, $0x1200, v2;
	v2 =	vor.u32 $0x800, v45;
	v3 =	vsel vm3, $0x3200, v3  }
0x19: {  	s8 =	sshrl.u32 s23, $0x3;
	s1 =	sadd.s32 s1, s23;
	[dreg:$0x7] =	wrdreg s25;
	v6 =	vsel vm3, $0x5200, v4;
	v5 =	vsel vm3, $0x7200, v5;
	v4 =	vor.u32 $0x1000, v45  }
0x1a: {  	s5 =	ssub.s32 s5, s6;
	s2 =	sadd.s32 s2, s8;
	[dreg:$0x6] =	wrdreg s1;
	v1 =	vsel vm1, $0x1280, v1;
	v3 =	vsel vm1, $0x3280, v3;
	v6 =	vsel vm1, $0x5280, v6  }
0x1b: {  	s23 =	simm.s32 $0x3;
	s26 =	smax.u32 s5, $0x1;
	[dreg:$0x5] =	wrdreg s2;
	v7 =	vsel vm1, $0x7280, v5;
	v1 =	vsel vm0, $0x1300, v1;
	v3 =	vsel vm0, $0x3300, v3  }
0x1c: {  	s25 =	simm.s32 $0x5;
	[dreg:$0x8] =	wrdreg s26;
	s26 =	simm.s32 $0x6;
	v5 =	vsel vm0, $0x5300, v6;
	v6 =	vor.u32 $0x1800, v45;
	v7 =	vsel vm0, $0x7300, v7  }
.LBB2_1:
0x1d: {  	[dreg:$0x9] =	wrdreg s3  }
0x1e: {  	s1 =	rddreg [dreg:$0x5]  }
0x1f: {  	s5 =	rddreg [dreg:$0x6]  }
0x20: {  	[tilespmem:s9], [sflag:$0x1] =	stream.linear.gather [hbm4b:s1+s9], $0x200, $0x38;
	[tilespmem:$0x18300] =	vst v63  }
0x21: {  	s2 =	simm.s32 $0x1000;
	s6 =	simm.s32 $0x20000;
	s7 =	simm.s32 $0x1  }
0x22: {  	[tilespmem:s10], [sflag:$0x2] =	stream.strided.gather [hbm4b:s5+s2], $0x8000, s6, s2, $0x38;
	[tilespmem:$0x18300] =	vst v63  }
0x23: {  	_ =	swait.ge [sflag:s7], $0x200  }
0x24: {  	[sflag:s7] =	ssyncset.done $0x0  }
0x25: {  	[sflag:s7] =	ssyncadd.s32 $0xFFFFFE00  }
0x26: {  	v8 =	vld [tilespmem:$0x0];
	_ =	sdelay $0x4  }
0x27: {  	(v2sf) =	vpush v8, $0x0  }
0x28: {  	(v2sf) =	vpush v8, $0x1;
	_ =	sdelay $0x1  }
0x29: {  	(v2sf) =	vpush v8, $0x2;
	_ =	sdelay $0x4  }
0x2a: {  	(v2sf) =	vpush v8, $0x3  }
0x2b: {  	(v2sf) =	vpush v8, $0x4;
	_ =	sdelay $0x5  }
0x2c: {  	s8 =	spop (v2sf);
	(v2sf) =	vpush v8, $0x5  }
0x2d: {  	s9 =	spop (v2sf);
	(v2sf) =	vpush v8, $0x6  }
0x2e: {  	s1 =	sand.u32 $0xFFFFF80, s8  }
0x2f: {  	s1 =	sadd.s32 s0, s1;
	s11 =	spop (v2sf)  }
0x30: {  	(v2sf) =	vpush v8, $0x7;
	[tilespmem:s14], [sflag:$0x3] =	stream.strided.gather [hbm4b:s1+s13], $0x2000, s12, s13, $0x38;
	[tilespmem:$0x18300] =	vst v63  }
0x31: {  	s1 =	sand.u32 $0xFFFFF80, s9  }
0x32: {  	s1 =	sadd.s32 s0, s1  }
0x33: {  	[tilespmem:s15], [sflag:$0x4] =	stream.strided.gather [hbm4b:s1+s13], $0x2000, s12, s13, $0x38;
	[tilespmem:$0x18300] =	vst v63  }
0x34: {  	s22 =	spop (v2sf);
	s1 =	sand.u32 $0xFFFFF80, s11  }
0x35: {  	s3 =	sand.u32 $0xFFFFF80, s22;
	s4 =	spop (v2sf);
	s1 =	sadd.s32 s0, s1  }
0x36: {  	[tilespmem:s16], [sflag:$0x5] =	stream.strided.gather [hbm4b:s1+s13], $0x2000, s12, s13, $0x38;
	[tilespmem:$0x18300] =	vst v63  }
0x37: {  	s5 =	sand.u32 $0xFFFFF80, s4;
	s1 =	sadd.s32 s0, s3  }
0x38: {  	[tilespmem:s17], [sflag:$0x6] =	stream.strided.gather [hbm4b:s1+s13], $0x2000, s12, s13, $0x38;
	[tilespmem:$0x18300] =	vst v63  }
0x39: {  	s1 =	sadd.s32 s0, s5  }
0x3a: {  	[tilespmem:s18], [sflag:$0x7] =	stream.strided.gather [hbm4b:s1+s13], $0x2000, s12, s13, $0x38;
	[tilespmem:$0x18300] =	vst v63  }
0x3b: {  	s6 =	spop (v2sf)  }
0x3c: {  	s7 =	sand.u32 $0xFFFFF80, s6;
	s8 =	spop (v2sf)  }
0x3d: {  	s1 =	sadd.s32 s0, s7;
	s9 =	sand.u32 $0xFFFFF80, s8  }
0x3e: {  	[tilespmem:s19], [sflag:$0x8] =	stream.strided.gather [hbm4b:s1+s13], $0x2000, s12, s13, $0x38;
	[tilespmem:$0x18300] =	vst v63  }
0x3f: {  	s11 =	spop (v2sf);
	s1 =	sadd.s32 s0, s9  }
0x40: {  	[tilespmem:s20], [sflag:$0x9] =	stream.strided.gather [hbm4b:s1+s13], $0x2000, s12, s13, $0x38;
	[tilespmem:$0x18300] =	vst v63  }
0x41: {  	s1 =	sand.u32 $0xFFFFF80, s11  }
0x42: {  	s22 =	simm.s32 $0x2;
	s1 =	sadd.s32 s0, s1  }
0x43: {  	[tilespmem:s21], [sflag:$0xA] =	stream.strided.gather [hbm4b:s1+s13], $0x2000, s12, s13, $0x38;
	[tilespmem:$0x18300] =	vst v63  }
0x44: {  	_ =	swait.ge [sflag:s22], $0x8000  }
0x45: {  	v18 =	vimm.f32 $0.0e+00;
	[sflag:s22] =	ssyncset.done $0x0  }
0x46: {  	v17 =	vimm.f32 $0.0e+00;
	v10 =	vimm.f32 $0.0e+00;
	v61 =	vimm.f32 $0.0e+00;
	s9 =	simm.s32 $0xF;
	s1 =	simm.s32 $0x10;
	[sflag:s22] =	ssyncadd.s32 $0xFFFF8000  }
.LBB2_2:
0x47: {  	v12 =	vld [tilespmem:s1+$0xFFFFFFF0];
	_ =	sdelay $0x3  }
0x48: {  	v8 =	vld [tilespmem:s1+$0x0];
	_ =	swait.ge [sflag:s23], $0x2000  }
0x49: {  	(v2sf) =	vpush v12, $0x0;
	_ =	sdelay $0x8  }
0x4a: {  	s2 =	sadd.s32 $0xFFFFFFF1, s9;
	(v2sf) =	vpush v12, $0x8  }
0x4b: {  	v9 =	vmov s2  }
0x4c: {  	v11 =	vshll.u32 v9, $0x3  }
0x4d: {  	v9 =	vand.u32 $0x70, v9;
	v11 =	vand.u32 $0xC00, v11  }
0x4e: {  	v9 =	vor.u32 v9, v11  }
0x4f: {  	v11 =	vor.u32 v1, v9  }
0x50: {  	v15 =	vor.u32 v3, v9;
	s8 =	spop (v2sf)  }
0x51: {  	v53 =	vor.u32 v5, v9;
	v9 =	vor.u32 v7, v9;
	s2 =	sand.u32 $0x7F, s8  }
0x52: {  	[sflag:s23] =	ssyncset.done $0x0;
	v13 =	vor.u32 s2, v45  }
0x53: {  	[sflag:s23] =	ssyncadd.s32 $0xFFFFE000;
	v16 =	vor.u32 s2, v4  }
0x54: {  	v49 =	vld.idx.msk [tilespmem:v11+s10+$0x0], $0xffff  }
0x55: {  	v54 =	vld.idx.msk [tilespmem:v15+s10+$0x0], $0xffff  }
0x56: {  	v9 =	vld.idx.msk [tilespmem:v9+s10+$0x0], $0xffff;
	v14 =	vor.u32 s2, v2  }
0x57: {  	v11 =	vor.u32 s2, v6;
	v0 =	vld.idx.msk [tilespmem:v13+s14+$0x0], $0xffff  }
0x58: {  	v55 =	vld.idx.msk [tilespmem:v16+s14+$0x0], $0xffff  }
0x59: {  	s2 =	spop (v2sf);
	v13 =	vld.idx.msk [tilespmem:v53+s10+$0x0], $0xffff  }
0x5a: {  	s3 =	sand.u32 $0xFFFFF80, s2  }
0x5b: {  	[tilespmem:$0x1FDE0] =	vst v54;
	s3 =	sadd.s32 s0, s3;
	v63 =	vld.idx.msk [tilespmem:v14+s14+$0x0], $0xffff  }
0x5c: {  	[tilespmem:$0x1FD20] =	vst v9;
	v60 =	vld.idx.msk [tilespmem:v11+s14+$0x0], $0xffff;
	[tilespmem:s14], [sflag:$0x3] =	stream.strided.gather [hbm4b:s3+s13], $0x2000, s12, s13, $0x38  }
0x5d: {  	[tilespmem:$0x1FD40] =	vst v55  }
0x5e: {  	[tilespmem:$0x1FD50] =	vst v13  }
0x5f: {  	_ =	swait.ge [sflag:s24], $0x2000  }
0x60: {  	(v2sf) =	vpush v12, $0x1;
	_ =	sdelay $0xa  }
0x61: {  	s11 =	sadd.s32 $0xFFFFFFF2, s9  }
0x62: {  	v9 =	vmov s11  }
0x63: {  	v11 =	vshll.u32 v9, $0x3;
	(v2sf) =	vpush v12, $0x9  }
0x64: {  	v9 =	vand.u32 $0x71, v9;
	v11 =	vand.u32 $0xC00, v11  }
0x65: {  	v9 =	vor.u32 v9, v11;
	s22 =	spop (v2sf)  }
0x66: {  	v11 =	vor.u32 v1, v9;
	s3 =	sand.u32 $0x7F, s22  }
0x67: {  	v56 =	vor.u32 s3, v45;
	_ =	sdelay $0x1  }
0x68: {  	v15 =	vor.u32 v3, v9;
	[sflag:s24] =	ssyncset.done $0x0  }
0x69: {  	[sflag:s24] =	ssyncadd.s32 $0xFFFFE000;
	v57 =	vor.u32 s3, v2  }
0x6a: {  	v11 =	vld.idx.msk [tilespmem:v11+s10+$0x0], $0xffff;
	v16 =	vor.u32 s3, v4  }
0x6b: {  	v58 =	vor.u32 v5, v9;
	v13 =	vld.idx.msk [tilespmem:v56+s15+$0x0], $0xffff;
	_ =	sdelay $0x1  }
0x6c: {  	v59 =	vld.idx.msk [tilespmem:v15+s10+$0x0], $0xffff  }
0x6d: {  	v9 =	vor.u32 v7, v9;
	v14 =	vld.idx.msk [tilespmem:v57+s15+$0x0], $0xffff  }
0x6e: {  	[tilespmem:$0x1FE40] =	vst v11;
	v11 =	vor.u32 s3, v6;
	v62 =	vld.idx.msk [tilespmem:v16+s15+$0x0], $0xffff  }
0x6f: {  	[tilespmem:$0x1FE30] =	vst v13;
	v13 =	vld.idx.msk [tilespmem:v58+s10+$0x0], $0xffff  }
0x70: {  	s22 =	spop (v2sf)  }
0x71: {  	[tilespmem:$0x1FE00] =	vst v59;
	s4 =	sand.u32 $0xFFFFF80, s22  }
0x72: {  	v46 =	vld.idx.msk [tilespmem:v9+s10+$0x0], $0xffff;
	s3 =	sadd.s32 s0, s4;
	[tilespmem:$0x1FDF0] =	vst v14  }
0x73: {  	[tilespmem:$0x1FD60] =	vst v62;
	v43 =	vld.idx.msk [tilespmem:v11+s15+$0x0], $0xffff;
	[tilespmem:s15], [sflag:$0x4] =	stream.strided.gather [hbm4b:s3+s13], $0x2000, s12, s13, $0x38  }
0x74: {  	[tilespmem:$0x1FD70] =	vst v13  }
0x75: {  	_ =	swait.ge [sflag:s25], $0x2000  }
0x76: {  	(v2sf) =	vpush v12, $0x2;
	_ =	sdelay $0x5  }
0x77: {  	s5 =	sadd.s32 $0xFFFFFFF3, s9  }
0x78: {  	v9 =	vmov s5  }
0x79: {  	v11 =	vshll.u32 v9, $0x3  }
0x7a: {  	v9 =	vand.u32 $0x72, v9;
	v11 =	vand.u32 $0xC00, v11  }
0x7b: {  	v9 =	vor.u32 v9, v11  }
0x7c: {  	v11 =	vor.u32 v1, v9;
	_ =	sdelay $0x1  }
0x7d: {  	(v2sf) =	vpush v12, $0xA  }
0x7e: {  	[sflag:s25] =	ssyncset.done $0x0  }
0x7f: {  	[sflag:s25] =	ssyncadd.s32 $0xFFFFE000;
	s6 =	spop (v2sf)  }
0x80: {  	v11 =	vld.idx.msk [tilespmem:v11+s10+$0x0], $0xffff;
	s3 =	sand.u32 $0x7F, s6  }
0x81: {  	v21 =	vor.u32 s3, v45  }
0x82: {  	v15 =	vor.u32 v3, v9  }
0x83: {  	v22 =	vor.u32 s3, v2  }
0x84: {  	v16 =	vor.u32 s3, v4  }
0x85: {  	[tilespmem:$0x1FE80] =	vst v11;
	v11 =	vor.u32 s3, v6  }
0x86: {  	v23 =	vor.u32 v5, v9;
	v13 =	vld.idx.msk [tilespmem:v21+s16+$0x0], $0xffff  }
0x87: {  	v24 =	vld.idx.msk [tilespmem:v15+s10+$0x0], $0xffff  }
0x88: {  	v14 =	vld.idx.msk [tilespmem:v22+s16+$0x0], $0xffff  }
0x89: {  	v25 =	vld.idx.msk [tilespmem:v16+s16+$0x0], $0xffff  }
0x8a: {  	v9 =	vor.u32 v7, v9;
	v11 =	vld.idx.msk [tilespmem:v11+s16+$0x0], $0xffff  }
0x8b: {  	[tilespmem:$0x1FE70] =	vst v13;
	v13 =	vld.idx.msk [tilespmem:v23+s10+$0x0], $0xffff  }
0x8c: {  	[tilespmem:$0x1FE20] =	vst v24;
	s3 =	spop (v2sf)  }
0x8d: {  	s4 =	sand.u32 $0xFFFFF80, s3;
	[tilespmem:$0x1FE10] =	vst v14  }
0x8e: {  	s4 =	sadd.s32 s0, s4;
	[tilespmem:$0x1FD80] =	vst v25  }
0x8f: {  	[tilespmem:$0x1FD30] =	vst v11;
	v53 =	vld.idx.msk [tilespmem:v9+s10+$0x0], $0xffff;
	[tilespmem:s16], [sflag:$0x5] =	stream.strided.gather [hbm4b:s4+s13], $0x2000, s12, s13, $0x38  }
0x90: {  	[tilespmem:$0x1FD90] =	vst v13  }
0x91: {  	_ =	swait.ge [sflag:s26], $0x2000  }
0x92: {  	(v2sf) =	vpush v12, $0x3;
	_ =	sdelay $0xa  }
0x93: {  	s7 =	sadd.s32 $0xFFFFFFF4, s9  }
0x94: {  	v9 =	vmov s7  }
0x95: {  	v11 =	vshll.u32 v9, $0x3;
	(v2sf) =	vpush v12, $0xB  }
0x96: {  	v9 =	vand.u32 $0x73, v9;
	v11 =	vand.u32 $0xC00, v11  }
0x97: {  	v9 =	vor.u32 v9, v11;
	s8 =	spop (v2sf)  }
0x98: {  	v11 =	vor.u32 v1, v9;
	s4 =	sand.u32 $0x7F, s8  }
0x99: {  	v26 =	vor.u32 s4, v45;
	_ =	sdelay $0x1  }
0x9a: {  	v15 =	vor.u32 v3, v9;
	[sflag:s26] =	ssyncset.done $0x0  }
0x9b: {  	[sflag:s26] =	ssyncadd.s32 $0xFFFFE000;
	v27 =	vor.u32 s4, v2  }
0x9c: {  	v11 =	vld.idx.msk [tilespmem:v11+s10+$0x0], $0xffff;
	v16 =	vor.u32 s4, v4  }
0x9d: {  	v28 =	vor.u32 v5, v9;
	v13 =	vld.idx.msk [tilespmem:v26+s17+$0x0], $0xffff;
	_ =	sdelay $0x1  }
0x9e: {  	v29 =	vld.idx.msk [tilespmem:v15+s10+$0x0], $0xffff  }
0x9f: {  	v9 =	vor.u32 v7, v9;
	v14 =	vld.idx.msk [tilespmem:v27+s17+$0x0], $0xffff  }
0xa0: {  	[tilespmem:$0x1FEA0] =	vst v11;
	v11 =	vor.u32 s4, v6;
	v30 =	vld.idx.msk [tilespmem:v16+s17+$0x0], $0xffff  }
0xa1: {  	[tilespmem:$0x1FE90] =	vst v13;
	v13 =	vld.idx.msk [tilespmem:v28+s10+$0x0], $0xffff  }
0xa2: {  	s8 =	spop (v2sf)  }
0xa3: {  	[tilespmem:$0x1FE60] =	vst v29;
	s11 =	sand.u32 $0xFFFFF80, s8  }
0xa4: {  	v47 =	vld.idx.msk [tilespmem:v9+s10+$0x0], $0xffff;
	s4 =	sadd.s32 s0, s11;
	[tilespmem:$0x1FE50] =	vst v14  }
0xa5: {  	[tilespmem:$0x1FDA0] =	vst v30;
	v62 =	vld.idx.msk [tilespmem:v11+s17+$0x0], $0xffff;
	[tilespmem:s17], [sflag:$0x6] =	stream.strided.gather [hbm4b:s4+s13], $0x2000, s12, s13, $0x38  }
0xa6: {  	[tilespmem:$0x1FDB0] =	vst v13  }
0xa7: {  	_ =	swait.ge [sflag:s28], $0x2000  }
0xa8: {  	(v2sf) =	vpush v12, $0x4;
	_ =	sdelay $0xa  }
0xa9: {  	s24 =	sadd.s32 $0xFFFFFFF5, s9  }
0xaa: {  	v9 =	vmov s24  }
0xab: {  	v11 =	vshll.u32 v9, $0x3;
	(v2sf) =	vpush v12, $0xC  }
0xac: {  	v9 =	vand.u32 $0x74, v9;
	v11 =	vand.u32 $0xC00, v11  }
0xad: {  	v9 =	vor.u32 v9, v11;
	s5 =	spop (v2sf)  }
0xae: {  	v11 =	vor.u32 v1, v9;
	s4 =	sand.u32 $0x7F, s5  }
0xaf: {  	v31 =	vor.u32 s4, v45;
	_ =	sdelay $0x1  }
0xb0: {  	v15 =	vor.u32 v3, v9;
	[sflag:s28] =	ssyncset.done $0x0  }
0xb1: {  	[sflag:s28] =	ssyncadd.s32 $0xFFFFE000;
	v32 =	vor.u32 s4, v2  }
0xb2: {  	v11 =	vld.idx.msk [tilespmem:v11+s10+$0x0], $0xffff;
	v16 =	vor.u32 s4, v4  }
0xb3: {  	v33 =	vor.u32 v5, v9;
	v13 =	vld.idx.msk [tilespmem:v31+s18+$0x0], $0xffff;
	_ =	sdelay $0x1  }
0xb4: {  	v34 =	vld.idx.msk [tilespmem:v15+s10+$0x0], $0xffff  }
0xb5: {  	v9 =	vor.u32 v7, v9;
	v14 =	vld.idx.msk [tilespmem:v32+s18+$0x0], $0xffff  }
0xb6: {  	[tilespmem:$0x1FEC0] =	vst v11;
	v11 =	vor.u32 s4, v6;
	v35 =	vld.idx.msk [tilespmem:v16+s18+$0x0], $0xffff  }
0xb7: {  	[tilespmem:$0x1FEB0] =	vst v13;
	v13 =	vld.idx.msk [tilespmem:v33+s10+$0x0], $0xffff  }
0xb8: {  	s11 =	spop (v2sf)  }
0xb9: {  	[tilespmem:$0x1FEE0] =	vst v34;
	s6 =	sand.u32 $0xFFFFF80, s11  }
0xba: {  	v28 =	vld.idx.msk [tilespmem:v9+s10+$0x0], $0xffff;
	s4 =	sadd.s32 s0, s6;
	[tilespmem:$0x1FED0] =	vst v14  }
0xbb: {  	[tilespmem:$0x1FDC0] =	vst v35;
	v33 =	vld.idx.msk [tilespmem:v11+s18+$0x0], $0xffff;
	[tilespmem:s18], [sflag:$0x7] =	stream.strided.gather [hbm4b:s4+s13], $0x2000, s12, s13, $0x38  }
0xbc: {  	[tilespmem:$0x1FDD0] =	vst v13  }
0xbd: {  	_ =	swait.ge [sflag:s29], $0x2000  }
0xbe: {  	(v2sf) =	vpush v12, $0x5;
	_ =	sdelay $0x6  }
0xbf: {  	s7 =	sadd.s32 $0xFFFFFFF6, s9  }
0xc0: {  	v9 =	vmov s7  }
0xc1: {  	v11 =	vshll.u32 v9, $0x3  }
0xc2: {  	v9 =	vand.u32 $0x75, v9;
	v11 =	vand.u32 $0xC00, v11;
	(v2sf) =	vpush v12, $0xD  }
0xc3: {  	v9 =	vor.u32 v9, v11  }
0xc4: {  	v11 =	vor.u32 v1, v9;
	_ =	sdelay $0x2  }
0xc5: {  	[sflag:s29] =	ssyncset.done $0x0;
	s24 =	spop (v2sf)  }
0xc6: {  	v15 =	vor.u32 v3, v9;
	[sflag:s29] =	ssyncadd.s32 $0xFFFFE000;
	s4 =	sand.u32 $0x7F, s24  }
0xc7: {  	v11 =	vld.idx.msk [tilespmem:v11+s10+$0x0], $0xffff;
	v36 =	vor.u32 s4, v45  }
0xc8: {  	v37 =	vor.u32 s4, v2;
	_ =	sdelay $0x1  }
0xc9: {  	v38 =	vor.u32 v5, v9  }
0xca: {  	v39 =	vld.idx.msk [tilespmem:v15+s10+$0x0], $0xffff;
	v16 =	vor.u32 s4, v4  }
0xcb: {  	[tilespmem:$0x1FF00] =	vst v11;
	v11 =	vor.u32 s4, v6;
	v13 =	vld.idx.msk [tilespmem:v36+s19+$0x0], $0xffff  }
0xcc: {  	v9 =	vor.u32 v7, v9;
	v14 =	vld.idx.msk [tilespmem:v37+s19+$0x0], $0xffff;
	_ =	sdelay $0x1  }
0xcd: {  	v27 =	vld.idx.msk [tilespmem:v38+s10+$0x0], $0xffff;
	s7 =	spop (v2sf)  }
0xce: {  	[tilespmem:$0x1FF20] =	vst v39;
	s5 =	sand.u32 $0xFFFFF80, s7;
	v29 =	vld.idx.msk [tilespmem:v16+s19+$0x0], $0xffff  }
0xcf: {  	s4 =	sadd.s32 s0, s5;
	v15 =	vld.idx.msk [tilespmem:v11+s19+$0x0], $0xffff;
	[tilespmem:$0x1FEF0] =	vst v13  }
0xd0: {  	[tilespmem:$0x1FF10] =	vst v14;
	v14 =	vld.idx.msk [tilespmem:v9+s10+$0x0], $0xffff;
	[tilespmem:s19], [sflag:$0x8] =	stream.strided.gather [hbm4b:s4+s13], $0x2000, s12, s13, $0x38  }
0xd1: {  	_ =	swait.ge [sflag:s30], $0x2000  }
0xd2: {  	(v2sf) =	vpush v12, $0x6;
	_ =	sdelay $0x6  }
0xd3: {  	s6 =	sadd.s32 $0xFFFFFFF7, s9  }
0xd4: {  	v9 =	vmov s6  }
0xd5: {  	v11 =	vshll.u32 v9, $0x3  }
0xd6: {  	v9 =	vand.u32 $0x76, v9;
	v11 =	vand.u32 $0xC00, v11  }
0xd7: {  	v9 =	vor.u32 v9, v11  }
0xd8: {  	v11 =	vor.u32 v1, v9;
	_ =	sdelay $0x1  }
0xd9: {  	(v2sf) =	vpush v12, $0xE  }
0xda: {  	[sflag:s30] =	ssyncset.done $0x0;
	s24 =	spop (v2sf)  }
0xdb: {  	[sflag:s30] =	ssyncadd.s32 $0xFFFFE000;
	s4 =	sand.u32 $0x7F, s24  }
0xdc: {  	v11 =	vld.idx.msk [tilespmem:v11+s10+$0x0], $0xffff;
	v16 =	vor.u32 s4, v2;
	_ =	sdelay $0x3  }
0xdd: {  	v40 =	vor.u32 s4, v45  }
0xde: {  	v19 =	vor.u32 v3, v9;
	[tilespmem:$0x1FF40] =	vst v11;
	v11 =	vld.idx.msk [tilespmem:v16+s20+$0x0], $0xffff;
	_ =	sdelay $0x1  }
0xdf: {  	v21 =	vor.u32 v5, v9;
	v9 =	vor.u32 v7, v9  }
0xe0: {  	v22 =	vor.u32 s4, v6  }
0xe1: {  	v20 =	vor.u32 s4, v4;
	v13 =	vld.idx.msk [tilespmem:v40+s20+$0x0], $0xffff  }
0xe2: {  	[tilespmem:$0x1FF50] =	vst v11;
	v11 =	vld.idx.msk [tilespmem:v19+s10+$0x0], $0xffff;
	_ =	sdelay $0x1  }
0xe3: {  	v55 =	vld.idx.msk [tilespmem:v9+s10+$0x0], $0xffff;
	s6 =	spop (v2sf)  }
0xe4: {  	s5 =	sand.u32 $0xFFFFF80, s6;
	v54 =	vld.idx.msk [tilespmem:v22+s20+$0x0], $0xffff  }
0xe5: {  	s4 =	sadd.s32 s0, s5;
	[tilespmem:$0x1FF30] =	vst v13;
	v13 =	vld.idx.msk [tilespmem:v20+s20+$0x0], $0xffff  }
0xe6: {  	[tilespmem:$0x1FF60] =	vst v11;
	v11 =	vld.idx.msk [tilespmem:v21+s10+$0x0], $0xffff;
	[tilespmem:s20], [sflag:$0x9] =	stream.strided.gather [hbm4b:s4+s13], $0x2000, s12, s13, $0x38  }
0xe7: {  	_ =	swait.ge [sflag:s31], $0x2000  }
0xe8: {  	(v2sf) =	vpush v12, $0x7;
	_ =	sdelay $0xa  }
0xe9: {  	s24 =	sadd.s32 $0xFFFFFFF8, s9  }
0xea: {  	v9 =	vmov s24  }
0xeb: {  	v41 =	vshll.u32 v9, $0x3  }
0xec: {  	v9 =	vand.u32 $0x77, v9;
	(v2sf) =	vpush v12, $0xF;
	v12 =	vand.u32 $0xC00, v41  }
0xed: {  	v9 =	vor.u32 v9, v12;
	s5 =	spop (v2sf)  }
0xee: {  	v12 =	vor.u32 v1, v9;
	s4 =	sand.u32 $0x7F, s5  }
0xef: {  	v16 =	vor.u32 s4, v45  }
0xf0: {  	v19 =	vor.u32 s4, v2  }
0xf1: {  	[sflag:s31] =	ssyncset.done $0x0  }
0xf2: {  	[sflag:s31] =	ssyncadd.s32 $0xFFFFE000  }
0xf3: {  	v12 =	vld.idx.msk [tilespmem:v12+s10+$0x0], $0xffff  }
0xf4: {  	v44 =	vor.u32 s4, v6;
	v16 =	vld.idx.msk [tilespmem:v16+s21+$0x0], $0xffff  }
0xf5: {  	v20 =	vor.u32 v3, v9;
	v19 =	vld.idx.msk [tilespmem:v19+s21+$0x0], $0xffff;
	_ =	sdelay $0x2  }
0xf6: {  	[tilespmem:$0x1FF80] =	vst v12;
	v42 =	vor.u32 s4, v4  }
0xf7: {  	v12 =	vld.idx.msk [tilespmem:v44+s21+$0x0], $0xffff;
	[tilespmem:$0x1FF70] =	vst v16;
	v16 =	vor.u32 v5, v9  }
0xf8: {  	[tilespmem:$0x1FFA0] =	vst v19;
	v9 =	vor.u32 v7, v9;
	v19 =	vld.idx.msk [tilespmem:v20+s10+$0x0], $0xffff;
	_ =	sdelay $0x1  }
0xf9: {  	s5 =	spop (v2sf)  }
0xfa: {  	s24 =	sand.u32 $0xFFFFF80, s5;
	v50 =	vld.idx.msk [tilespmem:v42+s21+$0x0], $0xffff  }
0xfb: {  	s4 =	sadd.s32 s0, s24;
	[tilespmem:$0x1FF90] =	vst v12;
	v52 =	vld.idx.msk [tilespmem:v16+s10+$0x0], $0xffff  }
0xfc: {  	[tilespmem:$0x1FFB0] =	vst v19;
	v48 =	vld.idx.msk [tilespmem:v9+s10+$0x0], $0xffff;
	[tilespmem:s21], [sflag:$0xA] =	stream.strided.gather [hbm4b:s4+s13], $0x2000, s12, s13, $0x38  }
0xfd: {  	p0 =	seq.s32 s9, $0x1FF;
	s24 =	sadd.s32 $0xFFFFFFF9, s9;
	_ =	swait.ge [sflag:s23], $0x2000  }
0xfe: {  	v9 =	vmov s24;
	(v2sf) =	vpush @!p0 v8, $0x0  }
0xff: {  	v56 =	vshll.u32 v9, $0x3  }
0x100: {  	v9 =	vand.u32 $0x78, v9;
	v12 =	vand.u32 $0xC00, v56  }
0x101: {  	v9 =	vor.u32 v9, v12  }
0x102: {  	v16 =	vor.u32 v1, v9;
	_ =	sdelay $0x1  }
0x103: {  	s2 =	sand.u32 $0x7F, s2  }
0x104: {  	v57 =	vor.u32 s2, v45;
	[sflag:s23] =	ssyncset.done $0x0  }
0x105: {  	[sflag:s23] =	ssyncadd.s32 $0xFFFFE000;
	v20 =	vor.u32 v3, v9;
	v59 =	vor.u32 v5, v9;
	v9 =	vor.u32 v7, v9  }
0x106: {  	v44 =	vld.idx.msk [tilespmem:v16+s10+$0x0], $0xffff;
	v16 =	vor.u32 s2, v6  }
0x107: {  	v58 =	vor.u32 s2, v4  }
0x108: {  	v19 =	vor.u32 s2, v2  }
0x109: {  	v12 =	vld.idx.msk [tilespmem:v57+s14+$0x0], $0xffff  }
0x10a: {  	v9 =	vld.idx.msk [tilespmem:v9+s10+$0x0], $0xffff  }
0x10b: {  	v22 =	vld.idx.msk [tilespmem:v16+s14+$0x0], $0xffff  }
0x10c: {  	v40 =	vld.idx.msk [tilespmem:v58+s14+$0x0], $0xffff;
	s2 =	spop @!p0 (v2sf)  }
0x10d: {  	s4 =	simm.s32 @!p0 $0x7A1400;
	v41 =	vld.idx.msk [tilespmem:v19+s14+$0x0], $0xffff;
	s2 =	sand.u32 @!p0 $0xFFFFF80, s2  }
0x10e: {  	s24 =	simm.s32 @!p0 $0x8280;
	[tilespmem:$0x1FFC0] =	vst v12;
	v39 =	vld.idx.msk [tilespmem:v20+s10+$0x0], $0xffff;
	s23 =	sadd.s32 @!p0 s0, s2;
	s2 =	simm.s32 @!p0 $0x400  }
0x10f: {  	[tilespmem:$0x1FFE0] =	vst v9;
	v38 =	vld.idx.msk [tilespmem:v59+s10+$0x0], $0xffff;
	[tilespmem:s24], [sflag:$0x3] =	stream.strided.gather @!p0 [hbm4b:s23+s2], $0x2000, s4, s2, $0x38  }
0x110: {  	[tilespmem:$0x1FFD0] =	vst v22;
	s24 =	simm.s32 $0x4;
	s23 =	sadd.s32 $0xFFFFFFFA, s9  }
0x111: {  	_ =	swait.ge [sflag:s24], $0x2000;
	v9 =	vmov s23  }
0x112: {  	(v2sf) =	vpush @!p0 v8, $0x1;
	v23 =	vshll.u32 v9, $0x3  }
0x113: {  	v9 =	vand.u32 $0x79, v9;
	v12 =	vand.u32 $0xC00, v23  }
0x114: {  	v9 =	vor.u32 v9, v12  }
0x115: {  	v16 =	vor.u32 v1, v9;
	_ =	sdelay $0x2  }
0x116: {  	s22 =	sand.u32 $0x7F, s22;
	[sflag:s24] =	ssyncset.done $0x0  }
0x117: {  	v24 =	vor.u32 s22, v45;
	[sflag:s24] =	ssyncadd.s32 $0xFFFFE000  }
0x118: {  	v35 =	vld.idx.msk [tilespmem:v16+s10+$0x0], $0xffff;
	v16 =	vor.u32 s22, v6  }
0x119: {  	v19 =	vor.u32 s22, v2  }
0x11a: {  	v25 =	vor.u32 s22, v4  }
0x11b: {  	v20 =	vor.u32 v3, v9  }
0x11c: {  	v37 =	vld.idx.msk [tilespmem:v24+s15+$0x0], $0xffff;
	v26 =	vor.u32 v5, v9  }
0x11d: {  	v9 =	vor.u32 v7, v9;
	v42 =	vld.idx.msk [tilespmem:v16+s15+$0x0], $0xffff  }
0x11e: {  	v36 =	vld.idx.msk [tilespmem:v19+s15+$0x0], $0xffff  }
0x11f: {  	v32 =	vld.idx.msk [tilespmem:v25+s15+$0x0], $0xffff;
	s22 =	spop @!p0 (v2sf)  }
0x120: {  	v34 =	vld.idx.msk [tilespmem:v20+s10+$0x0], $0xffff;
	s22 =	sand.u32 @!p0 $0xFFFFF80, s22  }
0x121: {  	s23 =	simm.s32 @!p0 $0xA280;
	v31 =	vld.idx.msk [tilespmem:v26+s10+$0x0], $0xffff;
	s22 =	sadd.s32 @!p0 s0, s22  }
0x122: {  	[tilespmem:$0x1FFF0] =	vst v42;
	v42 =	vld.idx.msk [tilespmem:v9+s10+$0x0], $0xffff;
	[tilespmem:s23], [sflag:$0x4] =	stream.strided.gather @!p0 [hbm4b:s22+s2], $0x2000, s4, s2, $0x38  }
0x123: {  	_ =	swait.ge [sflag:s25], $0x2000  }
0x124: {  	(v2sf) =	vpush @!p0 v8, $0x2;
	_ =	sdelay $0x2  }
0x125: {  	s22 =	sadd.s32 $0xFFFFFFFB, s9  }
0x126: {  	v9 =	vmov s22  }
0x127: {  	s3 =	sand.u32 $0x7F, s3;
	v51 =	vshll.u32 v9, $0x3  }
0x128: {  	v56 =	vor.u32 s3, v45;
	v9 =	vand.u32 $0x7A, v9;
	v12 =	vand.u32 $0xC00, v51  }
0x129: {  	v19 =	vor.u32 s3, v2;
	v9 =	vor.u32 v9, v12  }
0x12a: {  	v16 =	vor.u32 v1, v9  }
0x12b: {  	v57 =	vor.u32 s3, v4;
	[sflag:s25] =	ssyncset.done $0x0  }
0x12c: {  	[sflag:s25] =	ssyncadd.s32 $0xFFFFE000;
	v20 =	vor.u32 v3, v9  }
0x12d: {  	v30 =	vld.idx.msk [tilespmem:v56+s16+$0x0], $0xffff;
	v58 =	vor.u32 v5, v9  }
0x12e: {  	v26 =	vld.idx.msk [tilespmem:v19+s16+$0x0], $0xffff;
	v9 =	vor.u32 v7, v9  }
0x12f: {  	v25 =	vld.idx.msk [tilespmem:v16+s10+$0x0], $0xffff;
	v16 =	vor.u32 s3, v6  }
0x130: {  	v23 =	vld.idx.msk [tilespmem:v57+s16+$0x0], $0xffff  }
0x131: {  	v22 =	vld.idx.msk [tilespmem:v20+s10+$0x0], $0xffff;
	s3 =	spop @!p0 (v2sf)  }
0x132: {  	v21 =	vld.idx.msk [tilespmem:v58+s10+$0x0], $0xffff;
	s3 =	sand.u32 @!p0 $0xFFFFF80, s3  }
0x133: {  	s22 =	simm.s32 @!p0 $0xC280;
	v20 =	vld.idx.msk [tilespmem:v9+s10+$0x0], $0xffff;
	s3 =	sadd.s32 @!p0 s0, s3  }
0x134: {  	v24 =	vld.idx.msk [tilespmem:v16+s16+$0x0], $0xffff;
	[tilespmem:s22], [sflag:$0x5] =	stream.strided.gather @!p0 [hbm4b:s3+s2], $0x2000, s4, s2, $0x38  }
0x135: {  	s22 =	sadd.s32 $0xFFFFFFFC, s9  }
0x136: {  	v9 =	vmov s22  }
0x137: {  	v59 =	vshll.u32 v9, $0x3  }
0x138: {  	s22 =	sand.u32 $0x7F, s8;
	v9 =	vand.u32 $0x7B, v9;
	v12 =	vand.u32 $0xC00, v59  }
0x139: {  	v12 =	vor.u32 v9, v12;
	v9 =	vor.u32 s22, v45;
	_ =	sdelay $0x1  }
0x13a: {  	_ =	swait.ge [sflag:s26], $0x2000  }
0x13b: {  	[sflag:s26] =	ssyncset.done $0x0  }
0x13c: {  	[sflag:s26] =	ssyncadd.s32 $0xFFFFE000  }
0x13d: {  	v16 =	vor.u32 v1, v12;
	v19 =	vld.idx.msk [tilespmem:v9+s17+$0x0], $0xffff  }
0x13e: {  	(v2sf) =	vpush @!p0 v8, $0x3;
	v9 =	vld [tilespmem:$0x1FD20];
	_ =	sdelay $0x2  }
0x13f: {  	v59 =	vor.u32 v5, v12  }
0x140: {  	v51 =	vld.idx.msk [tilespmem:v16+s10+$0x0], $0xffff;
	v16 =	vor.u32 s22, v6  }
0x141: {  	v60 =	vsub.f32 v9, v60  }
0x142: {  	v9 =	vld [tilespmem:$0x1FD30]  }
0x143: {  	v60 =	vmul.f32 v60, v60  }
0x144: {  	v43 =	vsub.f32 v46, v43;
	v56 =	vor.u32 s22, v2;
	v46 =	vld.idx.msk [tilespmem:v59+s10+$0x0], $0xffff  }
0x145: {  	v57 =	vor.u32 v3, v12;
	v12 =	vor.u32 v7, v12;
	v59 =	vadd.f32 v60, v18;
	v18 =	vld.idx.msk [tilespmem:v16+s17+$0x0], $0xffff  }
0x146: {  	v16 =	vld [tilespmem:$0x1FD50]  }
0x147: {  	v60 =	vsub.f32 v53, v9;
	v9 =	vld [tilespmem:$0x1FD40]  }
0x148: {  	v58 =	vor.u32 s22, v4  }
0x149: {  	v43 =	vmul.f32 v43, v43;
	v56 =	vld.idx.msk [tilespmem:v56+s17+$0x0], $0xffff  }
0x14a: {  	v53 =	vld.idx.msk [tilespmem:v12+s10+$0x0], $0xffff  }
0x14b: {  	s3 =	spop @!p0 (v2sf);
	v12 =	vadd.f32 v43, v59;
	v43 =	vsub.f32 v47, v62;
	v62 =	vmul.f32 v60, v60;
	v60 =	vld [tilespmem:$0x1FD70]  }
0x14c: {  	s3 =	sand.u32 @!p0 $0xFFFFF80, s3;
	v16 =	vsub.f32 v16, v9;
	v9 =	vld [tilespmem:$0x1FD60]  }
0x14d: {  	s8 =	simm.s32 @!p0 $0xE280;
	v58 =	vld.idx.msk [tilespmem:v58+s17+$0x0], $0xffff;
	s3 =	sadd.s32 @!p0 s0, s3  }
0x14e: {  	v57 =	vld.idx.msk [tilespmem:v57+s10+$0x0], $0xffff;
	[tilespmem:s8], [sflag:$0x6] =	stream.strided.gather @!p0 [hbm4b:s3+s2], $0x2000, s4, s2, $0x38  }
0x14f: {  	_ =	swait.ge [sflag:s28], $0x2000  }
0x150: {  	v47 =	vld [tilespmem:$0x1FD90]  }
0x151: {  	v59 =	vsub.f32 v60, v9;
	v9 =	vld [tilespmem:$0x1FD80];
	_ =	sdelay $0x1  }
0x152: {  	v16 =	vmul.f32 v16, v16;
	_ =	sdelay $0x1  }
0x153: {  	v16 =	vadd.f32 v16, v17;
	v17 =	vmul.f32 v59, v59;
	v59 =	vld [tilespmem:$0x1FDB0]  }
0x154: {  	v28 =	vsub.f32 v28, v33;
	v33 =	vsub.f32 v47, v9;
	v9 =	vld [tilespmem:$0x1FDA0]  }
0x155: {  	v43 =	vmul.f32 v43, v43;
	v12 =	vadd.f32 v62, v12  }
0x156: {  	s8 =	sadd.s32 $0xFFFFFFFD, s9  }
0x157: {  	v62 =	vmov s8;
	v12 =	vadd.f32 v43, v12  }
0x158: {  	v43 =	vand.u32 $0x7C, v62;
	v60 =	vld [tilespmem:$0x1FDD0];
	v16 =	vadd.f32 v17, v16;
	v17 =	vshll.u32 v62, $0x3  }
0x159: {  	v17 =	vand.u32 $0xC00, v17;
	v33 =	vmul.f32 v33, v33;
	v47 =	vsub.f32 v59, v9;
	v9 =	vld [tilespmem:$0x1FDC0]  }
0x15a: {  	v43 =	vor.u32 v43, v17  }
0x15b: {  	v14 =	vsub.f32 v14, v15;
	v15 =	vadd.f32 v33, v16;
	v33 =	vor.u32 v3, v43;
	_ =	sdelay $0x1  }
0x15c: {  	v27 =	vsub.f32 v27, v29;
	(v2sf) =	vpush @!p0 v8, $0x4;
	v59 =	vor.u32 v1, v43  }
0x15d: {  	[sflag:s28] =	ssyncset.done $0x0;
	v16 =	vmul.f32 v47, v47;
	v47 =	vsub.f32 v55, v54;
	v54 =	vsub.f32 v60, v9;
	v9 =	vld [tilespmem:$0x1FDE0]  }
0x15e: {  	[sflag:s28] =	ssyncadd.s32 $0xFFFFE000  }
0x15f: {  	s11 =	sand.u32 $0x7F, s11;
	v29 =	vmul.f32 v47, v47;
	v47 =	vmul.f32 v27, v27;
	v27 =	vld.idx.msk [tilespmem:v33+s10+$0x0], $0xffff  }
0x160: {  	v17 =	vmul.f32 v28, v28;
	v28 =	vor.u32 s11, v45;
	v33 =	vsub.f32 v11, v13;
	v11 =	vld [tilespmem:$0x1FE00]  }
0x161: {  	v16 =	vadd.f32 v16, v15;
	v15 =	vld.idx.msk [tilespmem:v59+s10+$0x0], $0xffff  }
0x162: {  	v59 =	vsub.f32 v9, v63;
	v9 =	vld [tilespmem:$0x1FDF0];
	_ =	sdelay $0x1  }
0x163: {  	v62 =	vmul.f32 v54, v54  }
0x164: {  	v12 =	vadd.f32 v17, v12;
	v17 =	vor.u32 s11, v2;
	v60 =	vmul.f32 v14, v14;
	v14 =	vld.idx.msk [tilespmem:v28+s18+$0x0], $0xffff  }
0x165: {  	v28 =	vor.u32 v5, v43;
	v16 =	vadd.f32 v62, v16;
	v62 =	vld [tilespmem:$0x1FE20]  }
0x166: {  	v12 =	vadd.f32 v60, v12;
	v60 =	vsub.f32 v11, v9;
	v9 =	vld [tilespmem:$0x1FE10]  }
0x167: {  	v43 =	vor.u32 v7, v43  }
0x168: {  	v49 =	vsub.f32 v49, v0;
	v0 =	vld [tilespmem:$0x1FE30];
	v54 =	vor.u32 s11, v6  }
0x169: {  	v55 =	vor.u32 s11, v4;
	v17 =	vld.idx.msk [tilespmem:v17+s18+$0x0], $0xffff  }
0x16a: {  	v13 =	vld.idx.msk [tilespmem:v28+s10+$0x0], $0xffff  }
0x16b: {  	s3 =	spop @!p0 (v2sf);
	v59 =	vmul.f32 v59, v59;
	v63 =	vsub.f32 v62, v9;
	v9 =	vld [tilespmem:$0x1FE40]  }
0x16c: {  	s3 =	sand.u32 @!p0 $0xFFFFF80, s3;
	v28 =	vld.idx.msk [tilespmem:v43+s10+$0x0], $0xffff  }
0x16d: {  	s8 =	simm.s32 @!p0 $0x10280;
	s3 =	sadd.s32 @!p0 s0, s3;
	v59 =	vadd.f32 v59, v10;
	v10 =	vld.idx.msk [tilespmem:v54+s18+$0x0], $0xffff  }
0x16e: {  	v11 =	vld.idx.msk [tilespmem:v55+s18+$0x0], $0xffff;
	[tilespmem:s8], [sflag:$0x7] =	stream.strided.gather @!p0 [hbm4b:s3+s2], $0x2000, s4, s2, $0x38;
	v60 =	vmul.f32 v60, v60  }
0x16f: {  	v12 =	vadd.f32 v29, v12;
	_ =	swait.ge [sflag:s29], $0x2000  }
0x170: {  	v29 =	vadd.f32 v60, v59;
	v59 =	vsub.f32 v9, v0;
	v0 =	vld [tilespmem:$0x1FE50]  }
0x171: {  	v9 =	vld [tilespmem:$0x1FE60];
	_ =	sdelay $0x2  }
0x172: {  	v33 =	vmul.f32 v33, v33;
	v16 =	vadd.f32 v47, v16;
	_ =	sdelay $0x1  }
0x173: {  	v16 =	vadd.f32 v33, v16;
	v33 =	vmul.f32 v59, v59;
	v59 =	vsub.f32 v9, v0;
	v0 =	vld [tilespmem:$0x1FE70]  }
0x174: {  	v9 =	vld [tilespmem:$0x1FE80];
	_ =	sdelay $0x2  }
0x175: {  	v60 =	vmul.f32 v63, v63;
	_ =	sdelay $0x1  }
0x176: {  	v29 =	vadd.f32 v60, v29;
	v60 =	vsub.f32 v9, v0;
	v0 =	vld [tilespmem:$0x1FE90]  }
0x177: {  	v9 =	vld [tilespmem:$0x1FEA0];
	_ =	sdelay $0x2  }
0x178: {  	v62 =	vmul.f32 v49, v49;
	_ =	sdelay $0x1  }
0x179: {  	v63 =	vadd.f32 v62, v61;
	v62 =	vsub.f32 v9, v0;
	v0 =	vld [tilespmem:$0x1FEB0]  }
0x17a: {  	v9 =	vld [tilespmem:$0x1FEC0];
	_ =	sdelay $0x2  }
0x17b: {  	v47 =	vmul.f32 v59, v59;
	_ =	sdelay $0x1  }
0x17c: {  	v47 =	vadd.f32 v47, v29;
	v29 =	vsub.f32 v9, v0;
	v0 =	vld [tilespmem:$0x1FED0]  }
0x17d: {  	v9 =	vld [tilespmem:$0x1FEE0];
	_ =	sdelay $0x4  }
0x17e: {  	v49 =	vsub.f32 v9, v0;
	v0 =	vld [tilespmem:$0x1FEF0]  }
0x17f: {  	v9 =	vld [tilespmem:$0x1FF00];
	_ =	sdelay $0x1  }
0x180: {  	s22 =	sadd.s32 $0xFFFFFFFE, s9  }
0x181: {  	v61 =	vmov s22  }
0x182: {  	v54 =	vand.u32 $0x7D, v61  }
0x183: {  	v33 =	vadd.f32 v33, v63;
	v63 =	vshll.u32 v61, $0x3;
	v61 =	vsub.f32 v9, v0;
	v0 =	vld [tilespmem:$0x1FF10]  }
0x184: {  	v9 =	vld [tilespmem:$0x1FF20];
	_ =	sdelay $0x3  }
0x185: {  	v55 =	vand.u32 $0xC00, v63;
	v63 =	vld [tilespmem:$0x1FF40]  }
0x186: {  	v0 =	vsub.f32 v9, v0;
	v9 =	vld [tilespmem:$0x1FF30];
	_ =	sdelay $0x1  }
0x187: {  	v52 =	vsub.f32 v52, v50;
	v50 =	vmul.f32 v60, v60  }
0x188: {  	v60 =	vmul.f32 v49, v49  }
0x189: {  	v33 =	vadd.f32 v50, v33;
	v43 =	vmul.f32 v62, v62  }
0x18a: {  	v54 =	vor.u32 v54, v55;
	v60 =	vadd.f32 v60, v47;
	v47 =	vsub.f32 v63, v9;
	v9 =	vld [tilespmem:$0x1FF50]  }
0x18b: {  	v33 =	vadd.f32 v43, v33;
	v43 =	vor.u32 v3, v54;
	v62 =	vmul.f32 v29, v29;
	v63 =	vld [tilespmem:$0x1FF60];
	_ =	sdelay $0x1  }
0x18c: {  	(v2sf) =	vpush @!p0 v8, $0x5;
	v62 =	vadd.f32 v62, v33;
	v61 =	vmul.f32 v61, v61  }
0x18d: {  	[sflag:s29] =	ssyncset.done $0x0  }
0x18e: {  	[sflag:s29] =	ssyncadd.s32 $0xFFFFE000;
	v61 =	vadd.f32 v61, v62;
	v62 =	vmul.f32 v0, v0;
	v0 =	vld [tilespmem:$0x1FF70]  }
0x18f: {  	s7 =	sand.u32 $0x7F, s7;
	v50 =	vor.u32 v1, v54;
	v63 =	vsub.f32 v63, v9;
	v9 =	vld.idx.msk [tilespmem:v43+s10+$0x0], $0xffff  }
0x190: {  	v29 =	vor.u32 s7, v4;
	v43 =	vld [tilespmem:$0x1FF80];
	_ =	sdelay $0x2  }
0x191: {  	v55 =	vor.u32 s7, v45  }
0x192: {  	v33 =	vld.idx.msk [tilespmem:v50+s10+$0x0], $0xffff;
	v50 =	vor.u32 s7, v6  }
0x193: {  	v43 =	vsub.f32 v43, v0;
	v0 =	vmul.f32 v52, v52;
	v52 =	vld.idx.msk [tilespmem:v29+s19+$0x0], $0xffff  }
0x194: {  	v49 =	vor.u32 v5, v54;
	v29 =	vld [tilespmem:$0x1FF90];
	_ =	sdelay $0x1  }
0x195: {  	v39 =	vsub.f32 v39, v41;
	v59 =	vor.u32 s7, v2;
	v55 =	vld.idx.msk [tilespmem:v55+s19+$0x0], $0xffff  }
0x196: {  	v38 =	vsub.f32 v38, v40;
	v54 =	vor.u32 v7, v54;
	v0 =	vadd.f32 v0, v16;
	v16 =	vld.idx.msk [tilespmem:v50+s19+$0x0], $0xffff  }
0x197: {  	v35 =	vsub.f32 v35, v37;
	v60 =	vadd.f32 v62, v60;
	v62 =	vmul.f32 v63, v63;
	v50 =	vld [tilespmem:$0x1FFA0]  }
0x198: {  	v34 =	vsub.f32 v34, v36;
	s3 =	spop @!p0 (v2sf);
	v29 =	vsub.f32 v48, v29;
	v48 =	vld.idx.msk [tilespmem:v49+s10+$0x0], $0xffff  }
0x199: {  	v39 =	vmul.f32 v39, v39;
	v31 =	vsub.f32 v31, v32;
	s3 =	sand.u32 @!p0 $0xFFFFF80, s3;
	v49 =	vadd.f32 v62, v60;
	v60 =	vld [tilespmem:$0x1FFB0]  }
0x19a: {  	v38 =	vmul.f32 v38, v38;
	v35 =	vmul.f32 v35, v35;
	v25 =	vsub.f32 v25, v30;
	v59 =	vld.idx.msk [tilespmem:v59+s19+$0x0], $0xffff;
	s3 =	sadd.s32 @!p0 s0, s3;
	s7 =	simm.s32 @!p0 $0x12280  }
0x19b: {  	v34 =	vmul.f32 v34, v34;
	v31 =	vmul.f32 v31, v31;
	v22 =	vsub.f32 v22, v26;
	v54 =	vld.idx.msk [tilespmem:v54+s10+$0x0], $0xffff;
	[tilespmem:s7], [sflag:$0x8] =	stream.strided.gather @!p0 [hbm4b:s3+s2], $0x2000, s4, s2, $0x38  }
0x19c: {  	v21 =	vsub.f32 v21, v23;
	v25 =	vmul.f32 v25, v25;
	v47 =	vmul.f32 v47, v47;
	v62 =	vld [tilespmem:$0x1FFC0];
	_ =	swait.ge [sflag:s30], $0x2000  }
0x19d: {  	v22 =	vmul.f32 v22, v22;
	v20 =	vsub.f32 v20, v24;
	(v2sf) =	vpush @!p0 v8, $0x6  }
0x19e: {  	v47 =	vadd.f32 v47, v61;
	v43 =	vmul.f32 v43, v43;
	v50 =	vsub.f32 v60, v50  }
0x19f: {  	v21 =	vmul.f32 v21, v21;
	v20 =	vmul.f32 v20, v20;
	v19 =	vsub.f32 v51, v19;
	s11 =	sand.u32 $0x7F, s6  }
0x1a0: {  	s8 =	sadd.s32 $0xFFFFFFFF, s9;
	v61 =	vor.u32 s11, v45;
	v43 =	vadd.f32 v43, v47;
	v60 =	vld [tilespmem:$0x1FFE0];
	v63 =	vmul.f32 v50, v50  }
0x1a1: {  	v47 =	vmov s8;
	v0 =	vadd.f32 v38, v0;
	v44 =	vsub.f32 v44, v62;
	v50 =	vld [tilespmem:$0x1FFD0]  }
0x1a2: {  	v41 =	vand.u32 $0x7E, v47;
	v40 =	vadd.f32 v63, v49;
	v49 =	vshll.u32 v47, $0x3  }
0x1a3: {  	v29 =	vmul.f32 v29, v29;
	v44 =	vmul.f32 v44, v44;
	v38 =	vand.u32 $0xC00, v49  }
0x1a4: {  	v19 =	vmul.f32 v19, v19;
	v47 =	vor.u32 s11, v4;
	v38 =	vor.u32 v41, v38  }
0x1a5: {  	v12 =	vadd.f32 v29, v12;
	v29 =	vadd.f32 v44, v43;
	v62 =	vor.u32 v1, v38  }
0x1a6: {  	[sflag:s30] =	ssyncset.done $0x0;
	v44 =	vor.u32 s11, v2;
	v39 =	vadd.f32 v39, v40;
	v40 =	vsub.f32 v60, v50  }
0x1a7: {  	v18 =	vsub.f32 v53, v18;
	v14 =	vsub.f32 v15, v14;
	[sflag:s30] =	ssyncadd.s32 $0xFFFFE000;
	v41 =	vor.u32 v3, v38;
	v50 =	vld [tilespmem:$0x1FFF0]  }
0x1a8: {  	v0 =	vadd.f32 v31, v0;
	v31 =	vld.idx.msk [tilespmem:v61+s20+$0x0], $0xffff;
	v49 =	vor.u32 v5, v38;
	v63 =	vmul.f32 v40, v40  }
0x1a9: {  	v11 =	vsub.f32 v13, v11;
	v61 =	vor.u32 s11, v6;
	v29 =	vadd.f32 v35, v29;
	v35 =	vld.idx.msk [tilespmem:v47+s20+$0x0], $0xffff  }
0x1aa: {  	v18 =	vmul.f32 v18, v18;
	v12 =	vadd.f32 v63, v12;
	v63 =	vor.u32 v7, v38;
	v60 =	vld.idx.msk [tilespmem:v62+s10+$0x0], $0xffff  }
0x1ab: {  	v15 =	vsub.f32 v27, v17;
	v14 =	vmul.f32 v14, v14;
	s22 =	sand.u32 $0x7F, s5;
	v11 =	vmul.f32 v11, v11;
	v62 =	vld.idx.msk [tilespmem:v44+s20+$0x0], $0xffff  }
0x1ac: {  	v17 =	vor.u32 s22, v2;
	v37 =	vsub.f32 v42, v50;
	v41 =	vld.idx.msk [tilespmem:v41+s10+$0x0], $0xffff;
	v42 =	vadd.f32 v25, v29;
	s3 =	spop @!p0 (v2sf)  }
0x1ad: {  	v53 =	vor.u32 s22, v4;
	v0 =	vadd.f32 v21, v0;
	v47 =	vsub.f32 v46, v58;
	v43 =	vld.idx.msk [tilespmem:v49+s10+$0x0], $0xffff;
	s3 =	sand.u32 @!p0 $0xFFFFF80, s3  }
0x1ae: {  	s6 =	simm.s32 @!p0 $0x14280;
	v44 =	vld.idx.msk [tilespmem:v61+s20+$0x0], $0xffff;
	v49 =	vmov s9;
	v40 =	vmul.f32 v37, v37;
	s3 =	sadd.s32 @!p0 s0, s3;
	v19 =	vadd.f32 v19, v42  }
0x1af: {  	v34 =	vadd.f32 v34, v39;
	v24 =	vmul.f32 v47, v47;
	v50 =	vor.u32 s22, v45;
	v26 =	vld.idx.msk [tilespmem:v63+s10+$0x0], $0xffff;
	[tilespmem:s6], [sflag:$0x9] =	stream.strided.gather @!p0 [hbm4b:s3+s2], $0x2000, s4, s2, $0x38  }
0x1b0: {  	v29 =	vand.u32 $0x7F, v49;
	v12 =	vadd.f32 v40, v12;
	v14 =	vadd.f32 v14, v19;
	_ =	swait.ge [sflag:s31], $0x2000  }
0x1b1: {  	v19 =	vor.u32 s22, v6;
	(v2sf) =	vpush @!p0 v8, $0x7;
	v8 =	vshll.u32 v49, $0x3  }
0x1b2: {  	v12 =	vadd.f32 v20, v12;
	v20 =	vsub.f32 v57, v56;
	v8 =	vand.u32 $0xC00, v8  }
0x1b3: {  	v22 =	vadd.f32 v22, v34;
	v0 =	vadd.f32 v24, v0;
	[sflag:s31] =	ssyncset.done $0x0;
	v8 =	vor.u32 v29, v8  }
0x1b4: {  	[sflag:s31] =	ssyncadd.s32 $0xFFFFE000;
	v20 =	vmul.f32 v20, v20;
	v12 =	vadd.f32 v18, v12;
	v18 =	vor.u32 v1, v8  }
0x1b5: {  	v15 =	vmul.f32 v15, v15;
	v0 =	vadd.f32 v11, v0;
	v11 =	vld.idx.msk [tilespmem:v17+s21+$0x0], $0xffff;
	v51 =	vor.u32 v3, v8  }
0x1b6: {  	v10 =	vsub.f32 v28, v10;
	v56 =	vor.u32 v5, v8;
	v19 =	vld.idx.msk [tilespmem:v19+s21+$0x0], $0xffff;
	v20 =	vadd.f32 v20, v22  }
0x1b7: {  	v9 =	vsub.f32 v9, v59;
	v8 =	vor.u32 v7, v8;
	v22 =	vld.idx.msk [tilespmem:v50+s21+$0x0], $0xffff  }
0x1b8: {  	v10 =	vmul.f32 v10, v10;
	v57 =	vsub.f32 v33, v55;
	v15 =	vadd.f32 v15, v20;
	v20 =	vld.idx.msk [tilespmem:v53+s21+$0x0], $0xffff  }
0x1b9: {  	v9 =	vmul.f32 v9, v9;
	v16 =	vsub.f32 v54, v16;
	v17 =	vsub.f32 v48, v52;
	v18 =	vld.idx.msk [tilespmem:v18+s10+$0x0], $0xffff  }
0x1ba: {  	v58 =	vsub.f32 v60, v31;
	v10 =	vadd.f32 v10, v12;
	v12 =	vmul.f32 v57, v57;
	v13 =	vld.idx.msk [tilespmem:v51+s10+$0x0], $0xffff  }
0x1bb: {  	v16 =	vmul.f32 v16, v16;
	v23 =	vsub.f32 v41, v62;
	v17 =	vmul.f32 v17, v17;
	v27 =	vld.idx.msk [tilespmem:v56+s10+$0x0], $0xffff  }
0x1bc: {  	v60 =	vsub.f32 v43, v35;
	v59 =	vmul.f32 v58, v58;
	v12 =	vadd.f32 v12, v14;
	v8 =	vld.idx.msk [tilespmem:v8+s10+$0x0], $0xffff  }
0x1bd: {  	v0 =	vadd.f32 v17, v0;
	v9 =	vadd.f32 v9, v15;
	v15 =	vmul.f32 v23, v23  }
0x1be: {  	s9 =	sadd.s32 @!p0 $0x10, s9;
	v10 =	vadd.f32 v16, v10;
	v12 =	vadd.f32 v59, v12  }
0x1bf: {  	p1 =	sne.s32 @!p0 s9, $0x20F;
	v9 =	vadd.f32 v15, v9;
	v15 =	vsub.f32 v26, v44  }
0x1c0: {  	p1 =	por p0, !p1;
	v61 =	vmul.f32 v60, v60;
	v16 =	vsub.f32 v18, v22;
	v11 =	vsub.f32 v13, v11  }
.Ltmp0:
0x1c1: {  	v15 =	vmul.f32 v15, v15;
	v62 =	vsub.f32 v27, v20;
	v8 =	vsub.f32 v8, v19;
	(pc) =	sbr.rel @!p1 .LBB2_2-.Ltmp0, $4  }
0x1c2: {  	v0 =	vadd.f32 v61, v0;
	s3 =	spop @!p0 (v2sf);
	v63 =	vmul.f32 v16, v16;
	v11 =	vmul.f32 v11, v11  }
0x1c3: {  	s1 =	sadd.s32 @!p0 $0x10, s1;
	v15 =	vadd.f32 v15, v10;
	v14 =	vmul.f32 v62, v62;
	v8 =	vmul.f32 v8, v8;
	s3 =	sand.u32 @!p0 $0xFFFFF80, s3  }
0x1c4: {  	s23 =	simm.s32 $0x3;
	s5 =	simm.s32 @!p0 $0x16280;
	s3 =	sadd.s32 @!p0 s0, s3;
	v61 =	vadd.f32 v63, v12;
	v10 =	vadd.f32 v11, v9  }
0x1c5: {  	v17 =	vadd.f32 v14, v0;
	v18 =	vadd.f32 v8, v15;
	[tilespmem:s5], [sflag:$0xA] =	stream.strided.gather @!p0 [hbm4b:s3+s2], $0x2000, s4, s2, $0x38;
	[tilespmem:$0x18300] =	vst v63  }
0x1c6: {  	_ = 	snop  }
0x1c7: {  	v0 =	vadd.f32 v10, v61;
	v8 =	vadd.f32 v18, v17;
	_ =	sdelay $0x1  }
0x1c8: {  	v0 =	vadd.f32 v8, v0;
	_ =	sdelay $0x1  }
0x1c9: {  	v0 =	vmul.f32 $6.103515630e-05, v0  }
0x1ca: {  	s9 =	simm.s32 $0x0  }
0x1cb: {  	s1 =	rddreg [dreg:$0x7];
	s2 =	simm.s32 $0x18280;
	s11 =	simm.s32 $0xB;
	[tilespmem:$0x18280] =	vst v0  }
0x1cc: {  	[hbm4b:s1+s9] =	stream.linear.scatter [tilespmem:s2], [sflag:$0xB], $0x80, $0x38;
	[tilespmem:$0x18300] =	vst v63  }
0x1cd: {  	_ =	swait.ge [sflag:s11], $0x80  }
0x1ce: {  	s3 =	rddreg [dreg:$0x9]  }
0x1cf: {  	s22 =	rddreg [dreg:$0x8];
	s3 =	sadd.s32 $0x1, s3  }
0x1d0: {  	p0 =	sne.s32 s3, s22  }
.Ltmp1:
0x1d1: {  	_ = 	snop;
	(pc) =	sbr.rel @p0 .LBB2_1-.Ltmp1, $3  }
0x1d2: {  	_ =	sdelay $0x1  }
0x1d3: {  	[sflag:s11] =	ssyncset.done $0x0  }
0x1d4: {  	[sflag:s11] =	ssyncadd.s32 $0xFFFFFF80  }
0x1d5: {  	_ =	sfence.sel $0x180000  }
0x1d6: {  	[bflag:$0x0] =	sbarrier.arrive $0xFFFF  }
0x1d7: {  	_ =	strace $0x90000047  }
0x1d8: {  	s0 =	stileid.u32;
	[bflag:$0x2] =	sbarrier.arrive $0xFFFF  }
0x1d9: {  	p0 =	sne.s32 s0, $0x0;
	s0 =	rddreg [dreg:$0x4]  }
0x1da: {  	s0 =	sadd.s32 @!p0 $0x100000, s0  }
0x1db: {  	[sflag:s0] =	ssyncadd.tile.s32 @!p0 $0x1;
	_ =	shalt  }
.Lfunc_end2:
_tile_overlayer_lowered:
.L_overlay_start_2:
0x1dc: {  	(tag) =	ssettag $0x2  }
0x1dd: {  	s0 =	rddreg [dreg:$0x0];
	s2 =	stileid.u32  }
0x1de: {  	s1 =	rddreg [dreg:$0x1];
	p0 =	sne.s32 s2, $0x0  }
0x1df: {  	s3 =	rddreg [dreg:$0x2];
	[bflag:$0x3] =	sbarrier.arrive $0xFFFF;
	s2 =	simm.s32 @!p0 $0x1C0B  }
0x1e0: {  	[timem:s3], [sflag:s2] =	dma.local @!p0 [hbm:s0], s1  }
0x1e1: {  	s0 =	simm.s32 @!p0 $0xB  }
0x1e2: {  	_ =	swait.ge @!p0 [sflag:s0], s1  }
0x1e3: {  	s1 =	ssub.s32 @!p0 $0x0, s1;
	[sflag:s0] =	ssyncset.done @!p0 $0x0  }
0x1e4: {  	[sflag:s0] =	ssyncadd.s32 @!p0 s1  }
0x1e5: {  	[bflag:$0x3] =	sbarrier.arrive $0xFFFF  }
0x1e6: {  	_ =	shalt  }

</sc_bundles>
